<compile_context>
chip_gen: v7x
topology: tpu7x:2x2x1
jax: 0.10.2.dev20260603
libtpu: 0.0.44.dev20260713+nightly
codegen_flags: <defaults>
</compile_context>

<pallas_src>
import functools

import jax
import jax.numpy as jnp
import numpy as np
from jax import lax
from jax.experimental import pallas as pl
from jax.experimental.pallas import tpu as pltpu
from jax.experimental.pallas import tpu_sc as plsc

N = 10000
E = 320000
D = 128
H = 128
A = 16

NC = 2
NS = 16
K = 128
NPAD = 10112
RPT = NPAD // NS
EPT = E // (NC * NS)
CHUNKS = 80
EPT_PAD = CHUNKS * K
EPAD = EPT_PAD * NC * NS

_mesh = plsc.VectorSubcoreMesh(core_axis_name="c", subcore_axis_name="s")


_PIECES = []
_off = 0
while _off < RPT:
    _PIECES.append((_off, min(K, RPT - _off)))
    _off += K


def _sc_agg_body(src_hbm, dstf_hbm, h_hbm, z128_hbm,
                 agg_out, idxs_v, dsts_v, rows_a, rows_b, agg_sh, sem_a, sem_b):
    c = lax.axis_index("c")
    s = lax.axis_index("s")
    wid = c * NS + s
    r0 = s * RPT
    pltpu.sync_copy(z128_hbm, rows_a)
    for off, sz in _PIECES:
        pltpu.sync_copy(rows_a.at[pl.ds(0, sz)], agg_sh.at[pl.ds(r0 + off, sz)])
    pltpu.sync_copy(src_hbm.at[wid], idxs_v)
    plsc.subcore_barrier()

    def gather(j, buf, sem):
        return pltpu.make_async_copy(h_hbm.at[idxs_v.at[j]], buf, sem)

    def dst_load(j, slot):
        pltpu.sync_copy(dstf_hbm.at[pl.ds((wid * CHUNKS + j) * K, K)],
                        dsts_v.at[slot])

    def scatter(slot, buf):
        pltpu.sync_copy(buf, agg_sh.at[dsts_v.at[slot]], add=True)

    gather(0, rows_a, sem_a).start()

    def pair(i, carry):
        j = 2 * i
        gather(j + 1, rows_b, sem_b).start()
        dst_load(j, 0)
        gather(j, rows_a, sem_a).wait()
        scatter(0, rows_a)
        gather(j + 2, rows_a, sem_a).start()
        dst_load(j + 1, 1)
        gather(j + 1, rows_b, sem_b).wait()
        scatter(1, rows_b)
        return carry

    lax.fori_loop(0, CHUNKS // 2 - 1, pair, 0)
    j = CHUNKS - 2
    gather(j + 1, rows_b, sem_b).start()
    dst_load(j, 0)
    gather(j, rows_a, sem_a).wait()
    scatter(0, rows_a)
    dst_load(j + 1, 1)
    gather(j + 1, rows_b, sem_b).wait()
    scatter(1, rows_b)
    plsc.subcore_barrier()
    for off, sz in _PIECES:
        pltpu.sync_copy(agg_sh.at[pl.ds(r0 + off, sz)], rows_a.at[pl.ds(0, sz)])
        pltpu.sync_copy(rows_a.at[pl.ds(0, sz)], agg_out.at[c, pl.ds(r0 + off, sz)])


DW = H


def _sc_deg_body(dst_hbm, ones_hbm, z128_hbm,
                 deg_out, idxd_v, rows_v, deg_sh, sem):
    c = lax.axis_index("c")
    s = lax.axis_index("s")
    wid = c * NS + s
    r0 = s * RPT
    pltpu.sync_copy(z128_hbm, rows_v)
    for off, sz in _PIECES:
        pltpu.sync_copy(rows_v.at[pl.ds(0, sz)], deg_sh.at[pl.ds(r0 + off, sz)])
    pltpu.sync_copy(ones_hbm, rows_v)
    pltpu.sync_copy(dst_hbm.at[wid], idxd_v)
    plsc.subcore_barrier()

    def chunk(j, carry):
        pltpu.sync_copy(rows_v, deg_sh.at[idxd_v.at[j]], add=True)
        return carry

    lax.fori_loop(0, CHUNKS, chunk, 0)
    plsc.subcore_barrier()
    for off, sz in _PIECES:
        pltpu.sync_copy(deg_sh.at[pl.ds(r0 + off, sz)], rows_v.at[pl.ds(0, sz)])
        pltpu.sync_copy(rows_v.at[pl.ds(0, sz)], deg_out.at[c, pl.ds(r0 + off, sz)])


_sc_agg = pl.kernel(
    _sc_agg_body,
    out_type=jax.ShapeDtypeStruct((NC, NPAD, H), jnp.float32),
    mesh=_mesh,
    scratch_types=[
        pltpu.VMEM((CHUNKS, K), jnp.int32),
        pltpu.VMEM((8, K), jnp.int32),
        pltpu.VMEM((K, H), jnp.float32),
        pltpu.VMEM((K, H), jnp.float32),
        pltpu.VMEM_SHARED((NPAD, H), jnp.float32),
        pltpu.SemaphoreType.DMA,
        pltpu.SemaphoreType.DMA,
    ],
)

_sc_deg = pl.kernel(
    _sc_deg_body,
    out_type=jax.ShapeDtypeStruct((NC, NPAD, DW), jnp.float32),
    mesh=_mesh,
    scratch_types=[
        pltpu.VMEM((CHUNKS, K), jnp.int32),
        pltpu.VMEM((K, DW), jnp.float32),
        pltpu.VMEM_SHARED((NPAD, DW), jnp.float32),
        pltpu.SemaphoreType.DMA,
    ],
)


NB = 1000


def _enc_body(x_ref, w_ref, b_ref, o_ref):
    o_ref[...] = jnp.maximum(
        jnp.dot(x_ref[...], w_ref[...], preferred_element_type=jnp.float32)
        + b_ref[...], 0.0)


def _upd_body(h_ref, a0_ref, a1_ref, d0_ref, d1_ref, ws_ref, wn_ref, b_ref, o_ref):
    deg = jnp.maximum(d0_ref[...] + d1_ref[...], 1.0)
    agg = (a0_ref[0] + a1_ref[0]) / deg
    o_ref[...] = jnp.maximum(
        jnp.dot(h_ref[...], ws_ref[...], preferred_element_type=jnp.float32)
        + jnp.dot(agg, wn_ref[...], preferred_element_type=jnp.float32)
        + b_ref[...], 0.0)


def _fin_body(h_ref, a0_ref, a1_ref, d0_ref, d1_ref, ws_ref, wn_ref, b_ref,
              cad_ref, wad_ref, bad_ref, m_ref, o_ref):
    deg = jnp.maximum(d0_ref[...] + d1_ref[...], 1.0)
    agg = (a0_ref[0] + a1_ref[0]) / deg
    h2 = jnp.maximum(
        jnp.dot(h_ref[...], ws_ref[...], preferred_element_type=jnp.float32)
        + jnp.dot(agg, wn_ref[...], preferred_element_type=jnp.float32)
        + b_ref[...], 0.0)
    ad = jnp.maximum(
        jnp.dot(cad_ref[...], wad_ref[...], preferred_element_type=jnp.float32)
        + bad_ref[...], 0.0)
    logits = jnp.sum(h2 * ad, axis=1, keepdims=True) * (1.0 / np.sqrt(float(H)))
    o_ref[...] = jnp.where(m_ref[...] > 0.0, logits, jnp.float32(-1e9))


def _row_spec(width):
    return pl.BlockSpec((NB, width), lambda i: (i, 0))


def _full_spec(r, c_):
    return pl.BlockSpec((r, c_), lambda i: (0, 0))


def _part_spec(core):
    return pl.BlockSpec((1, NB, H), lambda i, c_=core: (c_, i, 0))


_enc = pl.pallas_call(
    _enc_body,
    grid=(N // NB,),
    in_specs=[_row_spec(D), _full_spec(D, H), _full_spec(1, H)],
    out_specs=_row_spec(H),
    out_shape=jax.ShapeDtypeStruct((N, H), jnp.float32),
)

_upd = pl.pallas_call(
    _upd_body,
    grid=(N // NB,),
    in_specs=[_row_spec(H), _part_spec(0), _part_spec(1), _row_spec(1), _row_spec(1),
              _full_spec(H, H), _full_spec(H, H), _full_spec(1, H)],
    out_specs=_row_spec(H),
    out_shape=jax.ShapeDtypeStruct((N, H), jnp.float32),
)

_fin = pl.pallas_call(
    _fin_body,
    grid=(N // NB,),
    in_specs=[_row_spec(H), _part_spec(0), _part_spec(1), _row_spec(1), _row_spec(1),
              _full_spec(H, H), _full_spec(H, H), _full_spec(1, H),
              _full_spec(1, A), _full_spec(A, H), _full_spec(1, H), _row_spec(1)],
    out_specs=_row_spec(1),
    out_shape=jax.ShapeDtypeStruct((N, 1), jnp.float32),
)


def kernel(graph_nodes, graph_edge_links, mask, current_ad, W_enc, b_enc,
           W_self1, W_nbr1, b1, W_self2, W_nbr2, b2, W_ad, b_ad):
    outs = []
    for bi in range(graph_nodes.shape[0]):
        x = graph_nodes[bi]
        src = graph_edge_links[bi, 0]
        dst = graph_edge_links[bi, 1]
        pad = EPAD - E
        pr = jnp.arange(pad, dtype=jnp.int32)
        src_r = jnp.concatenate([src, pr % N]).reshape(NC * NS, CHUNKS, K)
        dst_f = jnp.concatenate([dst, N + pr % (NPAD - N)])
        dst_r = dst_f.reshape(NC * NS, CHUNKS, K)
        z128 = jnp.zeros((K, H), jnp.float32)
        ones128 = jnp.ones((K, H), jnp.float32)

        degp = _sc_deg(dst_r, ones128, z128)
        h0 = _enc(x, W_enc, b_enc.reshape(1, H))
        agg1 = _sc_agg(src_r, dst_f, h0, z128)
        d0 = degp[0, :N, 0:1]
        d1 = degp[1, :N, 0:1]
        h1 = _upd(h0, agg1, agg1, d0, d1,
                  W_self1, W_nbr1, b1.reshape(1, H))
        agg2 = _sc_agg(src_r, dst_f, h1, z128)
        logits = _fin(h1, agg2, agg2, d0, d1,
                      W_self2, W_nbr2, b2.reshape(1, H),
                      current_ad[bi:bi + 1], W_ad, b_ad.reshape(1, H),
                      mask[bi].reshape(N, 1).astype(jnp.float32))
        outs.append(logits.reshape(N))
    return jnp.stack(outs, axis=0)

# --- scband reference (transcript-rebuilt; emitter-appended) ---
"""Pipeline reference for scband-billboard-allocator-gnn-1623497638440 (READ-ONLY COPY).

The authoritative reference and input builder live on the scoring server;
editing this copy changes nothing except your own understanding.
"""

import jax, jax.numpy as jnp
import numpy as np

B, N, E, D, A, H = 1, 10000, 320000, 128, 16, 128

def setup_inputs(seed: int = 0) -> dict:
    key = jax.random.key(seed)
    ks = jax.random.split(key, 14)
    inp = {}
    inp['graph_nodes'] = jax.random.normal(ks[0], (B, N, D), dtype=jnp.float32)
    inp['graph_edge_links'] = jax.random.randint(ks[1], (B, 2, E), 0, N, dtype=jnp.int32)
    inp['mask'] = jnp.ones((B, N), dtype=bool)
    inp['current_ad'] = jax.random.normal(ks[2], (B, A), dtype=jnp.float32)
    s_in = 1.0 / np.sqrt(D)
    s_h = 1.0 / np.sqrt(H)
    s_a = 1.0 / np.sqrt(A)
    inp['W_enc'] = jax.random.normal(ks[3], (D, H), dtype=jnp.float32) * s_in
    inp['b_enc'] = jnp.zeros((H,), dtype=jnp.float32)
    inp['W_self1'] = jax.random.normal(ks[4], (H, H), dtype=jnp.float32) * s_h
    inp['W_nbr1'] = jax.random.normal(ks[5], (H, H), dtype=jnp.float32) * s_h
    inp['b1'] = jnp.zeros((H,), dtype=jnp.float32)
    inp['W_self2'] = jax.random.normal(ks[6], (H, H), dtype=jnp.float32) * s_h
    inp['W_nbr2'] = jax.random.normal(ks[7], (H, H), dtype=jnp.float32) * s_h
    inp['b2'] = jnp.zeros((H,), dtype=jnp.float32)
    inp['W_ad'] = jax.random.normal(ks[8], (A, H), dtype=jnp.float32) * s_a
    inp['b_ad'] = jnp.zeros((H,), dtype=jnp.float32)
    return inp

def reference(graph_nodes, graph_edge_links, mask, current_ad, W_enc, b_enc, W_self1, W_nbr1, b1, W_self2, W_nbr2, b2, W_ad, b_ad):
    # Billboard allocator GNN in 'na' mode: encode billboard nodes, run 2 rounds of
    # mean-aggregated message passing over the billboard graph, embed the current ad,
    # score each billboard against the ad, and apply the availability mask.
    n_nodes = graph_nodes.shape[1]
    outs = []
    for bi in range(graph_nodes.shape[0]):
        x = graph_nodes[bi]
        src = graph_edge_links[bi, 0]
        dst = graph_edge_links[bi, 1]
        h = jax.nn.relu(x @ W_enc + b_enc)
        deg = jax.ops.segment_sum(jnp.ones((src.shape[0], 1), jnp.float32), dst, num_segments=n_nodes)
        deg = jnp.maximum(deg, 1.0)
        for (Ws, Wn, bb) in ((W_self1, W_nbr1, b1), (W_self2, W_nbr2, b2)):
            msg = jnp.take(h, src, axis=0)                       # gather over edges
            agg = jax.ops.segment_sum(msg, dst, num_segments=n_nodes)  # scatter-add
            agg = agg / deg
            h = jax.nn.relu(h @ Ws + agg @ Wn + bb)
        ad = jax.nn.relu(current_ad[bi] @ W_ad + b_ad)
        logits = (h * ad[None, :]).sum(axis=-1) / jnp.sqrt(jnp.float32(h.shape[-1]))
        logits = jnp.where(mask[bi], logits, jnp.float32(-1e9))
        outs.append(logits)
    return jnp.stack(outs, axis=0)

if __name__ == "__main__":
    import jax
    _d = setup_inputs()
    print(jax.jit(kernel)(*tuple(_d.values())))

</pallas_src>

<mosaic_0001>
#map = affine_map<(d0, d1) -> (0, 0, 0)>
#map1 = affine_map<(d0, d1) -> (0)>
#map2 = affine_map<(d0, d1) -> (0, 0)>
module attributes {stable_mosaic.version = 14 : i64} {
  func.func @_sc_agg_body(%arg0: i32, %arg1: i32, %arg2: memref<32x80x128xi32, #tpu.memory_space<hbm>>, %arg3: memref<327680xi32, #tpu.memory_space<hbm>>, %arg4: memref<10000x128xf32, #tpu.memory_space<hbm>>, %arg5: memref<128x128xf32, #tpu.memory_space<hbm>>, %arg6: memref<2x10112x128xf32, #tpu.memory_space<hbm>>, %arg7: memref<80x128xi32, #tpu.memory_space<vmem>>, %arg8: memref<8x128xi32, #tpu.memory_space<vmem>>, %arg9: memref<128x128xf32, #tpu.memory_space<vmem>>, %arg10: memref<128x128xf32, #tpu.memory_space<vmem>>, %arg11: memref<10112x128xf32, #tpu.memory_space<vmem_shared>>, %arg12: memref<!tpu.dma_semaphore, #tpu.memory_space<semaphore_mem>>, %arg13: memref<!tpu.dma_semaphore, #tpu.memory_space<semaphore_mem>>) attributes {dimension_semantics = [#tpu.dimension_semantics<core_parallel>, #tpu.dimension_semantics<subcore_parallel>], iteration_bounds = array<i64: 2, 16>, scalar_prefetch = 0 : i64, scratch_operands = 7 : i64, tpu.core_type = #tpu.core_type<sc_vector_subcore>, window_params = [{transform_indices = #map}, {transform_indices = #map1}, {transform_indices = #map2}, {transform_indices = #map2}, {transform_indices = #map}]} {
    %mul3A = arith.constant 16 : i32
    %mul3A_0 = arith.muli %arg0, %mul3A : i32
    %add3A = arith.addi %mul3A_0, %arg1 : i32
    %mul3A_1 = arith.constant 632 : i32
    %mul3A_2 = arith.muli %arg1, %mul3A_1 : i32
    "tpu.region"() ({
      %run_scoped3A_80 = tpu.sem_alloc : memref<!tpu.dma_semaphore, #tpu.memory_space<semaphore_mem>>
      tpu.enqueue_dma source(%arg5 : memref<128x128xf32, #tpu.memory_space<hbm>>) target(%arg9 : memref<128x128xf32, #tpu.memory_space<vmem>>) target_semaphore(%run_scoped3A_80 : memref<!tpu.dma_semaphore, #tpu.memory_space<semaphore_mem>>)
      tpu.wait_dma2 semaphore(%run_scoped3A_80 : memref<!tpu.dma_semaphore, #tpu.memory_space<semaphore_mem>>) src(%arg5 : memref<128x128xf32, #tpu.memory_space<hbm>>) dst(%arg9 : memref<128x128xf32, #tpu.memory_space<vmem>>)
      tpu.yield
    }) : () -> ()
    %add3A_3 = arith.constant 0 : i32
    %add3A_4 = arith.addi %mul3A_2, %add3A_3 : i32
    "tpu.region"() ({
      %run_scoped3A_80 = tpu.sem_alloc : memref<!tpu.dma_semaphore, #tpu.memory_space<semaphore_mem>>
      %dma_start3A_81 = arith.constant 0 : i32
      %dma_start3A_82 = arith.constant 0 : i32
      %dma_start3A_83 = tpu.memref_slice %arg9[%dma_start3A_81, %dma_start3A_82] : memref<128x128xf32, #tpu.memory_space<vmem>> -> memref<128x128xf32, #tpu.memory_space<vmem>>
      %dma_start3A_84 = arith.constant 0 : i32
      %dma_start3A_85 = tpu.memref_slice %arg11[%add3A_4, %dma_start3A_84] : memref<10112x128xf32, #tpu.memory_space<vmem_shared>> -> memref<128x128xf32, #tpu.memory_space<vmem_shared>>
      %dma_start3A_86 = arith.constant 0 : i32
      %dma_start3A_87 = tpu.memref_slice %arg11[%add3A_4, %dma_start3A_86] : memref<10112x128xf32, #tpu.memory_space<vmem_shared>> -> memref<128x128xf32, #tpu.memory_space<vmem_shared>>
      %dma_start3A_88 = arith.constant 0 : i32
      %dma_start3A_89 = arith.constant 0 : i32
      %dma_start3A_90 = tpu.memref_slice %arg9[%dma_start3A_88, %dma_start3A_89] : memref<128x128xf32, #tpu.memory_space<vmem>> -> memref<128x128xf32, #tpu.memory_space<vmem>>
      tpu.enqueue_dma source(%dma_start3A_90 : memref<128x128xf32, #tpu.memory_space<vmem>>) target(%dma_start3A_87 : memref<128x128xf32, #tpu.memory_space<vmem_shared>>) target_semaphore(%run_scoped3A_80 : memref<!tpu.dma_semaphore, #tpu.memory_space<semaphore_mem>>)
      %dma_wait3A_91 = arith.constant 0 : i32
      %dma_wait3A_92 = arith.constant 0 : i32
      %dma_wait3A_93 = tpu.memref_slice %arg9[%dma_wait3A_91, %dma_wait3A_92] : memref<128x128xf32, #tpu.memory_space<vmem>> -> memref<128x128xf32, #tpu.memory_space<vmem>>
      %dma_wait3A_94 = arith.constant 0 : i32
      %dma_wait3A_95 = tpu.memref_slice %arg11[%add3A_4, %dma_wait3A_94] : memref<10112x128xf32, #tpu.memory_space<vmem_shared>> -> memref<128x128xf32, #tpu.memory_space<vmem_shared>>
      %dma_wait3A_96 = arith.constant 0 : i32
      %dma_wait3A_97 = tpu.memref_slice %arg11[%add3A_4, %dma_wait3A_96] : memref<10112x128xf32, #tpu.memory_space<vmem_shared>> -> memref<128x128xf32, #tpu.memory_space<vmem_shared>>
      %dma_wait3A_98 = arith.constant 0 : i32
      %dma_wait3A_99 = arith.constant 0 : i32
      %dma_wait3A_100 = tpu.memref_slice %arg9[%dma_wait3A_98, %dma_wait3A_99] : memref<128x128xf32, #tpu.memory_space<vmem>> -> memref<128x128xf32, #tpu.memory_space<vmem>>
      tpu.wait_dma2 semaphore(%run_scoped3A_80 : memref<!tpu.dma_semaphore, #tpu.memory_space<semaphore_mem>>) src(%dma_wait3A_100 : memref<128x128xf32, #tpu.memory_space<vmem>>) dst(%dma_wait3A_97 : memref<128x128xf32, #tpu.memory_space<vmem_shared>>)
      tpu.yield
    }) : () -> ()
    %add3A_5 = arith.constant 128 : i32
    %add3A_6 = arith.addi %mul3A_2, %add3A_5 : i32
    "tpu.region"() ({
      %run_scoped3A_80 = tpu.sem_alloc : memref<!tpu.dma_semaphore, #tpu.memory_space<semaphore_mem>>
      %dma_start3A_81 = arith.constant 0 : i32
      %dma_start3A_82 = arith.constant 0 : i32
      %dma_start3A_83 = tpu.memref_slice %arg9[%dma_start3A_81, %dma_start3A_82] : memref<128x128xf32, #tpu.memory_space<vmem>> -> memref<128x128xf32, #tpu.memory_space<vmem>>
      %dma_start3A_84 = arith.constant 0 : i32
      %dma_start3A_85 = tpu.memref_slice %arg11[%add3A_6, %dma_start3A_84] : memref<10112x128xf32, #tpu.memory_space<vmem_shared>> -> memref<128x128xf32, #tpu.memory_space<vmem_shared>>
      %dma_start3A_86 = arith.constant 0 : i32
      %dma_start3A_87 = tpu.memref_slice %arg11[%add3A_6, %dma_start3A_86] : memref<10112x128xf32, #tpu.memory_space<vmem_shared>> -> memref<128x128xf32, #tpu.memory_space<vmem_shared>>
      %dma_start3A_88 = arith.constant 0 : i32
      %dma_start3A_89 = arith.constant 0 : i32
      %dma_start3A_90 = tpu.memref_slice %arg9[%dma_start3A_88, %dma_start3A_89] : memref<128x128xf32, #tpu.memory_space<vmem>> -> memref<128x128xf32, #tpu.memory_space<vmem>>
      tpu.enqueue_dma source(%dma_start3A_90 : memref<128x128xf32, #tpu.memory_space<vmem>>) target(%dma_start3A_87 : memref<128x128xf32, #tpu.memory_space<vmem_shared>>) target_semaphore(%run_scoped3A_80 : memref<!tpu.dma_semaphore, #tpu.memory_space<semaphore_mem>>)
      %dma_wait3A_91 = arith.constant 0 : i32
      %dma_wait3A_92 = arith.constant 0 : i32
      %dma_wait3A_93 = tpu.memref_slice %arg9[%dma_wait3A_91, %dma_wait3A_92] : memref<128x128xf32, #tpu.memory_space<vmem>> -> memref<128x128xf32, #tpu.memory_space<vmem>>
      %dma_wait3A_94 = arith.constant 0 : i32
      %dma_wait3A_95 = tpu.memref_slice %arg11[%add3A_6, %dma_wait3A_94] : memref<10112x128xf32, #tpu.memory_space<vmem_shared>> -> memref<128x128xf32, #tpu.memory_space<vmem_shared>>
      %dma_wait3A_96 = arith.constant 0 : i32
      %dma_wait3A_97 = tpu.memref_slice %arg11[%add3A_6, %dma_wait3A_96] : memref<10112x128xf32, #tpu.memory_space<vmem_shared>> -> memref<128x128xf32, #tpu.memory_space<vmem_shared>>
      %dma_wait3A_98 = arith.constant 0 : i32
      %dma_wait3A_99 = arith.constant 0 : i32
      %dma_wait3A_100 = tpu.memref_slice %arg9[%dma_wait3A_98, %dma_wait3A_99] : memref<128x128xf32, #tpu.memory_space<vmem>> -> memref<128x128xf32, #tpu.memory_space<vmem>>
      tpu.wait_dma2 semaphore(%run_scoped3A_80 : memref<!tpu.dma_semaphore, #tpu.memory_space<semaphore_mem>>) src(%dma_wait3A_100 : memref<128x128xf32, #tpu.memory_space<vmem>>) dst(%dma_wait3A_97 : memref<128x128xf32, #tpu.memory_space<vmem_shared>>)
      tpu.yield
    }) : () -> ()
    %add3A_7 = arith.constant 256 : i32
    %add3A_8 = arith.addi %mul3A_2, %add3A_7 : i32
    "tpu.region"() ({
      %run_scoped3A_80 = tpu.sem_alloc : memref<!tpu.dma_semaphore, #tpu.memory_space<semaphore_mem>>
      %dma_start3A_81 = arith.constant 0 : i32
      %dma_start3A_82 = arith.constant 0 : i32
      %dma_start3A_83 = tpu.memref_slice %arg9[%dma_start3A_81, %dma_start3A_82] : memref<128x128xf32, #tpu.memory_space<vmem>> -> memref<128x128xf32, #tpu.memory_space<vmem>>
      %dma_start3A_84 = arith.constant 0 : i32
      %dma_start3A_85 = tpu.memref_slice %arg11[%add3A_8, %dma_start3A_84] : memref<10112x128xf32, #tpu.memory_space<vmem_shared>> -> memref<128x128xf32, #tpu.memory_space<vmem_shared>>
      %dma_start3A_86 = arith.constant 0 : i32
      %dma_start3A_87 = tpu.memref_slice %arg11[%add3A_8, %dma_start3A_86] : memref<10112x128xf32, #tpu.memory_space<vmem_shared>> -> memref<128x128xf32, #tpu.memory_space<vmem_shared>>
      %dma_start3A_88 = arith.constant 0 : i32
      %dma_start3A_89 = arith.constant 0 : i32
      %dma_start3A_90 = tpu.memref_slice %arg9[%dma_start3A_88, %dma_start3A_89] : memref<128x128xf32, #tpu.memory_space<vmem>> -> memref<128x128xf32, #tpu.memory_space<vmem>>
      tpu.enqueue_dma source(%dma_start3A_90 : memref<128x128xf32, #tpu.memory_space<vmem>>) target(%dma_start3A_87 : memref<128x128xf32, #tpu.memory_space<vmem_shared>>) target_semaphore(%run_scoped3A_80 : memref<!tpu.dma_semaphore, #tpu.memory_space<semaphore_mem>>)
      %dma_wait3A_91 = arith.constant 0 : i32
      %dma_wait3A_92 = arith.constant 0 : i32
      %dma_wait3A_93 = tpu.memref_slice %arg9[%dma_wait3A_91, %dma_wait3A_92] : memref<128x128xf32, #tpu.memory_space<vmem>> -> memref<128x128xf32, #tpu.memory_space<vmem>>
      %dma_wait3A_94 = arith.constant 0 : i32
      %dma_wait3A_95 = tpu.memref_slice %arg11[%add3A_8, %dma_wait3A_94] : memref<10112x128xf32, #tpu.memory_space<vmem_shared>> -> memref<128x128xf32, #tpu.memory_space<vmem_shared>>
      %dma_wait3A_96 = arith.constant 0 : i32
      %dma_wait3A_97 = tpu.memref_slice %arg11[%add3A_8, %dma_wait3A_96] : memref<10112x128xf32, #tpu.memory_space<vmem_shared>> -> memref<128x128xf32, #tpu.memory_space<vmem_shared>>
      %dma_wait3A_98 = arith.constant 0 : i32
      %dma_wait3A_99 = arith.constant 0 : i32
      %dma_wait3A_100 = tpu.memref_slice %arg9[%dma_wait3A_98, %dma_wait3A_99] : memref<128x128xf32, #tpu.memory_space<vmem>> -> memref<128x128xf32, #tpu.memory_space<vmem>>
      tpu.wait_dma2 semaphore(%run_scoped3A_80 : memref<!tpu.dma_semaphore, #tpu.memory_space<semaphore_mem>>) src(%dma_wait3A_100 : memref<128x128xf32, #tpu.memory_space<vmem>>) dst(%dma_wait3A_97 : memref<128x128xf32, #tpu.memory_space<vmem_shared>>)
      tpu.yield
    }) : () -> ()
    %add3A_9 = arith.constant 384 : i32
    %add3A_10 = arith.addi %mul3A_2, %add3A_9 : i32
    "tpu.region"() ({
      %run_scoped3A_80 = tpu.sem_alloc : memref<!tpu.dma_semaphore, #tpu.memory_space<semaphore_mem>>
      %dma_start3A_81 = arith.constant 0 : i32
      %dma_start3A_82 = arith.constant 0 : i32
      %dma_start3A_83 = tpu.memref_slice %arg9[%dma_start3A_81, %dma_start3A_82] : memref<128x128xf32, #tpu.memory_space<vmem>> -> memref<128x128xf32, #tpu.memory_space<vmem>>
      %dma_start3A_84 = arith.constant 0 : i32
      %dma_start3A_85 = tpu.memref_slice %arg11[%add3A_10, %dma_start3A_84] : memref<10112x128xf32, #tpu.memory_space<vmem_shared>> -> memref<128x128xf32, #tpu.memory_space<vmem_shared>>
      %dma_start3A_86 = arith.constant 0 : i32
      %dma_start3A_87 = tpu.memref_slice %arg11[%add3A_10, %dma_start3A_86] : memref<10112x128xf32, #tpu.memory_space<vmem_shared>> -> memref<128x128xf32, #tpu.memory_space<vmem_shared>>
      %dma_start3A_88 = arith.constant 0 : i32
      %dma_start3A_89 = arith.constant 0 : i32
      %dma_start3A_90 = tpu.memref_slice %arg9[%dma_start3A_88, %dma_start3A_89] : memref<128x128xf32, #tpu.memory_space<vmem>> -> memref<128x128xf32, #tpu.memory_space<vmem>>
      tpu.enqueue_dma source(%dma_start3A_90 : memref<128x128xf32, #tpu.memory_space<vmem>>) target(%dma_start3A_87 : memref<128x128xf32, #tpu.memory_space<vmem_shared>>) target_semaphore(%run_scoped3A_80 : memref<!tpu.dma_semaphore, #tpu.memory_space<semaphore_mem>>)
      %dma_wait3A_91 = arith.constant 0 : i32
      %dma_wait3A_92 = arith.constant 0 : i32
      %dma_wait3A_93 = tpu.memref_slice %arg9[%dma_wait3A_91, %dma_wait3A_92] : memref<128x128xf32, #tpu.memory_space<vmem>> -> memref<128x128xf32, #tpu.memory_space<vmem>>
      %dma_wait3A_94 = arith.constant 0 : i32
      %dma_wait3A_95 = tpu.memref_slice %arg11[%add3A_10, %dma_wait3A_94] : memref<10112x128xf32, #tpu.memory_space<vmem_shared>> -> memref<128x128xf32, #tpu.memory_space<vmem_shared>>
      %dma_wait3A_96 = arith.constant 0 : i32
      %dma_wait3A_97 = tpu.memref_slice %arg11[%add3A_10, %dma_wait3A_96] : memref<10112x128xf32, #tpu.memory_space<vmem_shared>> -> memref<128x128xf32, #tpu.memory_space<vmem_shared>>
      %dma_wait3A_98 = arith.constant 0 : i32
      %dma_wait3A_99 = arith.constant 0 : i32
      %dma_wait3A_100 = tpu.memref_slice %arg9[%dma_wait3A_98, %dma_wait3A_99] : memref<128x128xf32, #tpu.memory_space<vmem>> -> memref<128x128xf32, #tpu.memory_space<vmem>>
      tpu.wait_dma2 semaphore(%run_scoped3A_80 : memref<!tpu.dma_semaphore, #tpu.memory_space<semaphore_mem>>) src(%dma_wait3A_100 : memref<128x128xf32, #tpu.memory_space<vmem>>) dst(%dma_wait3A_97 : memref<128x128xf32, #tpu.memory_space<vmem_shared>>)
      tpu.yield
    }) : () -> ()
    %add3A_11 = arith.constant 512 : i32
    %add3A_12 = arith.addi %mul3A_2, %add3A_11 : i32
    "tpu.region"() ({
      %run_scoped3A_80 = tpu.sem_alloc : memref<!tpu.dma_semaphore, #tpu.memory_space<semaphore_mem>>
      %dma_start3A_81 = arith.constant 0 : i32
      %dma_start3A_82 = arith.constant 0 : i32
      %dma_start3A_83 = tpu.memref_slice %arg9[%dma_start3A_81, %dma_start3A_82] : memref<128x128xf32, #tpu.memory_space<vmem>> -> memref<120x128xf32, #tpu.memory_space<vmem>>
      %dma_start3A_84 = arith.constant 0 : i32
      %dma_start3A_85 = tpu.memref_slice %arg11[%add3A_12, %dma_start3A_84] : memref<10112x128xf32, #tpu.memory_space<vmem_shared>> -> memref<120x128xf32, #tpu.memory_space<vmem_shared>>
      %dma_start3A_86 = arith.constant 0 : i32
      %dma_start3A_87 = tpu.memref_slice %arg11[%add3A_12, %dma_start3A_86] : memref<10112x128xf32, #tpu.memory_space<vmem_shared>> -> memref<120x128xf32, #tpu.memory_space<vmem_shared>>
      %dma_start3A_88 = arith.constant 0 : i32
      %dma_start3A_89 = arith.constant 0 : i32
      %dma_start3A_90 = tpu.memref_slice %arg9[%dma_start3A_88, %dma_start3A_89] : memref<128x128xf32, #tpu.memory_space<vmem>> -> memref<120x128xf32, #tpu.memory_space<vmem>>
      tpu.enqueue_dma source(%dma_start3A_90 : memref<120x128xf32, #tpu.memory_space<vmem>>) target(%dma_start3A_87 : memref<120x128xf32, #tpu.memory_space<vmem_shared>>) target_semaphore(%run_scoped3A_80 : memref<!tpu.dma_semaphore, #tpu.memory_space<semaphore_mem>>)
      %dma_wait3A_91 = arith.constant 0 : i32
      %dma_wait3A_92 = arith.constant 0 : i32
      %dma_wait3A_93 = tpu.memref_slice %arg9[%dma_wait3A_91, %dma_wait3A_92] : memref<128x128xf32, #tpu.memory_space<vmem>> -> memref<120x128xf32, #tpu.memory_space<vmem>>
      %dma_wait3A_94 = arith.constant 0 : i32
      %dma_wait3A_95 = tpu.memref_slice %arg11[%add3A_12, %dma_wait3A_94] : memref<10112x128xf32, #tpu.memory_space<vmem_shared>> -> memref<120x128xf32, #tpu.memory_space<vmem_shared>>
      %dma_wait3A_96 = arith.constant 0 : i32
      %dma_wait3A_97 = tpu.memref_slice %arg11[%add3A_12, %dma_wait3A_96] : memref<10112x128xf32, #tpu.memory_space<vmem_shared>> -> memref<120x128xf32, #tpu.memory_space<vmem_shared>>
      %dma_wait3A_98 = arith.constant 0 : i32
      %dma_wait3A_99 = arith.constant 0 : i32
      %dma_wait3A_100 = tpu.memref_slice %arg9[%dma_wait3A_98, %dma_wait3A_99] : memref<128x128xf32, #tpu.memory_space<vmem>> -> memref<120x128xf32, #tpu.memory_space<vmem>>
      tpu.wait_dma2 semaphore(%run_scoped3A_80 : memref<!tpu.dma_semaphore, #tpu.memory_space<semaphore_mem>>) src(%dma_wait3A_100 : memref<120x128xf32, #tpu.memory_space<vmem>>) dst(%dma_wait3A_97 : memref<120x128xf32, #tpu.memory_space<vmem_shared>>)
      tpu.yield
    }) : () -> ()
    "tpu.region"() ({
      %run_scoped3A_80 = tpu.sem_alloc : memref<!tpu.dma_semaphore, #tpu.memory_space<semaphore_mem>>
      %dma_start3A_81 = arith.constant 0 : i32
      %dma_start3A_82 = arith.constant 0 : i32
      %dma_start3A_83 = tpu.memref_slice %arg2[%add3A, %dma_start3A_81, %dma_start3A_82] : memref<32x80x128xi32, #tpu.memory_space<hbm>> -> memref<1x80x128xi32, #tpu.memory_space<hbm>>
      %dma_start3A_84 = tpu.memref_squeeze %dma_start3A_83 : memref<1x80x128xi32, #tpu.memory_space<hbm>> -> memref<80x128xi32, #tpu.memory_space<hbm>>
      %dma_start3A_85 = arith.constant 0 : i32
      %dma_start3A_86 = arith.constant 0 : i32
      %dma_start3A_87 = tpu.memref_slice %arg2[%add3A, %dma_start3A_85, %dma_start3A_86] : memref<32x80x128xi32, #tpu.memory_space<hbm>> -> memref<1x80x128xi32, #tpu.memory_space<hbm>>
      %dma_start3A_88 = tpu.memref_squeeze %dma_start3A_87 : memref<1x80x128xi32, #tpu.memory_space<hbm>> -> memref<80x128xi32, #tpu.memory_space<hbm>>
      tpu.enqueue_dma source(%dma_start3A_88 : memref<80x128xi32, #tpu.memory_space<hbm>>) target(%arg7 : memref<80x128xi32, #tpu.memory_space<vmem>>) target_semaphore(%run_scoped3A_80 : memref<!tpu.dma_semaphore, #tpu.memory_space<semaphore_mem>>)
      %dma_wait3A_89 = arith.constant 0 : i32
      %dma_wait3A_90 = arith.constant 0 : i32
      %dma_wait3A_91 = tpu.memref_slice %arg2[%add3A, %dma_wait3A_89, %dma_wait3A_90] : memref<32x80x128xi32, #tpu.memory_space<hbm>> -> memref<1x80x128xi32, #tpu.memory_space<hbm>>
      %dma_wait3A_92 = tpu.memref_squeeze %dma_wait3A_91 : memref<1x80x128xi32, #tpu.memory_space<hbm>> -> memref<80x128xi32, #tpu.memory_space<hbm>>
      %dma_wait3A_93 = arith.constant 0 : i32
      %dma_wait3A_94 = arith.constant 0 : i32
      %dma_wait3A_95 = tpu.memref_slice %arg2[%add3A, %dma_wait3A_93, %dma_wait3A_94] : memref<32x80x128xi32, #tpu.memory_space<hbm>> -> memref<1x80x128xi32, #tpu.memory_space<hbm>>
      %dma_wait3A_96 = tpu.memref_squeeze %dma_wait3A_95 : memref<1x80x128xi32, #tpu.memory_space<hbm>> -> memref<80x128xi32, #tpu.memory_space<hbm>>
      tpu.wait_dma2 semaphore(%run_scoped3A_80 : memref<!tpu.dma_semaphore, #tpu.memory_space<semaphore_mem>>) src(%dma_wait3A_96 : memref<80x128xi32, #tpu.memory_space<hbm>>) dst(%arg7 : memref<80x128xi32, #tpu.memory_space<vmem>>)
      tpu.yield
    }) : () -> ()
    %barrier3A = arith.constant 0 : index
    tpu.barrier barrier_id(%barrier3A)
    %dma_start3A = arith.constant 0 : i32
    %dma_start3A_13 = arith.constant 0 : i32
    %dma_start3A_14 = tpu.memref_slice %arg7[%dma_start3A, %dma_start3A_13] : memref<80x128xi32, #tpu.memory_space<vmem>> -> memref<1x128xi32, #tpu.memory_space<vmem>>
    %dma_start3A_15 = tpu.memref_squeeze %dma_start3A_14 : memref<1x128xi32, #tpu.memory_space<vmem>> -> memref<128xi32, #tpu.memory_space<vmem>>
    %dma_start3A_16 = arith.constant 0 : i32
    %dma_start3A_17 = arith.constant 0 : i32
    %dma_start3A_18 = tpu.memref_slice %arg4[%dma_start3A_16, %dma_start3A_17] : memref<10000x128xf32, #tpu.memory_space<hbm>> -> memref<10000x128xf32, #tpu.memory_space<hbm>>
    tpu.enqueue_indirect_dma source(%dma_start3A_18 : memref<10000x128xf32, #tpu.memory_space<hbm>>) target(%arg9 : memref<128x128xf32, #tpu.memory_space<vmem>>) offsets(%dma_start3A_15 : memref<128xi32, #tpu.memory_space<vmem>>) semaphore(%arg12 : memref<!tpu.dma_semaphore, #tpu.memory_space<semaphore_mem>>)
    %scan3A = arith.constant 0 : i32
    %scan3A_19 = arith.constant 0 : i32
    %scan3A_20 = arith.constant 39 : i32
    %scan3A_21 = arith.addi %scan3A_19, %scan3A_20 : i32
    %scan3A_22 = arith.constant 1 : i32
    scf.for %scan3A_80 = %scan3A_19 to %scan3A_21 step %scan3A_22  : i32 {
      %mul3A_81 = arith.constant 2 : i32
      %mul3A_82 = arith.muli %mul3A_81, %scan3A_80 : i32
      %add3A_83 = arith.constant 1 : i32
      %add3A_84 = arith.addi %mul3A_82, %add3A_83 : i32
      %dma_start3A_85 = arith.constant 0 : i32
      %dma_start3A_86 = tpu.memref_slice %arg7[%add3A_84, %dma_start3A_85] : memref<80x128xi32, #tpu.memory_space<vmem>> -> memref<1x128xi32, #tpu.memory_space<vmem>>
      %dma_start3A_87 = tpu.memref_squeeze %dma_start3A_86 : memref<1x128xi32, #tpu.memory_space<vmem>> -> memref<128xi32, #tpu.memory_space<vmem>>
      %dma_start3A_88 = arith.constant 0 : i32
      %dma_start3A_89 = arith.constant 0 : i32
      %dma_start3A_90 = tpu.memref_slice %arg4[%dma_start3A_88, %dma_start3A_89] : memref<10000x128xf32, #tpu.memory_space<hbm>> -> memref<10000x128xf32, #tpu.memory_space<hbm>>
      tpu.enqueue_indirect_dma source(%dma_start3A_90 : memref<10000x128xf32, #tpu.memory_space<hbm>>) target(%arg10 : memref<128x128xf32, #tpu.memory_space<vmem>>) offsets(%dma_start3A_87 : memref<128xi32, #tpu.memory_space<vmem>>) semaphore(%arg13 : memref<!tpu.dma_semaphore, #tpu.memory_space<semaphore_mem>>)
      %mul3A_91 = arith.constant 80 : i32
      %mul3A_92 = arith.muli %add3A, %mul3A_91 : i32
      %add3A_93 = arith.addi %mul3A_92, %mul3A_82 : i32
      %mul3A_94 = arith.constant 128 : i32
      %mul3A_95 = arith.muli %add3A_93, %mul3A_94 : i32
      %run_scoped3A_96 = arith.constant 0 : i32
      "tpu.region"() ({
        %run_scoped3A_129 = tpu.sem_alloc : memref<!tpu.dma_semaphore, #tpu.memory_space<semaphore_mem>>
        %dma_start3A_130 = arith.constant 0 : i32
        %dma_start3A_131 = tpu.memref_slice %arg8[%run_scoped3A_96, %dma_start3A_130] : memref<8x128xi32, #tpu.memory_space<vmem>> -> memref<1x128xi32, #tpu.memory_space<vmem>>
        %dma_start3A_132 = tpu.memref_squeeze %dma_start3A_131 : memref<1x128xi32, #tpu.memory_space<vmem>> -> memref<128xi32, #tpu.memory_space<vmem>>
        %dma_start3A_133 = tpu.memref_slice %arg3[%mul3A_95] : memref<327680xi32, #tpu.memory_space<hbm>> -> memref<128xi32, #tpu.memory_space<hbm>>
        %dma_start3A_134 = arith.constant 0 : i32
        %dma_start3A_135 = tpu.memref_slice %arg8[%run_scoped3A_96, %dma_start3A_134] : memref<8x128xi32, #tpu.memory_space<vmem>> -> memref<1x128xi32, #tpu.memory_space<vmem>>
        %dma_start3A_136 = tpu.memref_squeeze %dma_start3A_135 : memref<1x128xi32, #tpu.memory_space<vmem>> -> memref<128xi32, #tpu.memory_space<vmem>>
        %dma_start3A_137 = tpu.memref_slice %arg3[%mul3A_95] : memref<327680xi32, #tpu.memory_space<hbm>> -> memref<128xi32, #tpu.memory_space<hbm>>
        tpu.enqueue_dma source(%dma_start3A_137 : memref<128xi32, #tpu.memory_space<hbm>>) target(%dma_start3A_136 : memref<128xi32, #tpu.memory_space<vmem>>) target_semaphore(%run_scoped3A_129 : memref<!tpu.dma_semaphore, #tpu.memory_space<semaphore_mem>>)
        %dma_wait3A_138 = arith.constant 0 : i32
        %dma_wait3A_139 = tpu.memref_slice %arg8[%run_scoped3A_96, %dma_wait3A_138] : memref<8x128xi32, #tpu.memory_space<vmem>> -> memref<1x128xi32, #tpu.memory_space<vmem>>
        %dma_wait3A_140 = tpu.memref_squeeze %dma_wait3A_139 : memref<1x128xi32, #tpu.memory_space<vmem>> -> memref<128xi32, #tpu.memory_space<vmem>>
        %dma_wait3A_141 = tpu.memref_slice %arg3[%mul3A_95] : memref<327680xi32, #tpu.memory_space<hbm>> -> memref<128xi32, #tpu.memory_space<hbm>>
        %dma_wait3A_142 = arith.constant 0 : i32
        %dma_wait3A_143 = tpu.memref_slice %arg8[%run_scoped3A_96, %dma_wait3A_142] : memref<8x128xi32, #tpu.memory_space<vmem>> -> memref<1x128xi32, #tpu.memory_space<vmem>>
        %dma_wait3A_144 = tpu.memref_squeeze %dma_wait3A_143 : memref<1x128xi32, #tpu.memory_space<vmem>> -> memref<128xi32, #tpu.memory_space<vmem>>
        %dma_wait3A_145 = tpu.memref_slice %arg3[%mul3A_95] : memref<327680xi32, #tpu.memory_space<hbm>> -> memref<128xi32, #tpu.memory_space<hbm>>
        tpu.wait_dma2 semaphore(%run_scoped3A_129 : memref<!tpu.dma_semaphore, #tpu.memory_space<semaphore_mem>>) src(%dma_wait3A_145 : memref<128xi32, #tpu.memory_space<hbm>>) dst(%dma_wait3A_144 : memref<128xi32, #tpu.memory_space<vmem>>)
        tpu.yield
      }) : () -> ()
      %dma_wait3A_97 = arith.constant 0 : i32
      %dma_wait3A_98 = tpu.memref_slice %arg7[%mul3A_82, %dma_wait3A_97] : memref<80x128xi32, #tpu.memory_space<vmem>> -> memref<1x128xi32, #tpu.memory_space<vmem>>
      %dma_wait3A_99 = tpu.memref_squeeze %dma_wait3A_98 : memref<1x128xi32, #tpu.memory_space<vmem>> -> memref<128xi32, #tpu.memory_space<vmem>>
      %dma_wait3A_100 = arith.constant 0 : i32
      %dma_wait3A_101 = arith.constant 0 : i32
      %dma_wait3A_102 = tpu.memref_slice %arg4[%dma_wait3A_100, %dma_wait3A_101] : memref<10000x128xf32, #tpu.memory_space<hbm>> -> memref<10000x128xf32, #tpu.memory_space<hbm>>
      tpu.wait_indirect_dma semaphore(%arg12 : memref<!tpu.dma_semaphore, #tpu.memory_space<semaphore_mem>>) src(%dma_wait3A_102 : memref<10000x128xf32, #tpu.memory_space<hbm>>) dst(%arg9 : memref<128x128xf32, #tpu.memory_space<vmem>>)
      %run_scoped3A_103 = arith.constant 0 : i32
      "tpu.region"() ({
        %run_scoped3A_129 = tpu.sem_alloc : memref<!tpu.dma_semaphore, #tpu.memory_space<semaphore_mem>>
        %dma_start3A_130 = arith.constant 0 : i32
        %dma_start3A_131 = tpu.memref_slice %arg8[%run_scoped3A_103, %dma_start3A_130] : memref<8x128xi32, #tpu.memory_space<vmem>> -> memref<1x128xi32, #tpu.memory_space<vmem>>
        %dma_start3A_132 = tpu.memref_squeeze %dma_start3A_131 : memref<1x128xi32, #tpu.memory_space<vmem>> -> memref<128xi32, #tpu.memory_space<vmem>>
        %dma_start3A_133 = arith.constant 0 : i32
        %dma_start3A_134 = arith.constant 0 : i32
        %dma_start3A_135 = tpu.memref_slice %arg11[%dma_start3A_133, %dma_start3A_134] : memref<10112x128xf32, #tpu.memory_space<vmem_shared>> -> memref<10112x128xf32, #tpu.memory_space<vmem_shared>>
        tpu.enqueue_indirect_dma source(%arg9 : memref<128x128xf32, #tpu.memory_space<vmem>>) target(%dma_start3A_135 : memref<10112x128xf32, #tpu.memory_space<vmem_shared>>) offsets(%dma_start3A_132 : memref<128xi32, #tpu.memory_space<vmem>>) semaphore(%run_scoped3A_129 : memref<!tpu.dma_semaphore, #tpu.memory_space<semaphore_mem>>) {add = true}
        %dma_wait3A_136 = arith.constant 0 : i32
        %dma_wait3A_137 = tpu.memref_slice %arg8[%run_scoped3A_103, %dma_wait3A_136] : memref<8x128xi32, #tpu.memory_space<vmem>> -> memref<1x128xi32, #tpu.memory_space<vmem>>
        %dma_wait3A_138 = tpu.memref_squeeze %dma_wait3A_137 : memref<1x128xi32, #tpu.memory_space<vmem>> -> memref<128xi32, #tpu.memory_space<vmem>>
        %dma_wait3A_139 = arith.constant 0 : i32
        %dma_wait3A_140 = arith.constant 0 : i32
        %dma_wait3A_141 = tpu.memref_slice %arg11[%dma_wait3A_139, %dma_wait3A_140] : memref<10112x128xf32, #tpu.memory_space<vmem_shared>> -> memref<10112x128xf32, #tpu.memory_space<vmem_shared>>
        tpu.wait_indirect_dma semaphore(%run_scoped3A_129 : memref<!tpu.dma_semaphore, #tpu.memory_space<semaphore_mem>>) src(%arg9 : memref<128x128xf32, #tpu.memory_space<vmem>>) dst(%dma_wait3A_141 : memref<10112x128xf32, #tpu.memory_space<vmem_shared>>)
        tpu.yield
      }) : () -> ()
      %add3A_104 = arith.constant 2 : i32
      %add3A_105 = arith.addi %mul3A_82, %add3A_104 : i32
      %dma_start3A_106 = arith.constant 0 : i32
      %dma_start3A_107 = tpu.memref_slice %arg7[%add3A_105, %dma_start3A_106] : memref<80x128xi32, #tpu.memory_space<vmem>> -> memref<1x128xi32, #tpu.memory_space<vmem>>
      %dma_start3A_108 = tpu.memref_squeeze %dma_start3A_107 : memref<1x128xi32, #tpu.memory_space<vmem>> -> memref<128xi32, #tpu.memory_space<vmem>>
      %dma_start3A_109 = arith.constant 0 : i32
      %dma_start3A_110 = arith.constant 0 : i32
      %dma_start3A_111 = tpu.memref_slice %arg4[%dma_start3A_109, %dma_start3A_110] : memref<10000x128xf32, #tpu.memory_space<hbm>> -> memref<10000x128xf32, #tpu.memory_space<hbm>>
      tpu.enqueue_indirect_dma source(%dma_start3A_111 : memref<10000x128xf32, #tpu.memory_space<hbm>>) target(%arg9 : memref<128x128xf32, #tpu.memory_space<vmem>>) offsets(%dma_start3A_108 : memref<128xi32, #tpu.memory_space<vmem>>) semaphore(%arg12 : memref<!tpu.dma_semaphore, #tpu.memory_space<semaphore_mem>>)
      %add3A_112 = arith.constant 1 : i32
      %add3A_113 = arith.addi %mul3A_82, %add3A_112 : i32
      %mul3A_114 = arith.constant 80 : i32
      %mul3A_115 = arith.muli %add3A, %mul3A_114 : i32
      %add3A_116 = arith.addi %mul3A_115, %add3A_113 : i32
      %mul3A_117 = arith.constant 128 : i32
      %mul3A_118 = arith.muli %add3A_116, %mul3A_117 : i32
      %run_scoped3A_119 = arith.constant 1 : i32
      "tpu.region"() ({
        %run_scoped3A_129 = tpu.sem_alloc : memref<!tpu.dma_semaphore, #tpu.memory_space<semaphore_mem>>
        %dma_start3A_130 = arith.constant 0 : i32
        %dma_start3A_131 = tpu.memref_slice %arg8[%run_scoped3A_119, %dma_start3A_130] : memref<8x128xi32, #tpu.memory_space<vmem>> -> memref<1x128xi32, #tpu.memory_space<vmem>>
        %dma_start3A_132 = tpu.memref_squeeze %dma_start3A_131 : memref<1x128xi32, #tpu.memory_space<vmem>> -> memref<128xi32, #tpu.memory_space<vmem>>
        %dma_start3A_133 = tpu.memref_slice %arg3[%mul3A_118] : memref<327680xi32, #tpu.memory_space<hbm>> -> memref<128xi32, #tpu.memory_space<hbm>>
        %dma_start3A_134 = arith.constant 0 : i32
        %dma_start3A_135 = tpu.memref_slice %arg8[%run_scoped3A_119, %dma_start3A_134] : memref<8x128xi32, #tpu.memory_space<vmem>> -> memref<1x128xi32, #tpu.memory_space<vmem>>
        %dma_start3A_136 = tpu.memref_squeeze %dma_start3A_135 : memref<1x128xi32, #tpu.memory_space<vmem>> -> memref<128xi32, #tpu.memory_space<vmem>>
        %dma_start3A_137 = tpu.memref_slice %arg3[%mul3A_118] : memref<327680xi32, #tpu.memory_space<hbm>> -> memref<128xi32, #tpu.memory_space<hbm>>
        tpu.enqueue_dma source(%dma_start3A_137 : memref<128xi32, #tpu.memory_space<hbm>>) target(%dma_start3A_136 : memref<128xi32, #tpu.memory_space<vmem>>) target_semaphore(%run_scoped3A_129 : memref<!tpu.dma_semaphore, #tpu.memory_space<semaphore_mem>>)
        %dma_wait3A_138 = arith.constant 0 : i32
        %dma_wait3A_139 = tpu.memref_slice %arg8[%run_scoped3A_119, %dma_wait3A_138] : memref<8x128xi32, #tpu.memory_space<vmem>> -> memref<1x128xi32, #tpu.memory_space<vmem>>
        %dma_wait3A_140 = tpu.memref_squeeze %dma_wait3A_139 : memref<1x128xi32, #tpu.memory_space<vmem>> -> memref<128xi32, #tpu.memory_space<vmem>>
        %dma_wait3A_141 = tpu.memref_slice %arg3[%mul3A_118] : memref<327680xi32, #tpu.memory_space<hbm>> -> memref<128xi32, #tpu.memory_space<hbm>>
        %dma_wait3A_142 = arith.constant 0 : i32
        %dma_wait3A_143 = tpu.memref_slice %arg8[%run_scoped3A_119, %dma_wait3A_142] : memref<8x128xi32, #tpu.memory_space<vmem>> -> memref<1x128xi32, #tpu.memory_space<vmem>>
        %dma_wait3A_144 = tpu.memref_squeeze %dma_wait3A_143 : memref<1x128xi32, #tpu.memory_space<vmem>> -> memref<128xi32, #tpu.memory_space<vmem>>
        %dma_wait3A_145 = tpu.memref_slice %arg3[%mul3A_118] : memref<327680xi32, #tpu.memory_space<hbm>> -> memref<128xi32, #tpu.memory_space<hbm>>
        tpu.wait_dma2 semaphore(%run_scoped3A_129 : memref<!tpu.dma_semaphore, #tpu.memory_space<semaphore_mem>>) src(%dma_wait3A_145 : memref<128xi32, #tpu.memory_space<hbm>>) dst(%dma_wait3A_144 : memref<128xi32, #tpu.memory_space<vmem>>)
        tpu.yield
      }) : () -> ()
      %add3A_120 = arith.constant 1 : i32
      %add3A_121 = arith.addi %mul3A_82, %add3A_120 : i32
      %dma_wait3A_122 = arith.constant 0 : i32
      %dma_wait3A_123 = tpu.memref_slice %arg7[%add3A_121, %dma_wait3A_122] : memref<80x128xi32, #tpu.memory_space<vmem>> -> memref<1x128xi32, #tpu.memory_space<vmem>>
      %dma_wait3A_124 = tpu.memref_squeeze %dma_wait3A_123 : memref<1x128xi32, #tpu.memory_space<vmem>> -> memref<128xi32, #tpu.memory_space<vmem>>
      %dma_wait3A_125 = arith.constant 0 : i32
      %dma_wait3A_126 = arith.constant 0 : i32
      %dma_wait3A_127 = tpu.memref_slice %arg4[%dma_wait3A_125, %dma_wait3A_126] : memref<10000x128xf32, #tpu.memory_space<hbm>> -> memref<10000x128xf32, #tpu.memory_space<hbm>>
      tpu.wait_indirect_dma semaphore(%arg13 : memref<!tpu.dma_semaphore, #tpu.memory_space<semaphore_mem>>) src(%dma_wait3A_127 : memref<10000x128xf32, #tpu.memory_space<hbm>>) dst(%arg10 : memref<128x128xf32, #tpu.memory_space<vmem>>)
      %run_scoped3A_128 = arith.constant 1 : i32
      "tpu.region"() ({
        %run_scoped3A_129 = tpu.sem_alloc : memref<!tpu.dma_semaphore, #tpu.memory_space<semaphore_mem>>
        %dma_start3A_130 = arith.constant 0 : i32
        %dma_start3A_131 = tpu.memref_slice %arg8[%run_scoped3A_128, %dma_start3A_130] : memref<8x128xi32, #tpu.memory_space<vmem>> -> memref<1x128xi32, #tpu.memory_space<vmem>>
        %dma_start3A_132 = tpu.memref_squeeze %dma_start3A_131 : memref<1x128xi32, #tpu.memory_space<vmem>> -> memref<128xi32, #tpu.memory_space<vmem>>
        %dma_start3A_133 = arith.constant 0 : i32
        %dma_start3A_134 = arith.constant 0 : i32
        %dma_start3A_135 = tpu.memref_slice %arg11[%dma_start3A_133, %dma_start3A_134] : memref<10112x128xf32, #tpu.memory_space<vmem_shared>> -> memref<10112x128xf32, #tpu.memory_space<vmem_shared>>
        tpu.enqueue_indirect_dma source(%arg10 : memref<128x128xf32, #tpu.memory_space<vmem>>) target(%dma_start3A_135 : memref<10112x128xf32, #tpu.memory_space<vmem_shared>>) offsets(%dma_start3A_132 : memref<128xi32, #tpu.memory_space<vmem>>) semaphore(%run_scoped3A_129 : memref<!tpu.dma_semaphore, #tpu.memory_space<semaphore_mem>>) {add = true}
        %dma_wait3A_136 = arith.constant 0 : i32
        %dma_wait3A_137 = tpu.memref_slice %arg8[%run_scoped3A_128, %dma_wait3A_136] : memref<8x128xi32, #tpu.memory_space<vmem>> -> memref<1x128xi32, #tpu.memory_space<vmem>>
        %dma_wait3A_138 = tpu.memref_squeeze %dma_wait3A_137 : memref<1x128xi32, #tpu.memory_space<vmem>> -> memref<128xi32, #tpu.memory_space<vmem>>
        %dma_wait3A_139 = arith.constant 0 : i32
        %dma_wait3A_140 = arith.constant 0 : i32
        %dma_wait3A_141 = tpu.memref_slice %arg11[%dma_wait3A_139, %dma_wait3A_140] : memref<10112x128xf32, #tpu.memory_space<vmem_shared>> -> memref<10112x128xf32, #tpu.memory_space<vmem_shared>>
        tpu.wait_indirect_dma semaphore(%run_scoped3A_129 : memref<!tpu.dma_semaphore, #tpu.memory_space<semaphore_mem>>) src(%arg10 : memref<128x128xf32, #tpu.memory_space<vmem>>) dst(%dma_wait3A_141 : memref<10112x128xf32, #tpu.memory_space<vmem_shared>>)
        tpu.yield
      }) : () -> ()
    }
    %scan3A_23 = arith.constant 39 : i32
    %dma_start3A_24 = arith.constant 79 : i32
    %dma_start3A_25 = arith.constant 0 : i32
    %dma_start3A_26 = tpu.memref_slice %arg7[%dma_start3A_24, %dma_start3A_25] : memref<80x128xi32, #tpu.memory_space<vmem>> -> memref<1x128xi32, #tpu.memory_space<vmem>>
    %dma_start3A_27 = tpu.memref_squeeze %dma_start3A_26 : memref<1x128xi32, #tpu.memory_space<vmem>> -> memref<128xi32, #tpu.memory_space<vmem>>
    %dma_start3A_28 = arith.constant 0 : i32
    %dma_start3A_29 = arith.constant 0 : i32
    %dma_start3A_30 = tpu.memref_slice %arg4[%dma_start3A_28, %dma_start3A_29] : memref<10000x128xf32, #tpu.memory_space<hbm>> -> memref<10000x128xf32, #tpu.memory_space<hbm>>
    tpu.enqueue_indirect_dma source(%dma_start3A_30 : memref<10000x128xf32, #tpu.memory_space<hbm>>) target(%arg10 : memref<128x128xf32, #tpu.memory_space<vmem>>) offsets(%dma_start3A_27 : memref<128xi32, #tpu.memory_space<vmem>>) semaphore(%arg13 : memref<!tpu.dma_semaphore, #tpu.memory_space<semaphore_mem>>)
    %mul3A_31 = arith.constant 80 : i32
    %mul3A_32 = arith.muli %add3A, %mul3A_31 : i32
    %add3A_33 = arith.constant 78 : i32
    %add3A_34 = arith.addi %mul3A_32, %add3A_33 : i32
    %mul3A_35 = arith.constant 128 : i32
    %mul3A_36 = arith.muli %add3A_34, %mul3A_35 : i32
    %run_scoped3A = arith.constant 0 : i32
    "tpu.region"() ({
      %run_scoped3A_80 = tpu.sem_alloc : memref<!tpu.dma_semaphore, #tpu.memory_space<semaphore_mem>>
      %dma_start3A_81 = arith.constant 0 : i32
      %dma_start3A_82 = tpu.memref_slice %arg8[%run_scoped3A, %dma_start3A_81] : memref<8x128xi32, #tpu.memory_space<vmem>> -> memref<1x128xi32, #tpu.memory_space<vmem>>
      %dma_start3A_83 = tpu.memref_squeeze %dma_start3A_82 : memref<1x128xi32, #tpu.memory_space<vmem>> -> memref<128xi32, #tpu.memory_space<vmem>>
      %dma_start3A_84 = tpu.memref_slice %arg3[%mul3A_36] : memref<327680xi32, #tpu.memory_space<hbm>> -> memref<128xi32, #tpu.memory_space<hbm>>
      %dma_start3A_85 = arith.constant 0 : i32
      %dma_start3A_86 = tpu.memref_slice %arg8[%run_scoped3A, %dma_start3A_85] : memref<8x128xi32, #tpu.memory_space<vmem>> -> memref<1x128xi32, #tpu.memory_space<vmem>>
      %dma_start3A_87 = tpu.memref_squeeze %dma_start3A_86 : memref<1x128xi32, #tpu.memory_space<vmem>> -> memref<128xi32, #tpu.memory_space<vmem>>
      %dma_start3A_88 = tpu.memref_slice %arg3[%mul3A_36] : memref<327680xi32, #tpu.memory_space<hbm>> -> memref<128xi32, #tpu.memory_space<hbm>>
      tpu.enqueue_dma source(%dma_start3A_88 : memref<128xi32, #tpu.memory_space<hbm>>) target(%dma_start3A_87 : memref<128xi32, #tpu.memory_space<vmem>>) target_semaphore(%run_scoped3A_80 : memref<!tpu.dma_semaphore, #tpu.memory_space<semaphore_mem>>)
      %dma_wait3A_89 = arith.constant 0 : i32
      %dma_wait3A_90 = tpu.memref_slice %arg8[%run_scoped3A, %dma_wait3A_89] : memref<8x128xi32, #tpu.memory_space<vmem>> -> memref<1x128xi32, #tpu.memory_space<vmem>>
      %dma_wait3A_91 = tpu.memref_squeeze %dma_wait3A_90 : memref<1x128xi32, #tpu.memory_space<vmem>> -> memref<128xi32, #tpu.memory_space<vmem>>
      %dma_wait3A_92 = tpu.memref_slice %arg3[%mul3A_36] : memref<327680xi32, #tpu.memory_space<hbm>> -> memref<128xi32, #tpu.memory_space<hbm>>
      %dma_wait3A_93 = arith.constant 0 : i32
      %dma_wait3A_94 = tpu.memref_slice %arg8[%run_scoped3A, %dma_wait3A_93] : memref<8x128xi32, #tpu.memory_space<vmem>> -> memref<1x128xi32, #tpu.memory_space<vmem>>
      %dma_wait3A_95 = tpu.memref_squeeze %dma_wait3A_94 : memref<1x128xi32, #tpu.memory_space<vmem>> -> memref<128xi32, #tpu.memory_space<vmem>>
      %dma_wait3A_96 = tpu.memref_slice %arg3[%mul3A_36] : memref<327680xi32, #tpu.memory_space<hbm>> -> memref<128xi32, #tpu.memory_space<hbm>>
      tpu.wait_dma2 semaphore(%run_scoped3A_80 : memref<!tpu.dma_semaphore, #tpu.memory_space<semaphore_mem>>) src(%dma_wait3A_96 : memref<128xi32, #tpu.memory_space<hbm>>) dst(%dma_wait3A_95 : memref<128xi32, #tpu.memory_space<vmem>>)
      tpu.yield
    }) : () -> ()
    %dma_wait3A = arith.constant 78 : i32
    %dma_wait3A_37 = arith.constant 0 : i32
    %dma_wait3A_38 = tpu.memref_slice %arg7[%dma_wait3A, %dma_wait3A_37] : memref<80x128xi32, #tpu.memory_space<vmem>> -> memref<1x128xi32, #tpu.memory_space<vmem>>
    %dma_wait3A_39 = tpu.memref_squeeze %dma_wait3A_38 : memref<1x128xi32, #tpu.memory_space<vmem>> -> memref<128xi32, #tpu.memory_space<vmem>>
    %dma_wait3A_40 = arith.constant 0 : i32
    %dma_wait3A_41 = arith.constant 0 : i32
    %dma_wait3A_42 = tpu.memref_slice %arg4[%dma_wait3A_40, %dma_wait3A_41] : memref<10000x128xf32, #tpu.memory_space<hbm>> -> memref<10000x128xf32, #tpu.memory_space<hbm>>
    tpu.wait_indirect_dma semaphore(%arg12 : memref<!tpu.dma_semaphore, #tpu.memory_space<semaphore_mem>>) src(%dma_wait3A_42 : memref<10000x128xf32, #tpu.memory_space<hbm>>) dst(%arg9 : memref<128x128xf32, #tpu.memory_space<vmem>>)
    %run_scoped3A_43 = arith.constant 0 : i32
    "tpu.region"() ({
      %run_scoped3A_80 = tpu.sem_alloc : memref<!tpu.dma_semaphore, #tpu.memory_space<semaphore_mem>>
      %dma_start3A_81 = arith.constant 0 : i32
      %dma_start3A_82 = tpu.memref_slice %arg8[%run_scoped3A_43, %dma_start3A_81] : memref<8x128xi32, #tpu.memory_space<vmem>> -> memref<1x128xi32, #tpu.memory_space<vmem>>
      %dma_start3A_83 = tpu.memref_squeeze %dma_start3A_82 : memref<1x128xi32, #tpu.memory_space<vmem>> -> memref<128xi32, #tpu.memory_space<vmem>>
      %dma_start3A_84 = arith.constant 0 : i32
      %dma_start3A_85 = arith.constant 0 : i32
      %dma_start3A_86 = tpu.memref_slice %arg11[%dma_start3A_84, %dma_start3A_85] : memref<10112x128xf32, #tpu.memory_space<vmem_shared>> -> memref<10112x128xf32, #tpu.memory_space<vmem_shared>>
      tpu.enqueue_indirect_dma source(%arg9 : memref<128x128xf32, #tpu.memory_space<vmem>>) target(%dma_start3A_86 : memref<10112x128xf32, #tpu.memory_space<vmem_shared>>) offsets(%dma_start3A_83 : memref<128xi32, #tpu.memory_space<vmem>>) semaphore(%run_scoped3A_80 : memref<!tpu.dma_semaphore, #tpu.memory_space<semaphore_mem>>) {add = true}
      %dma_wait3A_87 = arith.constant 0 : i32
      %dma_wait3A_88 = tpu.memref_slice %arg8[%run_scoped3A_43, %dma_wait3A_87] : memref<8x128xi32, #tpu.memory_space<vmem>> -> memref<1x128xi32, #tpu.memory_space<vmem>>
      %dma_wait3A_89 = tpu.memref_squeeze %dma_wait3A_88 : memref<1x128xi32, #tpu.memory_space<vmem>> -> memref<128xi32, #tpu.memory_space<vmem>>
      %dma_wait3A_90 = arith.constant 0 : i32
      %dma_wait3A_91 = arith.constant 0 : i32
      %dma_wait3A_92 = tpu.memref_slice %arg11[%dma_wait3A_90, %dma_wait3A_91] : memref<10112x128xf32, #tpu.memory_space<vmem_shared>> -> memref<10112x128xf32, #tpu.memory_space<vmem_shared>>
      tpu.wait_indirect_dma semaphore(%run_scoped3A_80 : memref<!tpu.dma_semaphore, #tpu.memory_space<semaphore_mem>>) src(%arg9 : memref<128x128xf32, #tpu.memory_space<vmem>>) dst(%dma_wait3A_92 : memref<10112x128xf32, #tpu.memory_space<vmem_shared>>)
      tpu.yield
    }) : () -> ()
    %mul3A_44 = arith.constant 80 : i32
    %mul3A_45 = arith.muli %add3A, %mul3A_44 : i32
    %add3A_46 = arith.constant 79 : i32
    %add3A_47 = arith.addi %mul3A_45, %add3A_46 : i32
    %mul3A_48 = arith.constant 128 : i32
    %mul3A_49 = arith.muli %add3A_47, %mul3A_48 : i32
    %run_scoped3A_50 = arith.constant 1 : i32
    "tpu.region"() ({
      %run_scoped3A_80 = tpu.sem_alloc : memref<!tpu.dma_semaphore, #tpu.memory_space<semaphore_mem>>
      %dma_start3A_81 = arith.constant 0 : i32
      %dma_start3A_82 = tpu.memref_slice %arg8[%run_scoped3A_50, %dma_start3A_81] : memref<8x128xi32, #tpu.memory_space<vmem>> -> memref<1x128xi32, #tpu.memory_space<vmem>>
      %dma_start3A_83 = tpu.memref_squeeze %dma_start3A_82 : memref<1x128xi32, #tpu.memory_space<vmem>> -> memref<128xi32, #tpu.memory_space<vmem>>
      %dma_start3A_84 = tpu.memref_slice %arg3[%mul3A_49] : memref<327680xi32, #tpu.memory_space<hbm>> -> memref<128xi32, #tpu.memory_space<hbm>>
      %dma_start3A_85 = arith.constant 0 : i32
      %dma_start3A_86 = tpu.memref_slice %arg8[%run_scoped3A_50, %dma_start3A_85] : memref<8x128xi32, #tpu.memory_space<vmem>> -> memref<1x128xi32, #tpu.memory_space<vmem>>
      %dma_start3A_87 = tpu.memref_squeeze %dma_start3A_86 : memref<1x128xi32, #tpu.memory_space<vmem>> -> memref<128xi32, #tpu.memory_space<vmem>>
      %dma_start3A_88 = tpu.memref_slice %arg3[%mul3A_49] : memref<327680xi32, #tpu.memory_space<hbm>> -> memref<128xi32, #tpu.memory_space<hbm>>
      tpu.enqueue_dma source(%dma_start3A_88 : memref<128xi32, #tpu.memory_space<hbm>>) target(%dma_start3A_87 : memref<128xi32, #tpu.memory_space<vmem>>) target_semaphore(%run_scoped3A_80 : memref<!tpu.dma_semaphore, #tpu.memory_space<semaphore_mem>>)
      %dma_wait3A_89 = arith.constant 0 : i32
      %dma_wait3A_90 = tpu.memref_slice %arg8[%run_scoped3A_50, %dma_wait3A_89] : memref<8x128xi32, #tpu.memory_space<vmem>> -> memref<1x128xi32, #tpu.memory_space<vmem>>
      %dma_wait3A_91 = tpu.memref_squeeze %dma_wait3A_90 : memref<1x128xi32, #tpu.memory_space<vmem>> -> memref<128xi32, #tpu.memory_space<vmem>>
      %dma_wait3A_92 = tpu.memref_slice %arg3[%mul3A_49] : memref<327680xi32, #tpu.memory_space<hbm>> -> memref<128xi32, #tpu.memory_space<hbm>>
      %dma_wait3A_93 = arith.constant 0 : i32
      %dma_wait3A_94 = tpu.memref_slice %arg8[%run_scoped3A_50, %dma_wait3A_93] : memref<8x128xi32, #tpu.memory_space<vmem>> -> memref<1x128xi32, #tpu.memory_space<vmem>>
      %dma_wait3A_95 = tpu.memref_squeeze %dma_wait3A_94 : memref<1x128xi32, #tpu.memory_space<vmem>> -> memref<128xi32, #tpu.memory_space<vmem>>
      %dma_wait3A_96 = tpu.memref_slice %arg3[%mul3A_49] : memref<327680xi32, #tpu.memory_space<hbm>> -> memref<128xi32, #tpu.memory_space<hbm>>
      tpu.wait_dma2 semaphore(%run_scoped3A_80 : memref<!tpu.dma_semaphore, #tpu.memory_space<semaphore_mem>>) src(%dma_wait3A_96 : memref<128xi32, #tpu.memory_space<hbm>>) dst(%dma_wait3A_95 : memref<128xi32, #tpu.memory_space<vmem>>)
      tpu.yield
    }) : () -> ()
    %dma_wait3A_51 = arith.constant 79 : i32
    %dma_wait3A_52 = arith.constant 0 : i32
    %dma_wait3A_53 = tpu.memref_slice %arg7[%dma_wait3A_51, %dma_wait3A_52] : memref<80x128xi32, #tpu.memory_space<vmem>> -> memref<1x128xi32, #tpu.memory_space<vmem>>
    %dma_wait3A_54 = tpu.memref_squeeze %dma_wait3A_53 : memref<1x128xi32, #tpu.memory_space<vmem>> -> memref<128xi32, #tpu.memory_space<vmem>>
    %dma_wait3A_55 = arith.constant 0 : i32
    %dma_wait3A_56 = arith.constant 0 : i32
    %dma_wait3A_57 = tpu.memref_slice %arg4[%dma_wait3A_55, %dma_wait3A_56] : memref<10000x128xf32, #tpu.memory_space<hbm>> -> memref<10000x128xf32, #tpu.memory_space<hbm>>
    tpu.wait_indirect_dma semaphore(%arg13 : memref<!tpu.dma_semaphore, #tpu.memory_space<semaphore_mem>>) src(%dma_wait3A_57 : memref<10000x128xf32, #tpu.memory_space<hbm>>) dst(%arg10 : memref<128x128xf32, #tpu.memory_space<vmem>>)
    %run_scoped3A_58 = arith.constant 1 : i32
    "tpu.region"() ({
      %run_scoped3A_80 = tpu.sem_alloc : memref<!tpu.dma_semaphore, #tpu.memory_space<semaphore_mem>>
      %dma_start3A_81 = arith.constant 0 : i32
      %dma_start3A_82 = tpu.memref_slice %arg8[%run_scoped3A_58, %dma_start3A_81] : memref<8x128xi32, #tpu.memory_space<vmem>> -> memref<1x128xi32, #tpu.memory_space<vmem>>
      %dma_start3A_83 = tpu.memref_squeeze %dma_start3A_82 : memref<1x128xi32, #tpu.memory_space<vmem>> -> memref<128xi32, #tpu.memory_space<vmem>>
      %dma_start3A_84 = arith.constant 0 : i32
      %dma_start3A_85 = arith.constant 0 : i32
      %dma_start3A_86 = tpu.memref_slice %arg11[%dma_start3A_84, %dma_start3A_85] : memref<10112x128xf32, #tpu.memory_space<vmem_shared>> -> memref<10112x128xf32, #tpu.memory_space<vmem_shared>>
      tpu.enqueue_indirect_dma source(%arg10 : memref<128x128xf32, #tpu.memory_space<vmem>>) target(%dma_start3A_86 : memref<10112x128xf32, #tpu.memory_space<vmem_shared>>) offsets(%dma_start3A_83 : memref<128xi32, #tpu.memory_space<vmem>>) semaphore(%run_scoped3A_80 : memref<!tpu.dma_semaphore, #tpu.memory_space<semaphore_mem>>) {add = true}
      %dma_wait3A_87 = arith.constant 0 : i32
      %dma_wait3A_88 = tpu.memref_slice %arg8[%run_scoped3A_58, %dma_wait3A_87] : memref<8x128xi32, #tpu.memory_space<vmem>> -> memref<1x128xi32, #tpu.memory_space<vmem>>
      %dma_wait3A_89 = tpu.memref_squeeze %dma_wait3A_88 : memref<1x128xi32, #tpu.memory_space<vmem>> -> memref<128xi32, #tpu.memory_space<vmem>>
      %dma_wait3A_90 = arith.constant 0 : i32
      %dma_wait3A_91 = arith.constant 0 : i32
      %dma_wait3A_92 = tpu.memref_slice %arg11[%dma_wait3A_90, %dma_wait3A_91] : memref<10112x128xf32, #tpu.memory_space<vmem_shared>> -> memref<10112x128xf32, #tpu.memory_space<vmem_shared>>
      tpu.wait_indirect_dma semaphore(%run_scoped3A_80 : memref<!tpu.dma_semaphore, #tpu.memory_space<semaphore_mem>>) src(%arg10 : memref<128x128xf32, #tpu.memory_space<vmem>>) dst(%dma_wait3A_92 : memref<10112x128xf32, #tpu.memory_space<vmem_shared>>)
      tpu.yield
    }) : () -> ()
    %barrier3A_59 = arith.constant 0 : index
    tpu.barrier barrier_id(%barrier3A_59)
    %add3A_60 = arith.constant 0 : i32
    %add3A_61 = arith.addi %mul3A_2, %add3A_60 : i32
    "tpu.region"() ({
      %run_scoped3A_80 = tpu.sem_alloc : memref<!tpu.dma_semaphore, #tpu.memory_space<semaphore_mem>>
      %dma_start3A_81 = arith.constant 0 : i32
      %dma_start3A_82 = arith.constant 0 : i32
      %dma_start3A_83 = tpu.memref_slice %arg9[%dma_start3A_81, %dma_start3A_82] : memref<128x128xf32, #tpu.memory_space<vmem>> -> memref<128x128xf32, #tpu.memory_space<vmem>>
      %dma_start3A_84 = arith.constant 0 : i32
      %dma_start3A_85 = tpu.memref_slice %arg11[%add3A_61, %dma_start3A_84] : memref<10112x128xf32, #tpu.memory_space<vmem_shared>> -> memref<128x128xf32, #tpu.memory_space<vmem_shared>>
      %dma_start3A_86 = arith.constant 0 : i32
      %dma_start3A_87 = arith.constant 0 : i32
      %dma_start3A_88 = tpu.memref_slice %arg9[%dma_start3A_86, %dma_start3A_87] : memref<128x128xf32, #tpu.memory_space<vmem>> -> memref<128x128xf32, #tpu.memory_space<vmem>>
      %dma_start3A_89 = arith.constant 0 : i32
      %dma_start3A_90 = tpu.memref_slice %arg11[%add3A_61, %dma_start3A_89] : memref<10112x128xf32, #tpu.memory_space<vmem_shared>> -> memref<128x128xf32, #tpu.memory_space<vmem_shared>>
      tpu.enqueue_dma source(%dma_start3A_90 : memref<128x128xf32, #tpu.memory_space<vmem_shared>>) target(%dma_start3A_88 : memref<128x128xf32, #tpu.memory_space<vmem>>) target_semaphore(%run_scoped3A_80 : memref<!tpu.dma_semaphore, #tpu.memory_space<semaphore_mem>>)
      %dma_wait3A_91 = arith.constant 0 : i32
      %dma_wait3A_92 = arith.constant 0 : i32
      %dma_wait3A_93 = tpu.memref_slice %arg9[%dma_wait3A_91, %dma_wait3A_92] : memref<128x128xf32, #tpu.memory_space<vmem>> -> memref<128x128xf32, #tpu.memory_space<vmem>>
      %dma_wait3A_94 = arith.constant 0 : i32
      %dma_wait3A_95 = tpu.memref_slice %arg11[%add3A_61, %dma_wait3A_94] : memref<10112x128xf32, #tpu.memory_space<vmem_shared>> -> memref<128x128xf32, #tpu.memory_space<vmem_shared>>
      %dma_wait3A_96 = arith.constant 0 : i32
      %dma_wait3A_97 = arith.constant 0 : i32
      %dma_wait3A_98 = tpu.memref_slice %arg9[%dma_wait3A_96, %dma_wait3A_97] : memref<128x128xf32, #tpu.memory_space<vmem>> -> memref<128x128xf32, #tpu.memory_space<vmem>>
      %dma_wait3A_99 = arith.constant 0 : i32
      %dma_wait3A_100 = tpu.memref_slice %arg11[%add3A_61, %dma_wait3A_99] : memref<10112x128xf32, #tpu.memory_space<vmem_shared>> -> memref<128x128xf32, #tpu.memory_space<vmem_shared>>
      tpu.wait_dma2 semaphore(%run_scoped3A_80 : memref<!tpu.dma_semaphore, #tpu.memory_space<semaphore_mem>>) src(%dma_wait3A_100 : memref<128x128xf32, #tpu.memory_space<vmem_shared>>) dst(%dma_wait3A_98 : memref<128x128xf32, #tpu.memory_space<vmem>>)
      tpu.yield
    }) : () -> ()
    %add3A_62 = arith.constant 0 : i32
    %add3A_63 = arith.addi %mul3A_2, %add3A_62 : i32
    "tpu.region"() ({
      %run_scoped3A_80 = tpu.sem_alloc : memref<!tpu.dma_semaphore, #tpu.memory_space<semaphore_mem>>
      %dma_start3A_81 = arith.constant 0 : i32
      %dma_start3A_82 = arith.constant 0 : i32
      %dma_start3A_83 = tpu.memref_slice %arg9[%dma_start3A_81, %dma_start3A_82] : memref<128x128xf32, #tpu.memory_space<vmem>> -> memref<128x128xf32, #tpu.memory_space<vmem>>
      %dma_start3A_84 = arith.constant 0 : i32
      %dma_start3A_85 = tpu.memref_slice %arg6[%arg0, %add3A_63, %dma_start3A_84] : memref<2x10112x128xf32, #tpu.memory_space<hbm>> -> memref<1x128x128xf32, #tpu.memory_space<hbm>>
      %dma_start3A_86 = tpu.memref_squeeze %dma_start3A_85 : memref<1x128x128xf32, #tpu.memory_space<hbm>> -> memref<128x128xf32, #tpu.memory_space<hbm>>
      %dma_start3A_87 = arith.constant 0 : i32
      %dma_start3A_88 = tpu.memref_slice %arg6[%arg0, %add3A_63, %dma_start3A_87] : memref<2x10112x128xf32, #tpu.memory_space<hbm>> -> memref<1x128x128xf32, #tpu.memory_space<hbm>>
      %dma_start3A_89 = tpu.memref_squeeze %dma_start3A_88 : memref<1x128x128xf32, #tpu.memory_space<hbm>> -> memref<128x128xf32, #tpu.memory_space<hbm>>
      %dma_start3A_90 = arith.constant 0 : i32
      %dma_start3A_91 = arith.constant 0 : i32
      %dma_start3A_92 = tpu.memref_slice %arg9[%dma_start3A_90, %dma_start3A_91] : memref<128x128xf32, #tpu.memory_space<vmem>> -> memref<128x128xf32, #tpu.memory_space<vmem>>
      tpu.enqueue_dma source(%dma_start3A_92 : memref<128x128xf32, #tpu.memory_space<vmem>>) target(%dma_start3A_89 : memref<128x128xf32, #tpu.memory_space<hbm>>) target_semaphore(%run_scoped3A_80 : memref<!tpu.dma_semaphore, #tpu.memory_space<semaphore_mem>>)
      %dma_wait3A_93 = arith.constant 0 : i32
      %dma_wait3A_94 = arith.constant 0 : i32
      %dma_wait3A_95 = tpu.memref_slice %arg9[%dma_wait3A_93, %dma_wait3A_94] : memref<128x128xf32, #tpu.memory_space<vmem>> -> memref<128x128xf32, #tpu.memory_space<vmem>>
      %dma_wait3A_96 = arith.constant 0 : i32
      %dma_wait3A_97 = tpu.memref_slice %arg6[%arg0, %add3A_63, %dma_wait3A_96] : memref<2x10112x128xf32, #tpu.memory_space<hbm>> -> memref<1x128x128xf32, #tpu.memory_space<hbm>>
      %dma_wait3A_98 = tpu.memref_squeeze %dma_wait3A_97 : memref<1x128x128xf32, #tpu.memory_space<hbm>> -> memref<128x128xf32, #tpu.memory_space<hbm>>
      %dma_wait3A_99 = arith.constant 0 : i32
      %dma_wait3A_100 = tpu.memref_slice %arg6[%arg0, %add3A_63, %dma_wait3A_99] : memref<2x10112x128xf32, #tpu.memory_space<hbm>> -> memref<1x128x128xf32, #tpu.memory_space<hbm>>
      %dma_wait3A_101 = tpu.memref_squeeze %dma_wait3A_100 : memref<1x128x128xf32, #tpu.memory_space<hbm>> -> memref<128x128xf32, #tpu.memory_space<hbm>>
      %dma_wait3A_102 = arith.constant 0 : i32
      %dma_wait3A_103 = arith.constant 0 : i32
      %dma_wait3A_104 = tpu.memref_slice %arg9[%dma_wait3A_102, %dma_wait3A_103] : memref<128x128xf32, #tpu.memory_space<vmem>> -> memref<128x128xf32, #tpu.memory_space<vmem>>
      tpu.wait_dma2 semaphore(%run_scoped3A_80 : memref<!tpu.dma_semaphore, #tpu.memory_space<semaphore_mem>>) src(%dma_wait3A_104 : memref<128x128xf32, #tpu.memory_space<vmem>>) dst(%dma_wait3A_101 : memref<128x128xf32, #tpu.memory_space<hbm>>)
      tpu.yield
    }) : () -> ()
    %add3A_64 = arith.constant 128 : i32
    %add3A_65 = arith.addi %mul3A_2, %add3A_64 : i32
    "tpu.region"() ({
      %run_scoped3A_80 = tpu.sem_alloc : memref<!tpu.dma_semaphore, #tpu.memory_space<semaphore_mem>>
      %dma_start3A_81 = arith.constant 0 : i32
      %dma_start3A_82 = arith.constant 0 : i32
      %dma_start3A_83 = tpu.memref_slice %arg9[%dma_start3A_81, %dma_start3A_82] : memref<128x128xf32, #tpu.memory_space<vmem>> -> memref<128x128xf32, #tpu.memory_space<vmem>>
      %dma_start3A_84 = arith.constant 0 : i32
      %dma_start3A_85 = tpu.memref_slice %arg11[%add3A_65, %dma_start3A_84] : memref<10112x128xf32, #tpu.memory_space<vmem_shared>> -> memref<128x128xf32, #tpu.memory_space<vmem_shared>>
      %dma_start3A_86 = arith.constant 0 : i32
      %dma_start3A_87 = arith.constant 0 : i32
      %dma_start3A_88 = tpu.memref_slice %arg9[%dma_start3A_86, %dma_start3A_87] : memref<128x128xf32, #tpu.memory_space<vmem>> -> memref<128x128xf32, #tpu.memory_space<vmem>>
      %dma_start3A_89 = arith.constant 0 : i32
      %dma_start3A_90 = tpu.memref_slice %arg11[%add3A_65, %dma_start3A_89] : memref<10112x128xf32, #tpu.memory_space<vmem_shared>> -> memref<128x128xf32, #tpu.memory_space<vmem_shared>>
      tpu.enqueue_dma source(%dma_start3A_90 : memref<128x128xf32, #tpu.memory_space<vmem_shared>>) target(%dma_start3A_88 : memref<128x128xf32, #tpu.memory_space<vmem>>) target_semaphore(%run_scoped3A_80 : memref<!tpu.dma_semaphore, #tpu.memory_space<semaphore_mem>>)
      %dma_wait3A_91 = arith.constant 0 : i32
      %dma_wait3A_92 = arith.constant 0 : i32
      %dma_wait3A_93 = tpu.memref_slice %arg9[%dma_wait3A_91, %dma_wait3A_92] : memref<128x128xf32, #tpu.memory_space<vmem>> -> memref<128x128xf32, #tpu.memory_space<vmem>>
      %dma_wait3A_94 = arith.constant 0 : i32
      %dma_wait3A_95 = tpu.memref_slice %arg11[%add3A_65, %dma_wait3A_94] : memref<10112x128xf32, #tpu.memory_space<vmem_shared>> -> memref<128x128xf32, #tpu.memory_space<vmem_shared>>
      %dma_wait3A_96 = arith.constant 0 : i32
      %dma_wait3A_97 = arith.constant 0 : i32
      %dma_wait3A_98 = tpu.memref_slice %arg9[%dma_wait3A_96, %dma_wait3A_97] : memref<128x128xf32, #tpu.memory_space<vmem>> -> memref<128x128xf32, #tpu.memory_space<vmem>>
      %dma_wait3A_99 = arith.constant 0 : i32
      %dma_wait3A_100 = tpu.memref_slice %arg11[%add3A_65, %dma_wait3A_99] : memref<10112x128xf32, #tpu.memory_space<vmem_shared>> -> memref<128x128xf32, #tpu.memory_space<vmem_shared>>
      tpu.wait_dma2 semaphore(%run_scoped3A_80 : memref<!tpu.dma_semaphore, #tpu.memory_space<semaphore_mem>>) src(%dma_wait3A_100 : memref<128x128xf32, #tpu.memory_space<vmem_shared>>) dst(%dma_wait3A_98 : memref<128x128xf32, #tpu.memory_space<vmem>>)
      tpu.yield
    }) : () -> ()
    %add3A_66 = arith.constant 128 : i32
    %add3A_67 = arith.addi %mul3A_2, %add3A_66 : i32
    "tpu.region"() ({
      %run_scoped3A_80 = tpu.sem_alloc : memref<!tpu.dma_semaphore, #tpu.memory_space<semaphore_mem>>
      %dma_start3A_81 = arith.constant 0 : i32
      %dma_start3A_82 = arith.constant 0 : i32
      %dma_start3A_83 = tpu.memref_slice %arg9[%dma_start3A_81, %dma_start3A_82] : memref<128x128xf32, #tpu.memory_space<vmem>> -> memref<128x128xf32, #tpu.memory_space<vmem>>
      %dma_start3A_84 = arith.constant 0 : i32
      %dma_start3A_85 = tpu.memref_slice %arg6[%arg0, %add3A_67, %dma_start3A_84] : memref<2x10112x128xf32, #tpu.memory_space<hbm>> -> memref<1x128x128xf32, #tpu.memory_space<hbm>>
      %dma_start3A_86 = tpu.memref_squeeze %dma_start3A_85 : memref<1x128x128xf32, #tpu.memory_space<hbm>> -> memref<128x128xf32, #tpu.memory_space<hbm>>
      %dma_start3A_87 = arith.constant 0 : i32
      %dma_start3A_88 = tpu.memref_slice %arg6[%arg0, %add3A_67, %dma_start3A_87] : memref<2x10112x128xf32, #tpu.memory_space<hbm>> -> memref<1x128x128xf32, #tpu.memory_space<hbm>>
      %dma_start3A_89 = tpu.memref_squeeze %dma_start3A_88 : memref<1x128x128xf32, #tpu.memory_space<hbm>> -> memref<128x128xf32, #tpu.memory_space<hbm>>
      %dma_start3A_90 = arith.constant 0 : i32
      %dma_start3A_91 = arith.constant 0 : i32
      %dma_start3A_92 = tpu.memref_slice %arg9[%dma_start3A_90, %dma_start3A_91] : memref<128x128xf32, #tpu.memory_space<vmem>> -> memref<128x128xf32, #tpu.memory_space<vmem>>
      tpu.enqueue_dma source(%dma_start3A_92 : memref<128x128xf32, #tpu.memory_space<vmem>>) target(%dma_start3A_89 : memref<128x128xf32, #tpu.memory_space<hbm>>) target_semaphore(%run_scoped3A_80 : memref<!tpu.dma_semaphore, #tpu.memory_space<semaphore_mem>>)
      %dma_wait3A_93 = arith.constant 0 : i32
      %dma_wait3A_94 = arith.constant 0 : i32
      %dma_wait3A_95 = tpu.memref_slice %arg9[%dma_wait3A_93, %dma_wait3A_94] : memref<128x128xf32, #tpu.memory_space<vmem>> -> memref<128x128xf32, #tpu.memory_space<vmem>>
      %dma_wait3A_96 = arith.constant 0 : i32
      %dma_wait3A_97 = tpu.memref_slice %arg6[%arg0, %add3A_67, %dma_wait3A_96] : memref<2x10112x128xf32, #tpu.memory_space<hbm>> -> memref<1x128x128xf32, #tpu.memory_space<hbm>>
      %dma_wait3A_98 = tpu.memref_squeeze %dma_wait3A_97 : memref<1x128x128xf32, #tpu.memory_space<hbm>> -> memref<128x128xf32, #tpu.memory_space<hbm>>
      %dma_wait3A_99 = arith.constant 0 : i32
      %dma_wait3A_100 = tpu.memref_slice %arg6[%arg0, %add3A_67, %dma_wait3A_99] : memref<2x10112x128xf32, #tpu.memory_space<hbm>> -> memref<1x128x128xf32, #tpu.memory_space<hbm>>
      %dma_wait3A_101 = tpu.memref_squeeze %dma_wait3A_100 : memref<1x128x128xf32, #tpu.memory_space<hbm>> -> memref<128x128xf32, #tpu.memory_space<hbm>>
      %dma_wait3A_102 = arith.constant 0 : i32
      %dma_wait3A_103 = arith.constant 0 : i32
      %dma_wait3A_104 = tpu.memref_slice %arg9[%dma_wait3A_102, %dma_wait3A_103] : memref<128x128xf32, #tpu.memory_space<vmem>> -> memref<128x128xf32, #tpu.memory_space<vmem>>
      tpu.wait_dma2 semaphore(%run_scoped3A_80 : memref<!tpu.dma_semaphore, #tpu.memory_space<semaphore_mem>>) src(%dma_wait3A_104 : memref<128x128xf32, #tpu.memory_space<vmem>>) dst(%dma_wait3A_101 : memref<128x128xf32, #tpu.memory_space<hbm>>)
      tpu.yield
    }) : () -> ()
    %add3A_68 = arith.constant 256 : i32
    %add3A_69 = arith.addi %mul3A_2, %add3A_68 : i32
    "tpu.region"() ({
      %run_scoped3A_80 = tpu.sem_alloc : memref<!tpu.dma_semaphore, #tpu.memory_space<semaphore_mem>>
      %dma_start3A_81 = arith.constant 0 : i32
      %dma_start3A_82 = arith.constant 0 : i32
      %dma_start3A_83 = tpu.memref_slice %arg9[%dma_start3A_81, %dma_start3A_82] : memref<128x128xf32, #tpu.memory_space<vmem>> -> memref<128x128xf32, #tpu.memory_space<vmem>>
      %dma_start3A_84 = arith.constant 0 : i32
      %dma_start3A_85 = tpu.memref_slice %arg11[%add3A_69, %dma_start3A_84] : memref<10112x128xf32, #tpu.memory_space<vmem_shared>> -> memref<128x128xf32, #tpu.memory_space<vmem_shared>>
      %dma_start3A_86 = arith.constant 0 : i32
      %dma_start3A_87 = arith.constant 0 : i32
      %dma_start3A_88 = tpu.memref_slice %arg9[%dma_start3A_86, %dma_start3A_87] : memref<128x128xf32, #tpu.memory_space<vmem>> -> memref<128x128xf32, #tpu.memory_space<vmem>>
      %dma_start3A_89 = arith.constant 0 : i32
      %dma_start3A_90 = tpu.memref_slice %arg11[%add3A_69, %dma_start3A_89] : memref<10112x128xf32, #tpu.memory_space<vmem_shared>> -> memref<128x128xf32, #tpu.memory_space<vmem_shared>>
      tpu.enqueue_dma source(%dma_start3A_90 : memref<128x128xf32, #tpu.memory_space<vmem_shared>>) target(%dma_start3A_88 : memref<128x128xf32, #tpu.memory_space<vmem>>) target_semaphore(%run_scoped3A_80 : memref<!tpu.dma_semaphore, #tpu.memory_space<semaphore_mem>>)
      %dma_wait3A_91 = arith.constant 0 : i32
      %dma_wait3A_92 = arith.constant 0 : i32
      %dma_wait3A_93 = tpu.memref_slice %arg9[%dma_wait3A_91, %dma_wait3A_92] : memref<128x128xf32, #tpu.memory_space<vmem>> -> memref<128x128xf32, #tpu.memory_space<vmem>>
      %dma_wait3A_94 = arith.constant 0 : i32
      %dma_wait3A_95 = tpu.memref_slice %arg11[%add3A_69, %dma_wait3A_94] : memref<10112x128xf32, #tpu.memory_space<vmem_shared>> -> memref<128x128xf32, #tpu.memory_space<vmem_shared>>
      %dma_wait3A_96 = arith.constant 0 : i32
      %dma_wait3A_97 = arith.constant 0 : i32
      %dma_wait3A_98 = tpu.memref_slice %arg9[%dma_wait3A_96, %dma_wait3A_97] : memref<128x128xf32, #tpu.memory_space<vmem>> -> memref<128x128xf32, #tpu.memory_space<vmem>>
      %dma_wait3A_99 = arith.constant 0 : i32
      %dma_wait3A_100 = tpu.memref_slice %arg11[%add3A_69, %dma_wait3A_99] : memref<10112x128xf32, #tpu.memory_space<vmem_shared>> -> memref<128x128xf32, #tpu.memory_space<vmem_shared>>
      tpu.wait_dma2 semaphore(%run_scoped3A_80 : memref<!tpu.dma_semaphore, #tpu.memory_space<semaphore_mem>>) src(%dma_wait3A_100 : memref<128x128xf32, #tpu.memory_space<vmem_shared>>) dst(%dma_wait3A_98 : memref<128x128xf32, #tpu.memory_space<vmem>>)
      tpu.yield
    }) : () -> ()
    %add3A_70 = arith.constant 256 : i32
    %add3A_71 = arith.addi %mul3A_2, %add3A_70 : i32
    "tpu.region"() ({
      %run_scoped3A_80 = tpu.sem_alloc : memref<!tpu.dma_semaphore, #tpu.memory_space<semaphore_mem>>
      %dma_start3A_81 = arith.constant 0 : i32
      %dma_start3A_82 = arith.constant 0 : i32
      %dma_start3A_83 = tpu.memref_slice %arg9[%dma_start3A_81, %dma_start3A_82] : memref<128x128xf32, #tpu.memory_space<vmem>> -> memref<128x128xf32, #tpu.memory_space<vmem>>
      %dma_start3A_84 = arith.constant 0 : i32
      %dma_start3A_85 = tpu.memref_slice %arg6[%arg0, %add3A_71, %dma_start3A_84] : memref<2x10112x128xf32, #tpu.memory_space<hbm>> -> memref<1x128x128xf32, #tpu.memory_space<hbm>>
      %dma_start3A_86 = tpu.memref_squeeze %dma_start3A_85 : memref<1x128x128xf32, #tpu.memory_space<hbm>> -> memref<128x128xf32, #tpu.memory_space<hbm>>
      %dma_start3A_87 = arith.constant 0 : i32
      %dma_start3A_88 = tpu.memref_slice %arg6[%arg0, %add3A_71, %dma_start3A_87] : memref<2x10112x128xf32, #tpu.memory_space<hbm>> -> memref<1x128x128xf32, #tpu.memory_space<hbm>>
      %dma_start3A_89 = tpu.memref_squeeze %dma_start3A_88 : memref<1x128x128xf32, #tpu.memory_space<hbm>> -> memref<128x128xf32, #tpu.memory_space<hbm>>
      %dma_start3A_90 = arith.constant 0 : i32
      %dma_start3A_91 = arith.constant 0 : i32
      %dma_start3A_92 = tpu.memref_slice %arg9[%dma_start3A_90, %dma_start3A_91] : memref<128x128xf32, #tpu.memory_space<vmem>> -> memref<128x128xf32, #tpu.memory_space<vmem>>
      tpu.enqueue_dma source(%dma_start3A_92 : memref<128x128xf32, #tpu.memory_space<vmem>>) target(%dma_start3A_89 : memref<128x128xf32, #tpu.memory_space<hbm>>) target_semaphore(%run_scoped3A_80 : memref<!tpu.dma_semaphore, #tpu.memory_space<semaphore_mem>>)
      %dma_wait3A_93 = arith.constant 0 : i32
      %dma_wait3A_94 = arith.constant 0 : i32
      %dma_wait3A_95 = tpu.memref_slice %arg9[%dma_wait3A_93, %dma_wait3A_94] : memref<128x128xf32, #tpu.memory_space<vmem>> -> memref<128x128xf32, #tpu.memory_space<vmem>>
      %dma_wait3A_96 = arith.constant 0 : i32
      %dma_wait3A_97 = tpu.memref_slice %arg6[%arg0, %add3A_71, %dma_wait3A_96] : memref<2x10112x128xf32, #tpu.memory_space<hbm>> -> memref<1x128x128xf32, #tpu.memory_space<hbm>>
      %dma_wait3A_98 = tpu.memref_squeeze %dma_wait3A_97 : memref<1x128x128xf32, #tpu.memory_space<hbm>> -> memref<128x128xf32, #tpu.memory_space<hbm>>
      %dma_wait3A_99 = arith.constant 0 : i32
      %dma_wait3A_100 = tpu.memref_slice %arg6[%arg0, %add3A_71, %dma_wait3A_99] : memref<2x10112x128xf32, #tpu.memory_space<hbm>> -> memref<1x128x128xf32, #tpu.memory_space<hbm>>
      %dma_wait3A_101 = tpu.memref_squeeze %dma_wait3A_100 : memref<1x128x128xf32, #tpu.memory_space<hbm>> -> memref<128x128xf32, #tpu.memory_space<hbm>>
      %dma_wait3A_102 = arith.constant 0 : i32
      %dma_wait3A_103 = arith.constant 0 : i32
      %dma_wait3A_104 = tpu.memref_slice %arg9[%dma_wait3A_102, %dma_wait3A_103] : memref<128x128xf32, #tpu.memory_space<vmem>> -> memref<128x128xf32, #tpu.memory_space<vmem>>
      tpu.wait_dma2 semaphore(%run_scoped3A_80 : memref<!tpu.dma_semaphore, #tpu.memory_space<semaphore_mem>>) src(%dma_wait3A_104 : memref<128x128xf32, #tpu.memory_space<vmem>>) dst(%dma_wait3A_101 : memref<128x128xf32, #tpu.memory_space<hbm>>)
      tpu.yield
    }) : () -> ()
    %add3A_72 = arith.constant 384 : i32
    %add3A_73 = arith.addi %mul3A_2, %add3A_72 : i32
    "tpu.region"() ({
      %run_scoped3A_80 = tpu.sem_alloc : memref<!tpu.dma_semaphore, #tpu.memory_space<semaphore_mem>>
      %dma_start3A_81 = arith.constant 0 : i32
      %dma_start3A_82 = arith.constant 0 : i32
      %dma_start3A_83 = tpu.memref_slice %arg9[%dma_start3A_81, %dma_start3A_82] : memref<128x128xf32, #tpu.memory_space<vmem>> -> memref<128x128xf32, #tpu.memory_space<vmem>>
      %dma_start3A_84 = arith.constant 0 : i32
      %dma_start3A_85 = tpu.memref_slice %arg11[%add3A_73, %dma_start3A_84] : memref<10112x128xf32, #tpu.memory_space<vmem_shared>> -> memref<128x128xf32, #tpu.memory_space<vmem_shared>>
      %dma_start3A_86 = arith.constant 0 : i32
      %dma_start3A_87 = arith.constant 0 : i32
      %dma_start3A_88 = tpu.memref_slice %arg9[%dma_start3A_86, %dma_start3A_87] : memref<128x128xf32, #tpu.memory_space<vmem>> -> memref<128x128xf32, #tpu.memory_space<vmem>>
      %dma_start3A_89 = arith.constant 0 : i32
      %dma_start3A_90 = tpu.memref_slice %arg11[%add3A_73, %dma_start3A_89] : memref<10112x128xf32, #tpu.memory_space<vmem_shared>> -> memref<128x128xf32, #tpu.memory_space<vmem_shared>>
      tpu.enqueue_dma source(%dma_start3A_90 : memref<128x128xf32, #tpu.memory_space<vmem_shared>>) target(%dma_start3A_88 : memref<128x128xf32, #tpu.memory_space<vmem>>) target_semaphore(%run_scoped3A_80 : memref<!tpu.dma_semaphore, #tpu.memory_space<semaphore_mem>>)
      %dma_wait3A_91 = arith.constant 0 : i32
      %dma_wait3A_92 = arith.constant 0 : i32
      %dma_wait3A_93 = tpu.memref_slice %arg9[%dma_wait3A_91, %dma_wait3A_92] : memref<128x128xf32, #tpu.memory_space<vmem>> -> memref<128x128xf32, #tpu.memory_space<vmem>>
      %dma_wait3A_94 = arith.constant 0 : i32
      %dma_wait3A_95 = tpu.memref_slice %arg11[%add3A_73, %dma_wait3A_94] : memref<10112x128xf32, #tpu.memory_space<vmem_shared>> -> memref<128x128xf32, #tpu.memory_space<vmem_shared>>
      %dma_wait3A_96 = arith.constant 0 : i32
      %dma_wait3A_97 = arith.constant 0 : i32
      %dma_wait3A_98 = tpu.memref_slice %arg9[%dma_wait3A_96, %dma_wait3A_97] : memref<128x128xf32, #tpu.memory_space<vmem>> -> memref<128x128xf32, #tpu.memory_space<vmem>>
      %dma_wait3A_99 = arith.constant 0 : i32
      %dma_wait3A_100 = tpu.memref_slice %arg11[%add3A_73, %dma_wait3A_99] : memref<10112x128xf32, #tpu.memory_space<vmem_shared>> -> memref<128x128xf32, #tpu.memory_space<vmem_shared>>
      tpu.wait_dma2 semaphore(%run_scoped3A_80 : memref<!tpu.dma_semaphore, #tpu.memory_space<semaphore_mem>>) src(%dma_wait3A_100 : memref<128x128xf32, #tpu.memory_space<vmem_shared>>) dst(%dma_wait3A_98 : memref<128x128xf32, #tpu.memory_space<vmem>>)
      tpu.yield
    }) : () -> ()
    %add3A_74 = arith.constant 384 : i32
    %add3A_75 = arith.addi %mul3A_2, %add3A_74 : i32
    "tpu.region"() ({
      %run_scoped3A_80 = tpu.sem_alloc : memref<!tpu.dma_semaphore, #tpu.memory_space<semaphore_mem>>
      %dma_start3A_81 = arith.constant 0 : i32
      %dma_start3A_82 = arith.constant 0 : i32
      %dma_start3A_83 = tpu.memref_slice %arg9[%dma_start3A_81, %dma_start3A_82] : memref<128x128xf32, #tpu.memory_space<vmem>> -> memref<128x128xf32, #tpu.memory_space<vmem>>
      %dma_start3A_84 = arith.constant 0 : i32
      %dma_start3A_85 = tpu.memref_slice %arg6[%arg0, %add3A_75, %dma_start3A_84] : memref<2x10112x128xf32, #tpu.memory_space<hbm>> -> memref<1x128x128xf32, #tpu.memory_space<hbm>>
      %dma_start3A_86 = tpu.memref_squeeze %dma_start3A_85 : memref<1x128x128xf32, #tpu.memory_space<hbm>> -> memref<128x128xf32, #tpu.memory_space<hbm>>
      %dma_start3A_87 = arith.constant 0 : i32
      %dma_start3A_88 = tpu.memref_slice %arg6[%arg0, %add3A_75, %dma_start3A_87] : memref<2x10112x128xf32, #tpu.memory_space<hbm>> -> memref<1x128x128xf32, #tpu.memory_space<hbm>>
      %dma_start3A_89 = tpu.memref_squeeze %dma_start3A_88 : memref<1x128x128xf32, #tpu.memory_space<hbm>> -> memref<128x128xf32, #tpu.memory_space<hbm>>
      %dma_start3A_90 = arith.constant 0 : i32
      %dma_start3A_91 = arith.constant 0 : i32
      %dma_start3A_92 = tpu.memref_slice %arg9[%dma_start3A_90, %dma_start3A_91] : memref<128x128xf32, #tpu.memory_space<vmem>> -> memref<128x128xf32, #tpu.memory_space<vmem>>
      tpu.enqueue_dma source(%dma_start3A_92 : memref<128x128xf32, #tpu.memory_space<vmem>>) target(%dma_start3A_89 : memref<128x128xf32, #tpu.memory_space<hbm>>) target_semaphore(%run_scoped3A_80 : memref<!tpu.dma_semaphore, #tpu.memory_space<semaphore_mem>>)
      %dma_wait3A_93 = arith.constant 0 : i32
      %dma_wait3A_94 = arith.constant 0 : i32
      %dma_wait3A_95 = tpu.memref_slice %arg9[%dma_wait3A_93, %dma_wait3A_94] : memref<128x128xf32, #tpu.memory_space<vmem>> -> memref<128x128xf32, #tpu.memory_space<vmem>>
      %dma_wait3A_96 = arith.constant 0 : i32
      %dma_wait3A_97 = tpu.memref_slice %arg6[%arg0, %add3A_75, %dma_wait3A_96] : memref<2x10112x128xf32, #tpu.memory_space<hbm>> -> memref<1x128x128xf32, #tpu.memory_space<hbm>>
      %dma_wait3A_98 = tpu.memref_squeeze %dma_wait3A_97 : memref<1x128x128xf32, #tpu.memory_space<hbm>> -> memref<128x128xf32, #tpu.memory_space<hbm>>
      %dma_wait3A_99 = arith.constant 0 : i32
      %dma_wait3A_100 = tpu.memref_slice %arg6[%arg0, %add3A_75, %dma_wait3A_99] : memref<2x10112x128xf32, #tpu.memory_space<hbm>> -> memref<1x128x128xf32, #tpu.memory_space<hbm>>
      %dma_wait3A_101 = tpu.memref_squeeze %dma_wait3A_100 : memref<1x128x128xf32, #tpu.memory_space<hbm>> -> memref<128x128xf32, #tpu.memory_space<hbm>>
      %dma_wait3A_102 = arith.constant 0 : i32
      %dma_wait3A_103 = arith.constant 0 : i32
      %dma_wait3A_104 = tpu.memref_slice %arg9[%dma_wait3A_102, %dma_wait3A_103] : memref<128x128xf32, #tpu.memory_space<vmem>> -> memref<128x128xf32, #tpu.memory_space<vmem>>
      tpu.wait_dma2 semaphore(%run_scoped3A_80 : memref<!tpu.dma_semaphore, #tpu.memory_space<semaphore_mem>>) src(%dma_wait3A_104 : memref<128x128xf32, #tpu.memory_space<vmem>>) dst(%dma_wait3A_101 : memref<128x128xf32, #tpu.memory_space<hbm>>)
      tpu.yield
    }) : () -> ()
    %add3A_76 = arith.constant 512 : i32
    %add3A_77 = arith.addi %mul3A_2, %add3A_76 : i32
    "tpu.region"() ({
      %run_scoped3A_80 = tpu.sem_alloc : memref<!tpu.dma_semaphore, #tpu.memory_space<semaphore_mem>>
      %dma_start3A_81 = arith.constant 0 : i32
      %dma_start3A_82 = arith.constant 0 : i32
      %dma_start3A_83 = tpu.memref_slice %arg9[%dma_start3A_81, %dma_start3A_82] : memref<128x128xf32, #tpu.memory_space<vmem>> -> memref<120x128xf32, #tpu.memory_space<vmem>>
      %dma_start3A_84 = arith.constant 0 : i32
      %dma_start3A_85 = tpu.memref_slice %arg11[%add3A_77, %dma_start3A_84] : memref<10112x128xf32, #tpu.memory_space<vmem_shared>> -> memref<120x128xf32, #tpu.memory_space<vmem_shared>>
      %dma_start3A_86 = arith.constant 0 : i32
      %dma_start3A_87 = arith.constant 0 : i32
      %dma_start3A_88 = tpu.memref_slice %arg9[%dma_start3A_86, %dma_start3A_87] : memref<128x128xf32, #tpu.memory_space<vmem>> -> memref<120x128xf32, #tpu.memory_space<vmem>>
      %dma_start3A_89 = arith.constant 0 : i32
      %dma_start3A_90 = tpu.memref_slice %arg11[%add3A_77, %dma_start3A_89] : memref<10112x128xf32, #tpu.memory_space<vmem_shared>> -> memref<120x128xf32, #tpu.memory_space<vmem_shared>>
      tpu.enqueue_dma source(%dma_start3A_90 : memref<120x128xf32, #tpu.memory_space<vmem_shared>>) target(%dma_start3A_88 : memref<120x128xf32, #tpu.memory_space<vmem>>) target_semaphore(%run_scoped3A_80 : memref<!tpu.dma_semaphore, #tpu.memory_space<semaphore_mem>>)
      %dma_wait3A_91 = arith.constant 0 : i32
      %dma_wait3A_92 = arith.constant 0 : i32
      %dma_wait3A_93 = tpu.memref_slice %arg9[%dma_wait3A_91, %dma_wait3A_92] : memref<128x128xf32, #tpu.memory_space<vmem>> -> memref<120x128xf32, #tpu.memory_space<vmem>>
      %dma_wait3A_94 = arith.constant 0 : i32
      %dma_wait3A_95 = tpu.memref_slice %arg11[%add3A_77, %dma_wait3A_94] : memref<10112x128xf32, #tpu.memory_space<vmem_shared>> -> memref<120x128xf32, #tpu.memory_space<vmem_shared>>
      %dma_wait3A_96 = arith.constant 0 : i32
      %dma_wait3A_97 = arith.constant 0 : i32
      %dma_wait3A_98 = tpu.memref_slice %arg9[%dma_wait3A_96, %dma_wait3A_97] : memref<128x128xf32, #tpu.memory_space<vmem>> -> memref<120x128xf32, #tpu.memory_space<vmem>>
      %dma_wait3A_99 = arith.constant 0 : i32
      %dma_wait3A_100 = tpu.memref_slice %arg11[%add3A_77, %dma_wait3A_99] : memref<10112x128xf32, #tpu.memory_space<vmem_shared>> -> memref<120x128xf32, #tpu.memory_space<vmem_shared>>
      tpu.wait_dma2 semaphore(%run_scoped3A_80 : memref<!tpu.dma_semaphore, #tpu.memory_space<semaphore_mem>>) src(%dma_wait3A_100 : memref<120x128xf32, #tpu.memory_space<vmem_shared>>) dst(%dma_wait3A_98 : memref<120x128xf32, #tpu.memory_space<vmem>>)
      tpu.yield
    }) : () -> ()
    %add3A_78 = arith.constant 512 : i32
    %add3A_79 = arith.addi %mul3A_2, %add3A_78 : i32
    "tpu.region"() ({
      %run_scoped3A_80 = tpu.sem_alloc : memref<!tpu.dma_semaphore, #tpu.memory_space<semaphore_mem>>
      %dma_start3A_81 = arith.constant 0 : i32
      %dma_start3A_82 = arith.constant 0 : i32
      %dma_start3A_83 = tpu.memref_slice %arg9[%dma_start3A_81, %dma_start3A_82] : memref<128x128xf32, #tpu.memory_space<vmem>> -> memref<120x128xf32, #tpu.memory_space<vmem>>
      %dma_start3A_84 = arith.constant 0 : i32
      %dma_start3A_85 = tpu.memref_slice %arg6[%arg0, %add3A_79, %dma_start3A_84] : memref<2x10112x128xf32, #tpu.memory_space<hbm>> -> memref<1x120x128xf32, #tpu.memory_space<hbm>>
      %dma_start3A_86 = tpu.memref_squeeze %dma_start3A_85 : memref<1x120x128xf32, #tpu.memory_space<hbm>> -> memref<120x128xf32, #tpu.memory_space<hbm>>
      %dma_start3A_87 = arith.constant 0 : i32
      %dma_start3A_88 = tpu.memref_slice %arg6[%arg0, %add3A_79, %dma_start3A_87] : memref<2x10112x128xf32, #tpu.memory_space<hbm>> -> memref<1x120x128xf32, #tpu.memory_space<hbm>>
      %dma_start3A_89 = tpu.memref_squeeze %dma_start3A_88 : memref<1x120x128xf32, #tpu.memory_space<hbm>> -> memref<120x128xf32, #tpu.memory_space<hbm>>
      %dma_start3A_90 = arith.constant 0 : i32
      %dma_start3A_91 = arith.constant 0 : i32
      %dma_start3A_92 = tpu.memref_slice %arg9[%dma_start3A_90, %dma_start3A_91] : memref<128x128xf32, #tpu.memory_space<vmem>> -> memref<120x128xf32, #tpu.memory_space<vmem>>
      tpu.enqueue_dma source(%dma_start3A_92 : memref<120x128xf32, #tpu.memory_space<vmem>>) target(%dma_start3A_89 : memref<120x128xf32, #tpu.memory_space<hbm>>) target_semaphore(%run_scoped3A_80 : memref<!tpu.dma_semaphore, #tpu.memory_space<semaphore_mem>>)
      %dma_wait3A_93 = arith.constant 0 : i32
      %dma_wait3A_94 = arith.constant 0 : i32
      %dma_wait3A_95 = tpu.memref_slice %arg9[%dma_wait3A_93, %dma_wait3A_94] : memref<128x128xf32, #tpu.memory_space<vmem>> -> memref<120x128xf32, #tpu.memory_space<vmem>>
      %dma_wait3A_96 = arith.constant 0 : i32
      %dma_wait3A_97 = tpu.memref_slice %arg6[%arg0, %add3A_79, %dma_wait3A_96] : memref<2x10112x128xf32, #tpu.memory_space<hbm>> -> memref<1x120x128xf32, #tpu.memory_space<hbm>>
      %dma_wait3A_98 = tpu.memref_squeeze %dma_wait3A_97 : memref<1x120x128xf32, #tpu.memory_space<hbm>> -> memref<120x128xf32, #tpu.memory_space<hbm>>
      %dma_wait3A_99 = arith.constant 0 : i32
      %dma_wait3A_100 = tpu.memref_slice %arg6[%arg0, %add3A_79, %dma_wait3A_99] : memref<2x10112x128xf32, #tpu.memory_space<hbm>> -> memref<1x120x128xf32, #tpu.memory_space<hbm>>
      %dma_wait3A_101 = tpu.memref_squeeze %dma_wait3A_100 : memref<1x120x128xf32, #tpu.memory_space<hbm>> -> memref<120x128xf32, #tpu.memory_space<hbm>>
      %dma_wait3A_102 = arith.constant 0 : i32
      %dma_wait3A_103 = arith.constant 0 : i32
      %dma_wait3A_104 = tpu.memref_slice %arg9[%dma_wait3A_102, %dma_wait3A_103] : memref<128x128xf32, #tpu.memory_space<vmem>> -> memref<120x128xf32, #tpu.memory_space<vmem>>
      tpu.wait_dma2 semaphore(%run_scoped3A_80 : memref<!tpu.dma_semaphore, #tpu.memory_space<semaphore_mem>>) src(%dma_wait3A_104 : memref<120x128xf32, #tpu.memory_space<vmem>>) dst(%dma_wait3A_101 : memref<120x128xf32, #tpu.memory_space<hbm>>)
      tpu.yield
    }) : () -> ()
    return
  }
}

#map = affine_map<(d0, d1) -> (0, 0, 0)>
#map1 = affine_map<(d0, d1) -> (0, 0)>
module attributes {stable_mosaic.version = 14 : i64} {
  func.func @_sc_deg_body(%arg0: i32, %arg1: i32, %arg2: memref<32x80x128xi32, #tpu.memory_space<hbm>>, %arg3: memref<128x128xf32, #tpu.memory_space<hbm>>, %arg4: memref<128x128xf32, #tpu.memory_space<hbm>>, %arg5: memref<2x10112x128xf32, #tpu.memory_space<hbm>>, %arg6: memref<80x128xi32, #tpu.memory_space<vmem>>, %arg7: memref<128x128xf32, #tpu.memory_space<vmem>>, %arg8: memref<10112x128xf32, #tpu.memory_space<vmem_shared>>, %arg9: memref<!tpu.dma_semaphore, #tpu.memory_space<semaphore_mem>>) attributes {dimension_semantics = [#tpu.dimension_semantics<core_parallel>, #tpu.dimension_semantics<subcore_parallel>], iteration_bounds = array<i64: 2, 16>, scalar_prefetch = 0 : i64, scratch_operands = 4 : i64, tpu.core_type = #tpu.core_type<sc_vector_subcore>, window_params = [{transform_indices = #map}, {transform_indices = #map1}, {transform_indices = #map1}, {transform_indices = #map}]} {
    %mul3A = arith.constant 16 : i32
    %mul3A_0 = arith.muli %arg0, %mul3A : i32
    %add3A = arith.addi %mul3A_0, %arg1 : i32
    %mul3A_1 = arith.constant 632 : i32
    %mul3A_2 = arith.muli %arg1, %mul3A_1 : i32
    "tpu.region"() ({
      %run_scoped3A = tpu.sem_alloc : memref<!tpu.dma_semaphore, #tpu.memory_space<semaphore_mem>>
      tpu.enqueue_dma source(%arg4 : memref<128x128xf32, #tpu.memory_space<hbm>>) target(%arg7 : memref<128x128xf32, #tpu.memory_space<vmem>>) target_semaphore(%run_scoped3A : memref<!tpu.dma_semaphore, #tpu.memory_space<semaphore_mem>>)
      tpu.wait_dma2 semaphore(%run_scoped3A : memref<!tpu.dma_semaphore, #tpu.memory_space<semaphore_mem>>) src(%arg4 : memref<128x128xf32, #tpu.memory_space<hbm>>) dst(%arg7 : memref<128x128xf32, #tpu.memory_space<vmem>>)
      tpu.yield
    }) : () -> ()
    %add3A_3 = arith.constant 0 : i32
    %add3A_4 = arith.addi %mul3A_2, %add3A_3 : i32
    "tpu.region"() ({
      %run_scoped3A = tpu.sem_alloc : memref<!tpu.dma_semaphore, #tpu.memory_space<semaphore_mem>>
      %dma_start3A = arith.constant 0 : i32
      %dma_start3A_39 = arith.constant 0 : i32
      %dma_start3A_40 = tpu.memref_slice %arg7[%dma_start3A, %dma_start3A_39] : memref<128x128xf32, #tpu.memory_space<vmem>> -> memref<128x128xf32, #tpu.memory_space<vmem>>
      %dma_start3A_41 = arith.constant 0 : i32
      %dma_start3A_42 = tpu.memref_slice %arg8[%add3A_4, %dma_start3A_41] : memref<10112x128xf32, #tpu.memory_space<vmem_shared>> -> memref<128x128xf32, #tpu.memory_space<vmem_shared>>
      %dma_start3A_43 = arith.constant 0 : i32
      %dma_start3A_44 = tpu.memref_slice %arg8[%add3A_4, %dma_start3A_43] : memref<10112x128xf32, #tpu.memory_space<vmem_shared>> -> memref<128x128xf32, #tpu.memory_space<vmem_shared>>
      %dma_start3A_45 = arith.constant 0 : i32
      %dma_start3A_46 = arith.constant 0 : i32
      %dma_start3A_47 = tpu.memref_slice %arg7[%dma_start3A_45, %dma_start3A_46] : memref<128x128xf32, #tpu.memory_space<vmem>> -> memref<128x128xf32, #tpu.memory_space<vmem>>
      tpu.enqueue_dma source(%dma_start3A_47 : memref<128x128xf32, #tpu.memory_space<vmem>>) target(%dma_start3A_44 : memref<128x128xf32, #tpu.memory_space<vmem_shared>>) target_semaphore(%run_scoped3A : memref<!tpu.dma_semaphore, #tpu.memory_space<semaphore_mem>>)
      %dma_wait3A = arith.constant 0 : i32
      %dma_wait3A_48 = arith.constant 0 : i32
      %dma_wait3A_49 = tpu.memref_slice %arg7[%dma_wait3A, %dma_wait3A_48] : memref<128x128xf32, #tpu.memory_space<vmem>> -> memref<128x128xf32, #tpu.memory_space<vmem>>
      %dma_wait3A_50 = arith.constant 0 : i32
      %dma_wait3A_51 = tpu.memref_slice %arg8[%add3A_4, %dma_wait3A_50] : memref<10112x128xf32, #tpu.memory_space<vmem_shared>> -> memref<128x128xf32, #tpu.memory_space<vmem_shared>>
      %dma_wait3A_52 = arith.constant 0 : i32
      %dma_wait3A_53 = tpu.memref_slice %arg8[%add3A_4, %dma_wait3A_52] : memref<10112x128xf32, #tpu.memory_space<vmem_shared>> -> memref<128x128xf32, #tpu.memory_space<vmem_shared>>
      %dma_wait3A_54 = arith.constant 0 : i32
      %dma_wait3A_55 = arith.constant 0 : i32
      %dma_wait3A_56 = tpu.memref_slice %arg7[%dma_wait3A_54, %dma_wait3A_55] : memref<128x128xf32, #tpu.memory_space<vmem>> -> memref<128x128xf32, #tpu.memory_space<vmem>>
      tpu.wait_dma2 semaphore(%run_scoped3A : memref<!tpu.dma_semaphore, #tpu.memory_space<semaphore_mem>>) src(%dma_wait3A_56 : memref<128x128xf32, #tpu.memory_space<vmem>>) dst(%dma_wait3A_53 : memref<128x128xf32, #tpu.memory_space<vmem_shared>>)
      tpu.yield
    }) : () -> ()
    %add3A_5 = arith.constant 128 : i32
    %add3A_6 = arith.addi %mul3A_2, %add3A_5 : i32
    "tpu.region"() ({
      %run_scoped3A = tpu.sem_alloc : memref<!tpu.dma_semaphore, #tpu.memory_space<semaphore_mem>>
      %dma_start3A = arith.constant 0 : i32
      %dma_start3A_39 = arith.constant 0 : i32
      %dma_start3A_40 = tpu.memref_slice %arg7[%dma_start3A, %dma_start3A_39] : memref<128x128xf32, #tpu.memory_space<vmem>> -> memref<128x128xf32, #tpu.memory_space<vmem>>
      %dma_start3A_41 = arith.constant 0 : i32
      %dma_start3A_42 = tpu.memref_slice %arg8[%add3A_6, %dma_start3A_41] : memref<10112x128xf32, #tpu.memory_space<vmem_shared>> -> memref<128x128xf32, #tpu.memory_space<vmem_shared>>
      %dma_start3A_43 = arith.constant 0 : i32
      %dma_start3A_44 = tpu.memref_slice %arg8[%add3A_6, %dma_start3A_43] : memref<10112x128xf32, #tpu.memory_space<vmem_shared>> -> memref<128x128xf32, #tpu.memory_space<vmem_shared>>
      %dma_start3A_45 = arith.constant 0 : i32
      %dma_start3A_46 = arith.constant 0 : i32
      %dma_start3A_47 = tpu.memref_slice %arg7[%dma_start3A_45, %dma_start3A_46] : memref<128x128xf32, #tpu.memory_space<vmem>> -> memref<128x128xf32, #tpu.memory_space<vmem>>
      tpu.enqueue_dma source(%dma_start3A_47 : memref<128x128xf32, #tpu.memory_space<vmem>>) target(%dma_start3A_44 : memref<128x128xf32, #tpu.memory_space<vmem_shared>>) target_semaphore(%run_scoped3A : memref<!tpu.dma_semaphore, #tpu.memory_space<semaphore_mem>>)
      %dma_wait3A = arith.constant 0 : i32
      %dma_wait3A_48 = arith.constant 0 : i32
      %dma_wait3A_49 = tpu.memref_slice %arg7[%dma_wait3A, %dma_wait3A_48] : memref<128x128xf32, #tpu.memory_space<vmem>> -> memref<128x128xf32, #tpu.memory_space<vmem>>
      %dma_wait3A_50 = arith.constant 0 : i32
      %dma_wait3A_51 = tpu.memref_slice %arg8[%add3A_6, %dma_wait3A_50] : memref<10112x128xf32, #tpu.memory_space<vmem_shared>> -> memref<128x128xf32, #tpu.memory_space<vmem_shared>>
      %dma_wait3A_52 = arith.constant 0 : i32
      %dma_wait3A_53 = tpu.memref_slice %arg8[%add3A_6, %dma_wait3A_52] : memref<10112x128xf32, #tpu.memory_space<vmem_shared>> -> memref<128x128xf32, #tpu.memory_space<vmem_shared>>
      %dma_wait3A_54 = arith.constant 0 : i32
      %dma_wait3A_55 = arith.constant 0 : i32
      %dma_wait3A_56 = tpu.memref_slice %arg7[%dma_wait3A_54, %dma_wait3A_55] : memref<128x128xf32, #tpu.memory_space<vmem>> -> memref<128x128xf32, #tpu.memory_space<vmem>>
      tpu.wait_dma2 semaphore(%run_scoped3A : memref<!tpu.dma_semaphore, #tpu.memory_space<semaphore_mem>>) src(%dma_wait3A_56 : memref<128x128xf32, #tpu.memory_space<vmem>>) dst(%dma_wait3A_53 : memref<128x128xf32, #tpu.memory_space<vmem_shared>>)
      tpu.yield
    }) : () -> ()
    %add3A_7 = arith.constant 256 : i32
    %add3A_8 = arith.addi %mul3A_2, %add3A_7 : i32
    "tpu.region"() ({
      %run_scoped3A = tpu.sem_alloc : memref<!tpu.dma_semaphore, #tpu.memory_space<semaphore_mem>>
      %dma_start3A = arith.constant 0 : i32
      %dma_start3A_39 = arith.constant 0 : i32
      %dma_start3A_40 = tpu.memref_slice %arg7[%dma_start3A, %dma_start3A_39] : memref<128x128xf32, #tpu.memory_space<vmem>> -> memref<128x128xf32, #tpu.memory_space<vmem>>
      %dma_start3A_41 = arith.constant 0 : i32
      %dma_start3A_42 = tpu.memref_slice %arg8[%add3A_8, %dma_start3A_41] : memref<10112x128xf32, #tpu.memory_space<vmem_shared>> -> memref<128x128xf32, #tpu.memory_space<vmem_shared>>
      %dma_start3A_43 = arith.constant 0 : i32
      %dma_start3A_44 = tpu.memref_slice %arg8[%add3A_8, %dma_start3A_43] : memref<10112x128xf32, #tpu.memory_space<vmem_shared>> -> memref<128x128xf32, #tpu.memory_space<vmem_shared>>
      %dma_start3A_45 = arith.constant 0 : i32
      %dma_start3A_46 = arith.constant 0 : i32
      %dma_start3A_47 = tpu.memref_slice %arg7[%dma_start3A_45, %dma_start3A_46] : memref<128x128xf32, #tpu.memory_space<vmem>> -> memref<128x128xf32, #tpu.memory_space<vmem>>
      tpu.enqueue_dma source(%dma_start3A_47 : memref<128x128xf32, #tpu.memory_space<vmem>>) target(%dma_start3A_44 : memref<128x128xf32, #tpu.memory_space<vmem_shared>>) target_semaphore(%run_scoped3A : memref<!tpu.dma_semaphore, #tpu.memory_space<semaphore_mem>>)
      %dma_wait3A = arith.constant 0 : i32
      %dma_wait3A_48 = arith.constant 0 : i32
      %dma_wait3A_49 = tpu.memref_slice %arg7[%dma_wait3A, %dma_wait3A_48] : memref<128x128xf32, #tpu.memory_space<vmem>> -> memref<128x128xf32, #tpu.memory_space<vmem>>
      %dma_wait3A_50 = arith.constant 0 : i32
      %dma_wait3A_51 = tpu.memref_slice %arg8[%add3A_8, %dma_wait3A_50] : memref<10112x128xf32, #tpu.memory_space<vmem_shared>> -> memref<128x128xf32, #tpu.memory_space<vmem_shared>>
      %dma_wait3A_52 = arith.constant 0 : i32
      %dma_wait3A_53 = tpu.memref_slice %arg8[%add3A_8, %dma_wait3A_52] : memref<10112x128xf32, #tpu.memory_space<vmem_shared>> -> memref<128x128xf32, #tpu.memory_space<vmem_shared>>
      %dma_wait3A_54 = arith.constant 0 : i32
      %dma_wait3A_55 = arith.constant 0 : i32
      %dma_wait3A_56 = tpu.memref_slice %arg7[%dma_wait3A_54, %dma_wait3A_55] : memref<128x128xf32, #tpu.memory_space<vmem>> -> memref<128x128xf32, #tpu.memory_space<vmem>>
      tpu.wait_dma2 semaphore(%run_scoped3A : memref<!tpu.dma_semaphore, #tpu.memory_space<semaphore_mem>>) src(%dma_wait3A_56 : memref<128x128xf32, #tpu.memory_space<vmem>>) dst(%dma_wait3A_53 : memref<128x128xf32, #tpu.memory_space<vmem_shared>>)
      tpu.yield
    }) : () -> ()
    %add3A_9 = arith.constant 384 : i32
    %add3A_10 = arith.addi %mul3A_2, %add3A_9 : i32
    "tpu.region"() ({
      %run_scoped3A = tpu.sem_alloc : memref<!tpu.dma_semaphore, #tpu.memory_space<semaphore_mem>>
      %dma_start3A = arith.constant 0 : i32
      %dma_start3A_39 = arith.constant 0 : i32
      %dma_start3A_40 = tpu.memref_slice %arg7[%dma_start3A, %dma_start3A_39] : memref<128x128xf32, #tpu.memory_space<vmem>> -> memref<128x128xf32, #tpu.memory_space<vmem>>
      %dma_start3A_41 = arith.constant 0 : i32
      %dma_start3A_42 = tpu.memref_slice %arg8[%add3A_10, %dma_start3A_41] : memref<10112x128xf32, #tpu.memory_space<vmem_shared>> -> memref<128x128xf32, #tpu.memory_space<vmem_shared>>
      %dma_start3A_43 = arith.constant 0 : i32
      %dma_start3A_44 = tpu.memref_slice %arg8[%add3A_10, %dma_start3A_43] : memref<10112x128xf32, #tpu.memory_space<vmem_shared>> -> memref<128x128xf32, #tpu.memory_space<vmem_shared>>
      %dma_start3A_45 = arith.constant 0 : i32
      %dma_start3A_46 = arith.constant 0 : i32
      %dma_start3A_47 = tpu.memref_slice %arg7[%dma_start3A_45, %dma_start3A_46] : memref<128x128xf32, #tpu.memory_space<vmem>> -> memref<128x128xf32, #tpu.memory_space<vmem>>
      tpu.enqueue_dma source(%dma_start3A_47 : memref<128x128xf32, #tpu.memory_space<vmem>>) target(%dma_start3A_44 : memref<128x128xf32, #tpu.memory_space<vmem_shared>>) target_semaphore(%run_scoped3A : memref<!tpu.dma_semaphore, #tpu.memory_space<semaphore_mem>>)
      %dma_wait3A = arith.constant 0 : i32
      %dma_wait3A_48 = arith.constant 0 : i32
      %dma_wait3A_49 = tpu.memref_slice %arg7[%dma_wait3A, %dma_wait3A_48] : memref<128x128xf32, #tpu.memory_space<vmem>> -> memref<128x128xf32, #tpu.memory_space<vmem>>
      %dma_wait3A_50 = arith.constant 0 : i32
      %dma_wait3A_51 = tpu.memref_slice %arg8[%add3A_10, %dma_wait3A_50] : memref<10112x128xf32, #tpu.memory_space<vmem_shared>> -> memref<128x128xf32, #tpu.memory_space<vmem_shared>>
      %dma_wait3A_52 = arith.constant 0 : i32
      %dma_wait3A_53 = tpu.memref_slice %arg8[%add3A_10, %dma_wait3A_52] : memref<10112x128xf32, #tpu.memory_space<vmem_shared>> -> memref<128x128xf32, #tpu.memory_space<vmem_shared>>
      %dma_wait3A_54 = arith.constant 0 : i32
      %dma_wait3A_55 = arith.constant 0 : i32
      %dma_wait3A_56 = tpu.memref_slice %arg7[%dma_wait3A_54, %dma_wait3A_55] : memref<128x128xf32, #tpu.memory_space<vmem>> -> memref<128x128xf32, #tpu.memory_space<vmem>>
      tpu.wait_dma2 semaphore(%run_scoped3A : memref<!tpu.dma_semaphore, #tpu.memory_space<semaphore_mem>>) src(%dma_wait3A_56 : memref<128x128xf32, #tpu.memory_space<vmem>>) dst(%dma_wait3A_53 : memref<128x128xf32, #tpu.memory_space<vmem_shared>>)
      tpu.yield
    }) : () -> ()
    %add3A_11 = arith.constant 512 : i32
    %add3A_12 = arith.addi %mul3A_2, %add3A_11 : i32
    "tpu.region"() ({
      %run_scoped3A = tpu.sem_alloc : memref<!tpu.dma_semaphore, #tpu.memory_space<semaphore_mem>>
      %dma_start3A = arith.constant 0 : i32
      %dma_start3A_39 = arith.constant 0 : i32
      %dma_start3A_40 = tpu.memref_slice %arg7[%dma_start3A, %dma_start3A_39] : memref<128x128xf32, #tpu.memory_space<vmem>> -> memref<120x128xf32, #tpu.memory_space<vmem>>
      %dma_start3A_41 = arith.constant 0 : i32
      %dma_start3A_42 = tpu.memref_slice %arg8[%add3A_12, %dma_start3A_41] : memref<10112x128xf32, #tpu.memory_space<vmem_shared>> -> memref<120x128xf32, #tpu.memory_space<vmem_shared>>
      %dma_start3A_43 = arith.constant 0 : i32
      %dma_start3A_44 = tpu.memref_slice %arg8[%add3A_12, %dma_start3A_43] : memref<10112x128xf32, #tpu.memory_space<vmem_shared>> -> memref<120x128xf32, #tpu.memory_space<vmem_shared>>
      %dma_start3A_45 = arith.constant 0 : i32
      %dma_start3A_46 = arith.constant 0 : i32
      %dma_start3A_47 = tpu.memref_slice %arg7[%dma_start3A_45, %dma_start3A_46] : memref<128x128xf32, #tpu.memory_space<vmem>> -> memref<120x128xf32, #tpu.memory_space<vmem>>
      tpu.enqueue_dma source(%dma_start3A_47 : memref<120x128xf32, #tpu.memory_space<vmem>>) target(%dma_start3A_44 : memref<120x128xf32, #tpu.memory_space<vmem_shared>>) target_semaphore(%run_scoped3A : memref<!tpu.dma_semaphore, #tpu.memory_space<semaphore_mem>>)
      %dma_wait3A = arith.constant 0 : i32
      %dma_wait3A_48 = arith.constant 0 : i32
      %dma_wait3A_49 = tpu.memref_slice %arg7[%dma_wait3A, %dma_wait3A_48] : memref<128x128xf32, #tpu.memory_space<vmem>> -> memref<120x128xf32, #tpu.memory_space<vmem>>
      %dma_wait3A_50 = arith.constant 0 : i32
      %dma_wait3A_51 = tpu.memref_slice %arg8[%add3A_12, %dma_wait3A_50] : memref<10112x128xf32, #tpu.memory_space<vmem_shared>> -> memref<120x128xf32, #tpu.memory_space<vmem_shared>>
      %dma_wait3A_52 = arith.constant 0 : i32
      %dma_wait3A_53 = tpu.memref_slice %arg8[%add3A_12, %dma_wait3A_52] : memref<10112x128xf32, #tpu.memory_space<vmem_shared>> -> memref<120x128xf32, #tpu.memory_space<vmem_shared>>
      %dma_wait3A_54 = arith.constant 0 : i32
      %dma_wait3A_55 = arith.constant 0 : i32
      %dma_wait3A_56 = tpu.memref_slice %arg7[%dma_wait3A_54, %dma_wait3A_55] : memref<128x128xf32, #tpu.memory_space<vmem>> -> memref<120x128xf32, #tpu.memory_space<vmem>>
      tpu.wait_dma2 semaphore(%run_scoped3A : memref<!tpu.dma_semaphore, #tpu.memory_space<semaphore_mem>>) src(%dma_wait3A_56 : memref<120x128xf32, #tpu.memory_space<vmem>>) dst(%dma_wait3A_53 : memref<120x128xf32, #tpu.memory_space<vmem_shared>>)
      tpu.yield
    }) : () -> ()
    "tpu.region"() ({
      %run_scoped3A = tpu.sem_alloc : memref<!tpu.dma_semaphore, #tpu.memory_space<semaphore_mem>>
      tpu.enqueue_dma source(%arg3 : memref<128x128xf32, #tpu.memory_space<hbm>>) target(%arg7 : memref<128x128xf32, #tpu.memory_space<vmem>>) target_semaphore(%run_scoped3A : memref<!tpu.dma_semaphore, #tpu.memory_space<semaphore_mem>>)
      tpu.wait_dma2 semaphore(%run_scoped3A : memref<!tpu.dma_semaphore, #tpu.memory_space<semaphore_mem>>) src(%arg3 : memref<128x128xf32, #tpu.memory_space<hbm>>) dst(%arg7 : memref<128x128xf32, #tpu.memory_space<vmem>>)
      tpu.yield
    }) : () -> ()
    "tpu.region"() ({
      %run_scoped3A = tpu.sem_alloc : memref<!tpu.dma_semaphore, #tpu.memory_space<semaphore_mem>>
      %dma_start3A = arith.constant 0 : i32
      %dma_start3A_39 = arith.constant 0 : i32
      %dma_start3A_40 = tpu.memref_slice %arg2[%add3A, %dma_start3A, %dma_start3A_39] : memref<32x80x128xi32, #tpu.memory_space<hbm>> -> memref<1x80x128xi32, #tpu.memory_space<hbm>>
      %dma_start3A_41 = tpu.memref_squeeze %dma_start3A_40 : memref<1x80x128xi32, #tpu.memory_space<hbm>> -> memref<80x128xi32, #tpu.memory_space<hbm>>
      %dma_start3A_42 = arith.constant 0 : i32
      %dma_start3A_43 = arith.constant 0 : i32
      %dma_start3A_44 = tpu.memref_slice %arg2[%add3A, %dma_start3A_42, %dma_start3A_43] : memref<32x80x128xi32, #tpu.memory_space<hbm>> -> memref<1x80x128xi32, #tpu.memory_space<hbm>>
      %dma_start3A_45 = tpu.memref_squeeze %dma_start3A_44 : memref<1x80x128xi32, #tpu.memory_space<hbm>> -> memref<80x128xi32, #tpu.memory_space<hbm>>
      tpu.enqueue_dma source(%dma_start3A_45 : memref<80x128xi32, #tpu.memory_space<hbm>>) target(%arg6 : memref<80x128xi32, #tpu.memory_space<vmem>>) target_semaphore(%run_scoped3A : memref<!tpu.dma_semaphore, #tpu.memory_space<semaphore_mem>>)
      %dma_wait3A = arith.constant 0 : i32
      %dma_wait3A_46 = arith.constant 0 : i32
      %dma_wait3A_47 = tpu.memref_slice %arg2[%add3A, %dma_wait3A, %dma_wait3A_46] : memref<32x80x128xi32, #tpu.memory_space<hbm>> -> memref<1x80x128xi32, #tpu.memory_space<hbm>>
      %dma_wait3A_48 = tpu.memref_squeeze %dma_wait3A_47 : memref<1x80x128xi32, #tpu.memory_space<hbm>> -> memref<80x128xi32, #tpu.memory_space<hbm>>
      %dma_wait3A_49 = arith.constant 0 : i32
      %dma_wait3A_50 = arith.constant 0 : i32
      %dma_wait3A_51 = tpu.memref_slice %arg2[%add3A, %dma_wait3A_49, %dma_wait3A_50] : memref<32x80x128xi32, #tpu.memory_space<hbm>> -> memref<1x80x128xi32, #tpu.memory_space<hbm>>
      %dma_wait3A_52 = tpu.memref_squeeze %dma_wait3A_51 : memref<1x80x128xi32, #tpu.memory_space<hbm>> -> memref<80x128xi32, #tpu.memory_space<hbm>>
      tpu.wait_dma2 semaphore(%run_scoped3A : memref<!tpu.dma_semaphore, #tpu.memory_space<semaphore_mem>>) src(%dma_wait3A_52 : memref<80x128xi32, #tpu.memory_space<hbm>>) dst(%arg6 : memref<80x128xi32, #tpu.memory_space<vmem>>)
      tpu.yield
    }) : () -> ()
    %barrier3A = arith.constant 0 : index
    tpu.barrier barrier_id(%barrier3A)
    %scan3A = arith.constant 0 : i32
    %scan3A_13 = arith.constant 0 : i32
    %scan3A_14 = arith.constant 80 : i32
    %scan3A_15 = arith.addi %scan3A_13, %scan3A_14 : i32
    %scan3A_16 = arith.constant 1 : i32
    scf.for %scan3A_39 = %scan3A_13 to %scan3A_15 step %scan3A_16  : i32 {
      "tpu.region"() ({
        %run_scoped3A = tpu.sem_alloc : memref<!tpu.dma_semaphore, #tpu.memory_space<semaphore_mem>>
        %dma_start3A = arith.constant 0 : i32
        %dma_start3A_40 = tpu.memref_slice %arg6[%scan3A_39, %dma_start3A] : memref<80x128xi32, #tpu.memory_space<vmem>> -> memref<1x128xi32, #tpu.memory_space<vmem>>
        %dma_start3A_41 = tpu.memref_squeeze %dma_start3A_40 : memref<1x128xi32, #tpu.memory_space<vmem>> -> memref<128xi32, #tpu.memory_space<vmem>>
        %dma_start3A_42 = arith.constant 0 : i32
        %dma_start3A_43 = arith.constant 0 : i32
        %dma_start3A_44 = tpu.memref_slice %arg8[%dma_start3A_42, %dma_start3A_43] : memref<10112x128xf32, #tpu.memory_space<vmem_shared>> -> memref<10112x128xf32, #tpu.memory_space<vmem_shared>>
        tpu.enqueue_indirect_dma source(%arg7 : memref<128x128xf32, #tpu.memory_space<vmem>>) target(%dma_start3A_44 : memref<10112x128xf32, #tpu.memory_space<vmem_shared>>) offsets(%dma_start3A_41 : memref<128xi32, #tpu.memory_space<vmem>>) semaphore(%run_scoped3A : memref<!tpu.dma_semaphore, #tpu.memory_space<semaphore_mem>>) {add = true}
        %dma_wait3A = arith.constant 0 : i32
        %dma_wait3A_45 = tpu.memref_slice %arg6[%scan3A_39, %dma_wait3A] : memref<80x128xi32, #tpu.memory_space<vmem>> -> memref<1x128xi32, #tpu.memory_space<vmem>>
        %dma_wait3A_46 = tpu.memref_squeeze %dma_wait3A_45 : memref<1x128xi32, #tpu.memory_space<vmem>> -> memref<128xi32, #tpu.memory_space<vmem>>
        %dma_wait3A_47 = arith.constant 0 : i32
        %dma_wait3A_48 = arith.constant 0 : i32
        %dma_wait3A_49 = tpu.memref_slice %arg8[%dma_wait3A_47, %dma_wait3A_48] : memref<10112x128xf32, #tpu.memory_space<vmem_shared>> -> memref<10112x128xf32, #tpu.memory_space<vmem_shared>>
        tpu.wait_indirect_dma semaphore(%run_scoped3A : memref<!tpu.dma_semaphore, #tpu.memory_space<semaphore_mem>>) src(%arg7 : memref<128x128xf32, #tpu.memory_space<vmem>>) dst(%dma_wait3A_49 : memref<10112x128xf32, #tpu.memory_space<vmem_shared>>)
        tpu.yield
      }) : () -> ()
    }
    %scan3A_17 = arith.constant 80 : i32
    %barrier3A_18 = arith.constant 0 : index
    tpu.barrier barrier_id(%barrier3A_18)
    %add3A_19 = arith.constant 0 : i32
    %add3A_20 = arith.addi %mul3A_2, %add3A_19 : i32
    "tpu.region"() ({
      %run_scoped3A = tpu.sem_alloc : memref<!tpu.dma_semaphore, #tpu.memory_space<semaphore_mem>>
      %dma_start3A = arith.constant 0 : i32
      %dma_start3A_39 = arith.constant 0 : i32
      %dma_start3A_40 = tpu.memref_slice %arg7[%dma_start3A, %dma_start3A_39] : memref<128x128xf32, #tpu.memory_space<vmem>> -> memref<128x128xf32, #tpu.memory_space<vmem>>
      %dma_start3A_41 = arith.constant 0 : i32
      %dma_start3A_42 = tpu.memref_slice %arg8[%add3A_20, %dma_start3A_41] : memref<10112x128xf32, #tpu.memory_space<vmem_shared>> -> memref<128x128xf32, #tpu.memory_space<vmem_shared>>
      %dma_start3A_43 = arith.constant 0 : i32
      %dma_start3A_44 = arith.constant 0 : i32
      %dma_start3A_45 = tpu.memref_slice %arg7[%dma_start3A_43, %dma_start3A_44] : memref<128x128xf32, #tpu.memory_space<vmem>> -> memref<128x128xf32, #tpu.memory_space<vmem>>
      %dma_start3A_46 = arith.constant 0 : i32
      %dma_start3A_47 = tpu.memref_slice %arg8[%add3A_20, %dma_start3A_46] : memref<10112x128xf32, #tpu.memory_space<vmem_shared>> -> memref<128x128xf32, #tpu.memory_space<vmem_shared>>
      tpu.enqueue_dma source(%dma_start3A_47 : memref<128x128xf32, #tpu.memory_space<vmem_shared>>) target(%dma_start3A_45 : memref<128x128xf32, #tpu.memory_space<vmem>>) target_semaphore(%run_scoped3A : memref<!tpu.dma_semaphore, #tpu.memory_space<semaphore_mem>>)
      %dma_wait3A = arith.constant 0 : i32
      %dma_wait3A_48 = arith.constant 0 : i32
      %dma_wait3A_49 = tpu.memref_slice %arg7[%dma_wait3A, %dma_wait3A_48] : memref<128x128xf32, #tpu.memory_space<vmem>> -> memref<128x128xf32, #tpu.memory_space<vmem>>
      %dma_wait3A_50 = arith.constant 0 : i32
      %dma_wait3A_51 = tpu.memref_slice %arg8[%add3A_20, %dma_wait3A_50] : memref<10112x128xf32, #tpu.memory_space<vmem_shared>> -> memref<128x128xf32, #tpu.memory_space<vmem_shared>>
      %dma_wait3A_52 = arith.constant 0 : i32
      %dma_wait3A_53 = arith.constant 0 : i32
      %dma_wait3A_54 = tpu.memref_slice %arg7[%dma_wait3A_52, %dma_wait3A_53] : memref<128x128xf32, #tpu.memory_space<vmem>> -> memref<128x128xf32, #tpu.memory_space<vmem>>
      %dma_wait3A_55 = arith.constant 0 : i32
      %dma_wait3A_56 = tpu.memref_slice %arg8[%add3A_20, %dma_wait3A_55] : memref<10112x128xf32, #tpu.memory_space<vmem_shared>> -> memref<128x128xf32, #tpu.memory_space<vmem_shared>>
      tpu.wait_dma2 semaphore(%run_scoped3A : memref<!tpu.dma_semaphore, #tpu.memory_space<semaphore_mem>>) src(%dma_wait3A_56 : memref<128x128xf32, #tpu.memory_space<vmem_shared>>) dst(%dma_wait3A_54 : memref<128x128xf32, #tpu.memory_space<vmem>>)
      tpu.yield
    }) : () -> ()
    %add3A_21 = arith.constant 0 : i32
    %add3A_22 = arith.addi %mul3A_2, %add3A_21 : i32
    "tpu.region"() ({
      %run_scoped3A = tpu.sem_alloc : memref<!tpu.dma_semaphore, #tpu.memory_space<semaphore_mem>>
      %dma_start3A = arith.constant 0 : i32
      %dma_start3A_39 = arith.constant 0 : i32
      %dma_start3A_40 = tpu.memref_slice %arg7[%dma_start3A, %dma_start3A_39] : memref<128x128xf32, #tpu.memory_space<vmem>> -> memref<128x128xf32, #tpu.memory_space<vmem>>
      %dma_start3A_41 = arith.constant 0 : i32
      %dma_start3A_42 = tpu.memref_slice %arg5[%arg0, %add3A_22, %dma_start3A_41] : memref<2x10112x128xf32, #tpu.memory_space<hbm>> -> memref<1x128x128xf32, #tpu.memory_space<hbm>>
      %dma_start3A_43 = tpu.memref_squeeze %dma_start3A_42 : memref<1x128x128xf32, #tpu.memory_space<hbm>> -> memref<128x128xf32, #tpu.memory_space<hbm>>
      %dma_start3A_44 = arith.constant 0 : i32
      %dma_start3A_45 = tpu.memref_slice %arg5[%arg0, %add3A_22, %dma_start3A_44] : memref<2x10112x128xf32, #tpu.memory_space<hbm>> -> memref<1x128x128xf32, #tpu.memory_space<hbm>>
      %dma_start3A_46 = tpu.memref_squeeze %dma_start3A_45 : memref<1x128x128xf32, #tpu.memory_space<hbm>> -> memref<128x128xf32, #tpu.memory_space<hbm>>
      %dma_start3A_47 = arith.constant 0 : i32
      %dma_start3A_48 = arith.constant 0 : i32
      %dma_start3A_49 = tpu.memref_slice %arg7[%dma_start3A_47, %dma_start3A_48] : memref<128x128xf32, #tpu.memory_space<vmem>> -> memref<128x128xf32, #tpu.memory_space<vmem>>
      tpu.enqueue_dma source(%dma_start3A_49 : memref<128x128xf32, #tpu.memory_space<vmem>>) target(%dma_start3A_46 : memref<128x128xf32, #tpu.memory_space<hbm>>) target_semaphore(%run_scoped3A : memref<!tpu.dma_semaphore, #tpu.memory_space<semaphore_mem>>)
      %dma_wait3A = arith.constant 0 : i32
      %dma_wait3A_50 = arith.constant 0 : i32
      %dma_wait3A_51 = tpu.memref_slice %arg7[%dma_wait3A, %dma_wait3A_50] : memref<128x128xf32, #tpu.memory_space<vmem>> -> memref<128x128xf32, #tpu.memory_space<vmem>>
      %dma_wait3A_52 = arith.constant 0 : i32
      %dma_wait3A_53 = tpu.memref_slice %arg5[%arg0, %add3A_22, %dma_wait3A_52] : memref<2x10112x128xf32, #tpu.memory_space<hbm>> -> memref<1x128x128xf32, #tpu.memory_space<hbm>>
      %dma_wait3A_54 = tpu.memref_squeeze %dma_wait3A_53 : memref<1x128x128xf32, #tpu.memory_space<hbm>> -> memref<128x128xf32, #tpu.memory_space<hbm>>
      %dma_wait3A_55 = arith.constant 0 : i32
      %dma_wait3A_56 = tpu.memref_slice %arg5[%arg0, %add3A_22, %dma_wait3A_55] : memref<2x10112x128xf32, #tpu.memory_space<hbm>> -> memref<1x128x128xf32, #tpu.memory_space<hbm>>
      %dma_wait3A_57 = tpu.memref_squeeze %dma_wait3A_56 : memref<1x128x128xf32, #tpu.memory_space<hbm>> -> memref<128x128xf32, #tpu.memory_space<hbm>>
      %dma_wait3A_58 = arith.constant 0 : i32
      %dma_wait3A_59 = arith.constant 0 : i32
      %dma_wait3A_60 = tpu.memref_slice %arg7[%dma_wait3A_58, %dma_wait3A_59] : memref<128x128xf32, #tpu.memory_space<vmem>> -> memref<128x128xf32, #tpu.memory_space<vmem>>
      tpu.wait_dma2 semaphore(%run_scoped3A : memref<!tpu.dma_semaphore, #tpu.memory_space<semaphore_mem>>) src(%dma_wait3A_60 : memref<128x128xf32, #tpu.memory_space<vmem>>) dst(%dma_wait3A_57 : memref<128x128xf32, #tpu.memory_space<hbm>>)
      tpu.yield
    }) : () -> ()
    %add3A_23 = arith.constant 128 : i32
    %add3A_24 = arith.addi %mul3A_2, %add3A_23 : i32
    "tpu.region"() ({
      %run_scoped3A = tpu.sem_alloc : memref<!tpu.dma_semaphore, #tpu.memory_space<semaphore_mem>>
      %dma_start3A = arith.constant 0 : i32
      %dma_start3A_39 = arith.constant 0 : i32
      %dma_start3A_40 = tpu.memref_slice %arg7[%dma_start3A, %dma_start3A_39] : memref<128x128xf32, #tpu.memory_space<vmem>> -> memref<128x128xf32, #tpu.memory_space<vmem>>
      %dma_start3A_41 = arith.constant 0 : i32
      %dma_start3A_42 = tpu.memref_slice %arg8[%add3A_24, %dma_start3A_41] : memref<10112x128xf32, #tpu.memory_space<vmem_shared>> -> memref<128x128xf32, #tpu.memory_space<vmem_shared>>
      %dma_start3A_43 = arith.constant 0 : i32
      %dma_start3A_44 = arith.constant 0 : i32
      %dma_start3A_45 = tpu.memref_slice %arg7[%dma_start3A_43, %dma_start3A_44] : memref<128x128xf32, #tpu.memory_space<vmem>> -> memref<128x128xf32, #tpu.memory_space<vmem>>
      %dma_start3A_46 = arith.constant 0 : i32
      %dma_start3A_47 = tpu.memref_slice %arg8[%add3A_24, %dma_start3A_46] : memref<10112x128xf32, #tpu.memory_space<vmem_shared>> -> memref<128x128xf32, #tpu.memory_space<vmem_shared>>
      tpu.enqueue_dma source(%dma_start3A_47 : memref<128x128xf32, #tpu.memory_space<vmem_shared>>) target(%dma_start3A_45 : memref<128x128xf32, #tpu.memory_space<vmem>>) target_semaphore(%run_scoped3A : memref<!tpu.dma_semaphore, #tpu.memory_space<semaphore_mem>>)
      %dma_wait3A = arith.constant 0 : i32
      %dma_wait3A_48 = arith.constant 0 : i32
      %dma_wait3A_49 = tpu.memref_slice %arg7[%dma_wait3A, %dma_wait3A_48] : memref<128x128xf32, #tpu.memory_space<vmem>> -> memref<128x128xf32, #tpu.memory_space<vmem>>
      %dma_wait3A_50 = arith.constant 0 : i32
      %dma_wait3A_51 = tpu.memref_slice %arg8[%add3A_24, %dma_wait3A_50] : memref<10112x128xf32, #tpu.memory_space<vmem_shared>> -> memref<128x128xf32, #tpu.memory_space<vmem_shared>>
      %dma_wait3A_52 = arith.constant 0 : i32
      %dma_wait3A_53 = arith.constant 0 : i32
      %dma_wait3A_54 = tpu.memref_slice %arg7[%dma_wait3A_52, %dma_wait3A_53] : memref<128x128xf32, #tpu.memory_space<vmem>> -> memref<128x128xf32, #tpu.memory_space<vmem>>
      %dma_wait3A_55 = arith.constant 0 : i32
      %dma_wait3A_56 = tpu.memref_slice %arg8[%add3A_24, %dma_wait3A_55] : memref<10112x128xf32, #tpu.memory_space<vmem_shared>> -> memref<128x128xf32, #tpu.memory_space<vmem_shared>>
      tpu.wait_dma2 semaphore(%run_scoped3A : memref<!tpu.dma_semaphore, #tpu.memory_space<semaphore_mem>>) src(%dma_wait3A_56 : memref<128x128xf32, #tpu.memory_space<vmem_shared>>) dst(%dma_wait3A_54 : memref<128x128xf32, #tpu.memory_space<vmem>>)
      tpu.yield
    }) : () -> ()
    %add3A_25 = arith.constant 128 : i32
    %add3A_26 = arith.addi %mul3A_2, %add3A_25 : i32
    "tpu.region"() ({
      %run_scoped3A = tpu.sem_alloc : memref<!tpu.dma_semaphore, #tpu.memory_space<semaphore_mem>>
      %dma_start3A = arith.constant 0 : i32
      %dma_start3A_39 = arith.constant 0 : i32
      %dma_start3A_40 = tpu.memref_slice %arg7[%dma_start3A, %dma_start3A_39] : memref<128x128xf32, #tpu.memory_space<vmem>> -> memref<128x128xf32, #tpu.memory_space<vmem>>
      %dma_start3A_41 = arith.constant 0 : i32
      %dma_start3A_42 = tpu.memref_slice %arg5[%arg0, %add3A_26, %dma_start3A_41] : memref<2x10112x128xf32, #tpu.memory_space<hbm>> -> memref<1x128x128xf32, #tpu.memory_space<hbm>>
      %dma_start3A_43 = tpu.memref_squeeze %dma_start3A_42 : memref<1x128x128xf32, #tpu.memory_space<hbm>> -> memref<128x128xf32, #tpu.memory_space<hbm>>
      %dma_start3A_44 = arith.constant 0 : i32
      %dma_start3A_45 = tpu.memref_slice %arg5[%arg0, %add3A_26, %dma_start3A_44] : memref<2x10112x128xf32, #tpu.memory_space<hbm>> -> memref<1x128x128xf32, #tpu.memory_space<hbm>>
      %dma_start3A_46 = tpu.memref_squeeze %dma_start3A_45 : memref<1x128x128xf32, #tpu.memory_space<hbm>> -> memref<128x128xf32, #tpu.memory_space<hbm>>
      %dma_start3A_47 = arith.constant 0 : i32
      %dma_start3A_48 = arith.constant 0 : i32
      %dma_start3A_49 = tpu.memref_slice %arg7[%dma_start3A_47, %dma_start3A_48] : memref<128x128xf32, #tpu.memory_space<vmem>> -> memref<128x128xf32, #tpu.memory_space<vmem>>
      tpu.enqueue_dma source(%dma_start3A_49 : memref<128x128xf32, #tpu.memory_space<vmem>>) target(%dma_start3A_46 : memref<128x128xf32, #tpu.memory_space<hbm>>) target_semaphore(%run_scoped3A : memref<!tpu.dma_semaphore, #tpu.memory_space<semaphore_mem>>)
      %dma_wait3A = arith.constant 0 : i32
      %dma_wait3A_50 = arith.constant 0 : i32
      %dma_wait3A_51 = tpu.memref_slice %arg7[%dma_wait3A, %dma_wait3A_50] : memref<128x128xf32, #tpu.memory_space<vmem>> -> memref<128x128xf32, #tpu.memory_space<vmem>>
      %dma_wait3A_52 = arith.constant 0 : i32
      %dma_wait3A_53 = tpu.memref_slice %arg5[%arg0, %add3A_26, %dma_wait3A_52] : memref<2x10112x128xf32, #tpu.memory_space<hbm>> -> memref<1x128x128xf32, #tpu.memory_space<hbm>>
      %dma_wait3A_54 = tpu.memref_squeeze %dma_wait3A_53 : memref<1x128x128xf32, #tpu.memory_space<hbm>> -> memref<128x128xf32, #tpu.memory_space<hbm>>
      %dma_wait3A_55 = arith.constant 0 : i32
      %dma_wait3A_56 = tpu.memref_slice %arg5[%arg0, %add3A_26, %dma_wait3A_55] : memref<2x10112x128xf32, #tpu.memory_space<hbm>> -> memref<1x128x128xf32, #tpu.memory_space<hbm>>
      %dma_wait3A_57 = tpu.memref_squeeze %dma_wait3A_56 : memref<1x128x128xf32, #tpu.memory_space<hbm>> -> memref<128x128xf32, #tpu.memory_space<hbm>>
      %dma_wait3A_58 = arith.constant 0 : i32
      %dma_wait3A_59 = arith.constant 0 : i32
      %dma_wait3A_60 = tpu.memref_slice %arg7[%dma_wait3A_58, %dma_wait3A_59] : memref<128x128xf32, #tpu.memory_space<vmem>> -> memref<128x128xf32, #tpu.memory_space<vmem>>
      tpu.wait_dma2 semaphore(%run_scoped3A : memref<!tpu.dma_semaphore, #tpu.memory_space<semaphore_mem>>) src(%dma_wait3A_60 : memref<128x128xf32, #tpu.memory_space<vmem>>) dst(%dma_wait3A_57 : memref<128x128xf32, #tpu.memory_space<hbm>>)
      tpu.yield
    }) : () -> ()
    %add3A_27 = arith.constant 256 : i32
    %add3A_28 = arith.addi %mul3A_2, %add3A_27 : i32
    "tpu.region"() ({
      %run_scoped3A = tpu.sem_alloc : memref<!tpu.dma_semaphore, #tpu.memory_space<semaphore_mem>>
      %dma_start3A = arith.constant 0 : i32
      %dma_start3A_39 = arith.constant 0 : i32
      %dma_start3A_40 = tpu.memref_slice %arg7[%dma_start3A, %dma_start3A_39] : memref<128x128xf32, #tpu.memory_space<vmem>> -> memref<128x128xf32, #tpu.memory_space<vmem>>
      %dma_start3A_41 = arith.constant 0 : i32
      %dma_start3A_42 = tpu.memref_slice %arg8[%add3A_28, %dma_start3A_41] : memref<10112x128xf32, #tpu.memory_space<vmem_shared>> -> memref<128x128xf32, #tpu.memory_space<vmem_shared>>
      %dma_start3A_43 = arith.constant 0 : i32
      %dma_start3A_44 = arith.constant 0 : i32
      %dma_start3A_45 = tpu.memref_slice %arg7[%dma_start3A_43, %dma_start3A_44] : memref<128x128xf32, #tpu.memory_space<vmem>> -> memref<128x128xf32, #tpu.memory_space<vmem>>
      %dma_start3A_46 = arith.constant 0 : i32
      %dma_start3A_47 = tpu.memref_slice %arg8[%add3A_28, %dma_start3A_46] : memref<10112x128xf32, #tpu.memory_space<vmem_shared>> -> memref<128x128xf32, #tpu.memory_space<vmem_shared>>
      tpu.enqueue_dma source(%dma_start3A_47 : memref<128x128xf32, #tpu.memory_space<vmem_shared>>) target(%dma_start3A_45 : memref<128x128xf32, #tpu.memory_space<vmem>>) target_semaphore(%run_scoped3A : memref<!tpu.dma_semaphore, #tpu.memory_space<semaphore_mem>>)
      %dma_wait3A = arith.constant 0 : i32
      %dma_wait3A_48 = arith.constant 0 : i32
      %dma_wait3A_49 = tpu.memref_slice %arg7[%dma_wait3A, %dma_wait3A_48] : memref<128x128xf32, #tpu.memory_space<vmem>> -> memref<128x128xf32, #tpu.memory_space<vmem>>
      %dma_wait3A_50 = arith.constant 0 : i32
      %dma_wait3A_51 = tpu.memref_slice %arg8[%add3A_28, %dma_wait3A_50] : memref<10112x128xf32, #tpu.memory_space<vmem_shared>> -> memref<128x128xf32, #tpu.memory_space<vmem_shared>>
      %dma_wait3A_52 = arith.constant 0 : i32
      %dma_wait3A_53 = arith.constant 0 : i32
      %dma_wait3A_54 = tpu.memref_slice %arg7[%dma_wait3A_52, %dma_wait3A_53] : memref<128x128xf32, #tpu.memory_space<vmem>> -> memref<128x128xf32, #tpu.memory_space<vmem>>
      %dma_wait3A_55 = arith.constant 0 : i32
      %dma_wait3A_56 = tpu.memref_slice %arg8[%add3A_28, %dma_wait3A_55] : memref<10112x128xf32, #tpu.memory_space<vmem_shared>> -> memref<128x128xf32, #tpu.memory_space<vmem_shared>>
      tpu.wait_dma2 semaphore(%run_scoped3A : memref<!tpu.dma_semaphore, #tpu.memory_space<semaphore_mem>>) src(%dma_wait3A_56 : memref<128x128xf32, #tpu.memory_space<vmem_shared>>) dst(%dma_wait3A_54 : memref<128x128xf32, #tpu.memory_space<vmem>>)
      tpu.yield
    }) : () -> ()
    %add3A_29 = arith.constant 256 : i32
    %add3A_30 = arith.addi %mul3A_2, %add3A_29 : i32
    "tpu.region"() ({
      %run_scoped3A = tpu.sem_alloc : memref<!tpu.dma_semaphore, #tpu.memory_space<semaphore_mem>>
      %dma_start3A = arith.constant 0 : i32
      %dma_start3A_39 = arith.constant 0 : i32
      %dma_start3A_40 = tpu.memref_slice %arg7[%dma_start3A, %dma_start3A_39] : memref<128x128xf32, #tpu.memory_space<vmem>> -> memref<128x128xf32, #tpu.memory_space<vmem>>
      %dma_start3A_41 = arith.constant 0 : i32
      %dma_start3A_42 = tpu.memref_slice %arg5[%arg0, %add3A_30, %dma_start3A_41] : memref<2x10112x128xf32, #tpu.memory_space<hbm>> -> memref<1x128x128xf32, #tpu.memory_space<hbm>>
      %dma_start3A_43 = tpu.memref_squeeze %dma_start3A_42 : memref<1x128x128xf32, #tpu.memory_space<hbm>> -> memref<128x128xf32, #tpu.memory_space<hbm>>
      %dma_start3A_44 = arith.constant 0 : i32
      %dma_start3A_45 = tpu.memref_slice %arg5[%arg0, %add3A_30, %dma_start3A_44] : memref<2x10112x128xf32, #tpu.memory_space<hbm>> -> memref<1x128x128xf32, #tpu.memory_space<hbm>>
      %dma_start3A_46 = tpu.memref_squeeze %dma_start3A_45 : memref<1x128x128xf32, #tpu.memory_space<hbm>> -> memref<128x128xf32, #tpu.memory_space<hbm>>
      %dma_start3A_47 = arith.constant 0 : i32
      %dma_start3A_48 = arith.constant 0 : i32
      %dma_start3A_49 = tpu.memref_slice %arg7[%dma_start3A_47, %dma_start3A_48] : memref<128x128xf32, #tpu.memory_space<vmem>> -> memref<128x128xf32, #tpu.memory_space<vmem>>
      tpu.enqueue_dma source(%dma_start3A_49 : memref<128x128xf32, #tpu.memory_space<vmem>>) target(%dma_start3A_46 : memref<128x128xf32, #tpu.memory_space<hbm>>) target_semaphore(%run_scoped3A : memref<!tpu.dma_semaphore, #tpu.memory_space<semaphore_mem>>)
      %dma_wait3A = arith.constant 0 : i32
      %dma_wait3A_50 = arith.constant 0 : i32
      %dma_wait3A_51 = tpu.memref_slice %arg7[%dma_wait3A, %dma_wait3A_50] : memref<128x128xf32, #tpu.memory_space<vmem>> -> memref<128x128xf32, #tpu.memory_space<vmem>>
      %dma_wait3A_52 = arith.constant 0 : i32
      %dma_wait3A_53 = tpu.memref_slice %arg5[%arg0, %add3A_30, %dma_wait3A_52] : memref<2x10112x128xf32, #tpu.memory_space<hbm>> -> memref<1x128x128xf32, #tpu.memory_space<hbm>>
      %dma_wait3A_54 = tpu.memref_squeeze %dma_wait3A_53 : memref<1x128x128xf32, #tpu.memory_space<hbm>> -> memref<128x128xf32, #tpu.memory_space<hbm>>
      %dma_wait3A_55 = arith.constant 0 : i32
      %dma_wait3A_56 = tpu.memref_slice %arg5[%arg0, %add3A_30, %dma_wait3A_55] : memref<2x10112x128xf32, #tpu.memory_space<hbm>> -> memref<1x128x128xf32, #tpu.memory_space<hbm>>
      %dma_wait3A_57 = tpu.memref_squeeze %dma_wait3A_56 : memref<1x128x128xf32, #tpu.memory_space<hbm>> -> memref<128x128xf32, #tpu.memory_space<hbm>>
      %dma_wait3A_58 = arith.constant 0 : i32
      %dma_wait3A_59 = arith.constant 0 : i32
      %dma_wait3A_60 = tpu.memref_slice %arg7[%dma_wait3A_58, %dma_wait3A_59] : memref<128x128xf32, #tpu.memory_space<vmem>> -> memref<128x128xf32, #tpu.memory_space<vmem>>
      tpu.wait_dma2 semaphore(%run_scoped3A : memref<!tpu.dma_semaphore, #tpu.memory_space<semaphore_mem>>) src(%dma_wait3A_60 : memref<128x128xf32, #tpu.memory_space<vmem>>) dst(%dma_wait3A_57 : memref<128x128xf32, #tpu.memory_space<hbm>>)
      tpu.yield
    }) : () -> ()
    %add3A_31 = arith.constant 384 : i32
    %add3A_32 = arith.addi %mul3A_2, %add3A_31 : i32
    "tpu.region"() ({
      %run_scoped3A = tpu.sem_alloc : memref<!tpu.dma_semaphore, #tpu.memory_space<semaphore_mem>>
      %dma_start3A = arith.constant 0 : i32
      %dma_start3A_39 = arith.constant 0 : i32
      %dma_start3A_40 = tpu.memref_slice %arg7[%dma_start3A, %dma_start3A_39] : memref<128x128xf32, #tpu.memory_space<vmem>> -> memref<128x128xf32, #tpu.memory_space<vmem>>
      %dma_start3A_41 = arith.constant 0 : i32
      %dma_start3A_42 = tpu.memref_slice %arg8[%add3A_32, %dma_start3A_41] : memref<10112x128xf32, #tpu.memory_space<vmem_shared>> -> memref<128x128xf32, #tpu.memory_space<vmem_shared>>
      %dma_start3A_43 = arith.constant 0 : i32
      %dma_start3A_44 = arith.constant 0 : i32
      %dma_start3A_45 = tpu.memref_slice %arg7[%dma_start3A_43, %dma_start3A_44] : memref<128x128xf32, #tpu.memory_space<vmem>> -> memref<128x128xf32, #tpu.memory_space<vmem>>
      %dma_start3A_46 = arith.constant 0 : i32
      %dma_start3A_47 = tpu.memref_slice %arg8[%add3A_32, %dma_start3A_46] : memref<10112x128xf32, #tpu.memory_space<vmem_shared>> -> memref<128x128xf32, #tpu.memory_space<vmem_shared>>
      tpu.enqueue_dma source(%dma_start3A_47 : memref<128x128xf32, #tpu.memory_space<vmem_shared>>) target(%dma_start3A_45 : memref<128x128xf32, #tpu.memory_space<vmem>>) target_semaphore(%run_scoped3A : memref<!tpu.dma_semaphore, #tpu.memory_space<semaphore_mem>>)
      %dma_wait3A = arith.constant 0 : i32
      %dma_wait3A_48 = arith.constant 0 : i32
      %dma_wait3A_49 = tpu.memref_slice %arg7[%dma_wait3A, %dma_wait3A_48] : memref<128x128xf32, #tpu.memory_space<vmem>> -> memref<128x128xf32, #tpu.memory_space<vmem>>
      %dma_wait3A_50 = arith.constant 0 : i32
      %dma_wait3A_51 = tpu.memref_slice %arg8[%add3A_32, %dma_wait3A_50] : memref<10112x128xf32, #tpu.memory_space<vmem_shared>> -> memref<128x128xf32, #tpu.memory_space<vmem_shared>>
      %dma_wait3A_52 = arith.constant 0 : i32
      %dma_wait3A_53 = arith.constant 0 : i32
      %dma_wait3A_54 = tpu.memref_slice %arg7[%dma_wait3A_52, %dma_wait3A_53] : memref<128x128xf32, #tpu.memory_space<vmem>> -> memref<128x128xf32, #tpu.memory_space<vmem>>
      %dma_wait3A_55 = arith.constant 0 : i32
      %dma_wait3A_56 = tpu.memref_slice %arg8[%add3A_32, %dma_wait3A_55] : memref<10112x128xf32, #tpu.memory_space<vmem_shared>> -> memref<128x128xf32, #tpu.memory_space<vmem_shared>>
      tpu.wait_dma2 semaphore(%run_scoped3A : memref<!tpu.dma_semaphore, #tpu.memory_space<semaphore_mem>>) src(%dma_wait3A_56 : memref<128x128xf32, #tpu.memory_space<vmem_shared>>) dst(%dma_wait3A_54 : memref<128x128xf32, #tpu.memory_space<vmem>>)
      tpu.yield
    }) : () -> ()
    %add3A_33 = arith.constant 384 : i32
    %add3A_34 = arith.addi %mul3A_2, %add3A_33 : i32
    "tpu.region"() ({
      %run_scoped3A = tpu.sem_alloc : memref<!tpu.dma_semaphore, #tpu.memory_space<semaphore_mem>>
      %dma_start3A = arith.constant 0 : i32
      %dma_start3A_39 = arith.constant 0 : i32
      %dma_start3A_40 = tpu.memref_slice %arg7[%dma_start3A, %dma_start3A_39] : memref<128x128xf32, #tpu.memory_space<vmem>> -> memref<128x128xf32, #tpu.memory_space<vmem>>
      %dma_start3A_41 = arith.constant 0 : i32
      %dma_start3A_42 = tpu.memref_slice %arg5[%arg0, %add3A_34, %dma_start3A_41] : memref<2x10112x128xf32, #tpu.memory_space<hbm>> -> memref<1x128x128xf32, #tpu.memory_space<hbm>>
      %dma_start3A_43 = tpu.memref_squeeze %dma_start3A_42 : memref<1x128x128xf32, #tpu.memory_space<hbm>> -> memref<128x128xf32, #tpu.memory_space<hbm>>
      %dma_start3A_44 = arith.constant 0 : i32
      %dma_start3A_45 = tpu.memref_slice %arg5[%arg0, %add3A_34, %dma_start3A_44] : memref<2x10112x128xf32, #tpu.memory_space<hbm>> -> memref<1x128x128xf32, #tpu.memory_space<hbm>>
      %dma_start3A_46 = tpu.memref_squeeze %dma_start3A_45 : memref<1x128x128xf32, #tpu.memory_space<hbm>> -> memref<128x128xf32, #tpu.memory_space<hbm>>
      %dma_start3A_47 = arith.constant 0 : i32
      %dma_start3A_48 = arith.constant 0 : i32
      %dma_start3A_49 = tpu.memref_slice %arg7[%dma_start3A_47, %dma_start3A_48] : memref<128x128xf32, #tpu.memory_space<vmem>> -> memref<128x128xf32, #tpu.memory_space<vmem>>
      tpu.enqueue_dma source(%dma_start3A_49 : memref<128x128xf32, #tpu.memory_space<vmem>>) target(%dma_start3A_46 : memref<128x128xf32, #tpu.memory_space<hbm>>) target_semaphore(%run_scoped3A : memref<!tpu.dma_semaphore, #tpu.memory_space<semaphore_mem>>)
      %dma_wait3A = arith.constant 0 : i32
      %dma_wait3A_50 = arith.constant 0 : i32
      %dma_wait3A_51 = tpu.memref_slice %arg7[%dma_wait3A, %dma_wait3A_50] : memref<128x128xf32, #tpu.memory_space<vmem>> -> memref<128x128xf32, #tpu.memory_space<vmem>>
      %dma_wait3A_52 = arith.constant 0 : i32
      %dma_wait3A_53 = tpu.memref_slice %arg5[%arg0, %add3A_34, %dma_wait3A_52] : memref<2x10112x128xf32, #tpu.memory_space<hbm>> -> memref<1x128x128xf32, #tpu.memory_space<hbm>>
      %dma_wait3A_54 = tpu.memref_squeeze %dma_wait3A_53 : memref<1x128x128xf32, #tpu.memory_space<hbm>> -> memref<128x128xf32, #tpu.memory_space<hbm>>
      %dma_wait3A_55 = arith.constant 0 : i32
      %dma_wait3A_56 = tpu.memref_slice %arg5[%arg0, %add3A_34, %dma_wait3A_55] : memref<2x10112x128xf32, #tpu.memory_space<hbm>> -> memref<1x128x128xf32, #tpu.memory_space<hbm>>
      %dma_wait3A_57 = tpu.memref_squeeze %dma_wait3A_56 : memref<1x128x128xf32, #tpu.memory_space<hbm>> -> memref<128x128xf32, #tpu.memory_space<hbm>>
      %dma_wait3A_58 = arith.constant 0 : i32
      %dma_wait3A_59 = arith.constant 0 : i32
      %dma_wait3A_60 = tpu.memref_slice %arg7[%dma_wait3A_58, %dma_wait3A_59] : memref<128x128xf32, #tpu.memory_space<vmem>> -> memref<128x128xf32, #tpu.memory_space<vmem>>
      tpu.wait_dma2 semaphore(%run_scoped3A : memref<!tpu.dma_semaphore, #tpu.memory_space<semaphore_mem>>) src(%dma_wait3A_60 : memref<128x128xf32, #tpu.memory_space<vmem>>) dst(%dma_wait3A_57 : memref<128x128xf32, #tpu.memory_space<hbm>>)
      tpu.yield
    }) : () -> ()
    %add3A_35 = arith.constant 512 : i32
    %add3A_36 = arith.addi %mul3A_2, %add3A_35 : i32
    "tpu.region"() ({
      %run_scoped3A = tpu.sem_alloc : memref<!tpu.dma_semaphore, #tpu.memory_space<semaphore_mem>>
      %dma_start3A = arith.constant 0 : i32
      %dma_start3A_39 = arith.constant 0 : i32
      %dma_start3A_40 = tpu.memref_slice %arg7[%dma_start3A, %dma_start3A_39] : memref<128x128xf32, #tpu.memory_space<vmem>> -> memref<120x128xf32, #tpu.memory_space<vmem>>
      %dma_start3A_41 = arith.constant 0 : i32
      %dma_start3A_42 = tpu.memref_slice %arg8[%add3A_36, %dma_start3A_41] : memref<10112x128xf32, #tpu.memory_space<vmem_shared>> -> memref<120x128xf32, #tpu.memory_space<vmem_shared>>
      %dma_start3A_43 = arith.constant 0 : i32
      %dma_start3A_44 = arith.constant 0 : i32
      %dma_start3A_45 = tpu.memref_slice %arg7[%dma_start3A_43, %dma_start3A_44] : memref<128x128xf32, #tpu.memory_space<vmem>> -> memref<120x128xf32, #tpu.memory_space<vmem>>
      %dma_start3A_46 = arith.constant 0 : i32
      %dma_start3A_47 = tpu.memref_slice %arg8[%add3A_36, %dma_start3A_46] : memref<10112x128xf32, #tpu.memory_space<vmem_shared>> -> memref<120x128xf32, #tpu.memory_space<vmem_shared>>
      tpu.enqueue_dma source(%dma_start3A_47 : memref<120x128xf32, #tpu.memory_space<vmem_shared>>) target(%dma_start3A_45 : memref<120x128xf32, #tpu.memory_space<vmem>>) target_semaphore(%run_scoped3A : memref<!tpu.dma_semaphore, #tpu.memory_space<semaphore_mem>>)
      %dma_wait3A = arith.constant 0 : i32
      %dma_wait3A_48 = arith.constant 0 : i32
      %dma_wait3A_49 = tpu.memref_slice %arg7[%dma_wait3A, %dma_wait3A_48] : memref<128x128xf32, #tpu.memory_space<vmem>> -> memref<120x128xf32, #tpu.memory_space<vmem>>
      %dma_wait3A_50 = arith.constant 0 : i32
      %dma_wait3A_51 = tpu.memref_slice %arg8[%add3A_36, %dma_wait3A_50] : memref<10112x128xf32, #tpu.memory_space<vmem_shared>> -> memref<120x128xf32, #tpu.memory_space<vmem_shared>>
      %dma_wait3A_52 = arith.constant 0 : i32
      %dma_wait3A_53 = arith.constant 0 : i32
      %dma_wait3A_54 = tpu.memref_slice %arg7[%dma_wait3A_52, %dma_wait3A_53] : memref<128x128xf32, #tpu.memory_space<vmem>> -> memref<120x128xf32, #tpu.memory_space<vmem>>
      %dma_wait3A_55 = arith.constant 0 : i32
      %dma_wait3A_56 = tpu.memref_slice %arg8[%add3A_36, %dma_wait3A_55] : memref<10112x128xf32, #tpu.memory_space<vmem_shared>> -> memref<120x128xf32, #tpu.memory_space<vmem_shared>>
      tpu.wait_dma2 semaphore(%run_scoped3A : memref<!tpu.dma_semaphore, #tpu.memory_space<semaphore_mem>>) src(%dma_wait3A_56 : memref<120x128xf32, #tpu.memory_space<vmem_shared>>) dst(%dma_wait3A_54 : memref<120x128xf32, #tpu.memory_space<vmem>>)
      tpu.yield
    }) : () -> ()
    %add3A_37 = arith.constant 512 : i32
    %add3A_38 = arith.addi %mul3A_2, %add3A_37 : i32
    "tpu.region"() ({
      %run_scoped3A = tpu.sem_alloc : memref<!tpu.dma_semaphore, #tpu.memory_space<semaphore_mem>>
      %dma_start3A = arith.constant 0 : i32
      %dma_start3A_39 = arith.constant 0 : i32
      %dma_start3A_40 = tpu.memref_slice %arg7[%dma_start3A, %dma_start3A_39] : memref<128x128xf32, #tpu.memory_space<vmem>> -> memref<120x128xf32, #tpu.memory_space<vmem>>
      %dma_start3A_41 = arith.constant 0 : i32
      %dma_start3A_42 = tpu.memref_slice %arg5[%arg0, %add3A_38, %dma_start3A_41] : memref<2x10112x128xf32, #tpu.memory_space<hbm>> -> memref<1x120x128xf32, #tpu.memory_space<hbm>>
      %dma_start3A_43 = tpu.memref_squeeze %dma_start3A_42 : memref<1x120x128xf32, #tpu.memory_space<hbm>> -> memref<120x128xf32, #tpu.memory_space<hbm>>
      %dma_start3A_44 = arith.constant 0 : i32
      %dma_start3A_45 = tpu.memref_slice %arg5[%arg0, %add3A_38, %dma_start3A_44] : memref<2x10112x128xf32, #tpu.memory_space<hbm>> -> memref<1x120x128xf32, #tpu.memory_space<hbm>>
      %dma_start3A_46 = tpu.memref_squeeze %dma_start3A_45 : memref<1x120x128xf32, #tpu.memory_space<hbm>> -> memref<120x128xf32, #tpu.memory_space<hbm>>
      %dma_start3A_47 = arith.constant 0 : i32
      %dma_start3A_48 = arith.constant 0 : i32
      %dma_start3A_49 = tpu.memref_slice %arg7[%dma_start3A_47, %dma_start3A_48] : memref<128x128xf32, #tpu.memory_space<vmem>> -> memref<120x128xf32, #tpu.memory_space<vmem>>
      tpu.enqueue_dma source(%dma_start3A_49 : memref<120x128xf32, #tpu.memory_space<vmem>>) target(%dma_start3A_46 : memref<120x128xf32, #tpu.memory_space<hbm>>) target_semaphore(%run_scoped3A : memref<!tpu.dma_semaphore, #tpu.memory_space<semaphore_mem>>)
      %dma_wait3A = arith.constant 0 : i32
      %dma_wait3A_50 = arith.constant 0 : i32
      %dma_wait3A_51 = tpu.memref_slice %arg7[%dma_wait3A, %dma_wait3A_50] : memref<128x128xf32, #tpu.memory_space<vmem>> -> memref<120x128xf32, #tpu.memory_space<vmem>>
      %dma_wait3A_52 = arith.constant 0 : i32
      %dma_wait3A_53 = tpu.memref_slice %arg5[%arg0, %add3A_38, %dma_wait3A_52] : memref<2x10112x128xf32, #tpu.memory_space<hbm>> -> memref<1x120x128xf32, #tpu.memory_space<hbm>>
      %dma_wait3A_54 = tpu.memref_squeeze %dma_wait3A_53 : memref<1x120x128xf32, #tpu.memory_space<hbm>> -> memref<120x128xf32, #tpu.memory_space<hbm>>
      %dma_wait3A_55 = arith.constant 0 : i32
      %dma_wait3A_56 = tpu.memref_slice %arg5[%arg0, %add3A_38, %dma_wait3A_55] : memref<2x10112x128xf32, #tpu.memory_space<hbm>> -> memref<1x120x128xf32, #tpu.memory_space<hbm>>
      %dma_wait3A_57 = tpu.memref_squeeze %dma_wait3A_56 : memref<1x120x128xf32, #tpu.memory_space<hbm>> -> memref<120x128xf32, #tpu.memory_space<hbm>>
      %dma_wait3A_58 = arith.constant 0 : i32
      %dma_wait3A_59 = arith.constant 0 : i32
      %dma_wait3A_60 = tpu.memref_slice %arg7[%dma_wait3A_58, %dma_wait3A_59] : memref<128x128xf32, #tpu.memory_space<vmem>> -> memref<120x128xf32, #tpu.memory_space<vmem>>
      tpu.wait_dma2 semaphore(%run_scoped3A : memref<!tpu.dma_semaphore, #tpu.memory_space<semaphore_mem>>) src(%dma_wait3A_60 : memref<120x128xf32, #tpu.memory_space<vmem>>) dst(%dma_wait3A_57 : memref<120x128xf32, #tpu.memory_space<hbm>>)
      tpu.yield
    }) : () -> ()
    return
  }
}

#map = affine_map<(d0, d1) -> (0, 0, 0)>
#map1 = affine_map<(d0, d1) -> (0)>
#map2 = affine_map<(d0, d1) -> (0, 0)>
module attributes {stable_mosaic.version = 14 : i64} {
  func.func @_sc_agg_body(%arg0: i32, %arg1: i32, %arg2: memref<32x80x128xi32, #tpu.memory_space<hbm>>, %arg3: memref<327680xi32, #tpu.memory_space<hbm>>, %arg4: memref<10000x128xf32, #tpu.memory_space<hbm>>, %arg5: memref<128x128xf32, #tpu.memory_space<hbm>>, %arg6: memref<2x10112x128xf32, #tpu.memory_space<hbm>>, %arg7: memref<80x128xi32, #tpu.memory_space<vmem>>, %arg8: memref<8x128xi32, #tpu.memory_space<vmem>>, %arg9: memref<128x128xf32, #tpu.memory_space<vmem>>, %arg10: memref<128x128xf32, #tpu.memory_space<vmem>>, %arg11: memref<10112x128xf32, #tpu.memory_space<vmem_shared>>, %arg12: memref<!tpu.dma_semaphore, #tpu.memory_space<semaphore_mem>>, %arg13: memref<!tpu.dma_semaphore, #tpu.memory_space<semaphore_mem>>) attributes {dimension_semantics = [#tpu.dimension_semantics<core_parallel>, #tpu.dimension_semantics<subcore_parallel>], iteration_bounds = array<i64: 2, 16>, scalar_prefetch = 0 : i64, scratch_operands = 7 : i64, tpu.core_type = #tpu.core_type<sc_vector_subcore>, window_params = [{transform_indices = #map}, {transform_indices = #map1}, {transform_indices = #map2}, {transform_indices = #map2}, {transform_indices = #map}]} {
    %mul3A = arith.constant 16 : i32
    %mul3A_0 = arith.muli %arg0, %mul3A : i32
    %add3A = arith.addi %mul3A_0, %arg1 : i32
    %mul3A_1 = arith.constant 632 : i32
    %mul3A_2 = arith.muli %arg1, %mul3A_1 : i32
    "tpu.region"() ({
      %run_scoped3A_80 = tpu.sem_alloc : memref<!tpu.dma_semaphore, #tpu.memory_space<semaphore_mem>>
      tpu.enqueue_dma source(%arg5 : memref<128x128xf32, #tpu.memory_space<hbm>>) target(%arg9 : memref<128x128xf32, #tpu.memory_space<vmem>>) target_semaphore(%run_scoped3A_80 : memref<!tpu.dma_semaphore, #tpu.memory_space<semaphore_mem>>)
      tpu.wait_dma2 semaphore(%run_scoped3A_80 : memref<!tpu.dma_semaphore, #tpu.memory_space<semaphore_mem>>) src(%arg5 : memref<128x128xf32, #tpu.memory_space<hbm>>) dst(%arg9 : memref<128x128xf32, #tpu.memory_space<vmem>>)
      tpu.yield
    }) : () -> ()
    %add3A_3 = arith.constant 0 : i32
    %add3A_4 = arith.addi %mul3A_2, %add3A_3 : i32
    "tpu.region"() ({
      %run_scoped3A_80 = tpu.sem_alloc : memref<!tpu.dma_semaphore, #tpu.memory_space<semaphore_mem>>
      %dma_start3A_81 = arith.constant 0 : i32
      %dma_start3A_82 = arith.constant 0 : i32
      %dma_start3A_83 = tpu.memref_slice %arg9[%dma_start3A_81, %dma_start3A_82] : memref<128x128xf32, #tpu.memory_space<vmem>> -> memref<128x128xf32, #tpu.memory_space<vmem>>
      %dma_start3A_84 = arith.constant 0 : i32
      %dma_start3A_85 = tpu.memref_slice %arg11[%add3A_4, %dma_start3A_84] : memref<10112x128xf32, #tpu.memory_space<vmem_shared>> -> memref<128x128xf32, #tpu.memory_space<vmem_shared>>
      %dma_start3A_86 = arith.constant 0 : i32
      %dma_start3A_87 = tpu.memref_slice %arg11[%add3A_4, %dma_start3A_86] : memref<10112x128xf32, #tpu.memory_space<vmem_shared>> -> memref<128x128xf32, #tpu.memory_space<vmem_shared>>
      %dma_start3A_88 = arith.constant 0 : i32
      %dma_start3A_89 = arith.constant 0 : i32
      %dma_start3A_90 = tpu.memref_slice %arg9[%dma_start3A_88, %dma_start3A_89] : memref<128x128xf32, #tpu.memory_space<vmem>> -> memref<128x128xf32, #tpu.memory_space<vmem>>
      tpu.enqueue_dma source(%dma_start3A_90 : memref<128x128xf32, #tpu.memory_space<vmem>>) target(%dma_start3A_87 : memref<128x128xf32, #tpu.memory_space<vmem_shared>>) target_semaphore(%run_scoped3A_80 : memref<!tpu.dma_semaphore, #tpu.memory_space<semaphore_mem>>)
      %dma_wait3A_91 = arith.constant 0 : i32
      %dma_wait3A_92 = arith.constant 0 : i32
      %dma_wait3A_93 = tpu.memref_slice %arg9[%dma_wait3A_91, %dma_wait3A_92] : memref<128x128xf32, #tpu.memory_space<vmem>> -> memref<128x128xf32, #tpu.memory_space<vmem>>
      %dma_wait3A_94 = arith.constant 0 : i32
      %dma_wait3A_95 = tpu.memref_slice %arg11[%add3A_4, %dma_wait3A_94] : memref<10112x128xf32, #tpu.memory_space<vmem_shared>> -> memref<128x128xf32, #tpu.memory_space<vmem_shared>>
      %dma_wait3A_96 = arith.constant 0 : i32
      %dma_wait3A_97 = tpu.memref_slice %arg11[%add3A_4, %dma_wait3A_96] : memref<10112x128xf32, #tpu.memory_space<vmem_shared>> -> memref<128x128xf32, #tpu.memory_space<vmem_shared>>
      %dma_wait3A_98 = arith.constant 0 : i32
      %dma_wait3A_99 = arith.constant 0 : i32
      %dma_wait3A_100 = tpu.memref_slice %arg9[%dma_wait3A_98, %dma_wait3A_99] : memref<128x128xf32, #tpu.memory_space<vmem>> -> memref<128x128xf32, #tpu.memory_space<vmem>>
      tpu.wait_dma2 semaphore(%run_scoped3A_80 : memref<!tpu.dma_semaphore, #tpu.memory_space<semaphore_mem>>) src(%dma_wait3A_100 : memref<128x128xf32, #tpu.memory_space<vmem>>) dst(%dma_wait3A_97 : memref<128x128xf32, #tpu.memory_space<vmem_shared>>)
      tpu.yield
    }) : () -> ()
    %add3A_5 = arith.constant 128 : i32
    %add3A_6 = arith.addi %mul3A_2, %add3A_5 : i32
    "tpu.region"() ({
      %run_scoped3A_80 = tpu.sem_alloc : memref<!tpu.dma_semaphore, #tpu.memory_space<semaphore_mem>>
      %dma_start3A_81 = arith.constant 0 : i32
      %dma_start3A_82 = arith.constant 0 : i32
      %dma_start3A_83 = tpu.memref_slice %arg9[%dma_start3A_81, %dma_start3A_82] : memref<128x128xf32, #tpu.memory_space<vmem>> -> memref<128x128xf32, #tpu.memory_space<vmem>>
      %dma_start3A_84 = arith.constant 0 : i32
      %dma_start3A_85 = tpu.memref_slice %arg11[%add3A_6, %dma_start3A_84] : memref<10112x128xf32, #tpu.memory_space<vmem_shared>> -> memref<128x128xf32, #tpu.memory_space<vmem_shared>>
      %dma_start3A_86 = arith.constant 0 : i32
      %dma_start3A_87 = tpu.memref_slice %arg11[%add3A_6, %dma_start3A_86] : memref<10112x128xf32, #tpu.memory_space<vmem_shared>> -> memref<128x128xf32, #tpu.memory_space<vmem_shared>>
      %dma_start3A_88 = arith.constant 0 : i32
      %dma_start3A_89 = arith.constant 0 : i32
      %dma_start3A_90 = tpu.memref_slice %arg9[%dma_start3A_88, %dma_start3A_89] : memref<128x128xf32, #tpu.memory_space<vmem>> -> memref<128x128xf32, #tpu.memory_space<vmem>>
      tpu.enqueue_dma source(%dma_start3A_90 : memref<128x128xf32, #tpu.memory_space<vmem>>) target(%dma_start3A_87 : memref<128x128xf32, #tpu.memory_space<vmem_shared>>) target_semaphore(%run_scoped3A_80 : memref<!tpu.dma_semaphore, #tpu.memory_space<semaphore_mem>>)
      %dma_wait3A_91 = arith.constant 0 : i32
      %dma_wait3A_92 = arith.constant 0 : i32
      %dma_wait3A_93 = tpu.memref_slice %arg9[%dma_wait3A_91, %dma_wait3A_92] : memref<128x128xf32, #tpu.memory_space<vmem>> -> memref<128x128xf32, #tpu.memory_space<vmem>>
      %dma_wait3A_94 = arith.constant 0 : i32
      %dma_wait3A_95 = tpu.memref_slice %arg11[%add3A_6, %dma_wait3A_94] : memref<10112x128xf32, #tpu.memory_space<vmem_shared>> -> memref<128x128xf32, #tpu.memory_space<vmem_shared>>
      %dma_wait3A_96 = arith.constant 0 : i32
      %dma_wait3A_97 = tpu.memref_slice %arg11[%add3A_6, %dma_wait3A_96] : memref<10112x128xf32, #tpu.memory_space<vmem_shared>> -> memref<128x128xf32, #tpu.memory_space<vmem_shared>>
      %dma_wait3A_98 = arith.constant 0 : i32
      %dma_wait3A_99 = arith.constant 0 : i32
      %dma_wait3A_100 = tpu.memref_slice %arg9[%dma_wait3A_98, %dma_wait3A_99] : memref<128x128xf32, #tpu.memory_space<vmem>> -> memref<128x128xf32, #tpu.memory_space<vmem>>
      tpu.wait_dma2 semaphore(%run_scoped3A_80 : memref<!tpu.dma_semaphore, #tpu.memory_space<semaphore_mem>>) src(%dma_wait3A_100 : memref<128x128xf32, #tpu.memory_space<vmem>>) dst(%dma_wait3A_97 : memref<128x128xf32, #tpu.memory_space<vmem_shared>>)
      tpu.yield
    }) : () -> ()
    %add3A_7 = arith.constant 256 : i32
    %add3A_8 = arith.addi %mul3A_2, %add3A_7 : i32
    "tpu.region"() ({
      %run_scoped3A_80 = tpu.sem_alloc : memref<!tpu.dma_semaphore, #tpu.memory_space<semaphore_mem>>
      %dma_start3A_81 = arith.constant 0 : i32
      %dma_start3A_82 = arith.constant 0 : i32
      %dma_start3A_83 = tpu.memref_slice %arg9[%dma_start3A_81, %dma_start3A_82] : memref<128x128xf32, #tpu.memory_space<vmem>> -> memref<128x128xf32, #tpu.memory_space<vmem>>
      %dma_start3A_84 = arith.constant 0 : i32
      %dma_start3A_85 = tpu.memref_slice %arg11[%add3A_8, %dma_start3A_84] : memref<10112x128xf32, #tpu.memory_space<vmem_shared>> -> memref<128x128xf32, #tpu.memory_space<vmem_shared>>
      %dma_start3A_86 = arith.constant 0 : i32
      %dma_start3A_87 = tpu.memref_slice %arg11[%add3A_8, %dma_start3A_86] : memref<10112x128xf32, #tpu.memory_space<vmem_shared>> -> memref<128x128xf32, #tpu.memory_space<vmem_shared>>
      %dma_start3A_88 = arith.constant 0 : i32
      %dma_start3A_89 = arith.constant 0 : i32
      %dma_start3A_90 = tpu.memref_slice %arg9[%dma_start3A_88, %dma_start3A_89] : memref<128x128xf32, #tpu.memory_space<vmem>> -> memref<128x128xf32, #tpu.memory_space<vmem>>
      tpu.enqueue_dma source(%dma_start3A_90 : memref<128x128xf32, #tpu.memory_space<vmem>>) target(%dma_start3A_87 : memref<128x128xf32, #tpu.memory_space<vmem_shared>>) target_semaphore(%run_scoped3A_80 : memref<!tpu.dma_semaphore, #tpu.memory_space<semaphore_mem>>)
      %dma_wait3A_91 = arith.constant 0 : i32
      %dma_wait3A_92 = arith.constant 0 : i32
      %dma_wait3A_93 = tpu.memref_slice %arg9[%dma_wait3A_91, %dma_wait3A_92] : memref<128x128xf32, #tpu.memory_space<vmem>> -> memref<128x128xf32, #tpu.memory_space<vmem>>
      %dma_wait3A_94 = arith.constant 0 : i32
      %dma_wait3A_95 = tpu.memref_slice %arg11[%add3A_8, %dma_wait3A_94] : memref<10112x128xf32, #tpu.memory_space<vmem_shared>> -> memref<128x128xf32, #tpu.memory_space<vmem_shared>>
      %dma_wait3A_96 = arith.constant 0 : i32
      %dma_wait3A_97 = tpu.memref_slice %arg11[%add3A_8, %dma_wait3A_96] : memref<10112x128xf32, #tpu.memory_space<vmem_shared>> -> memref<128x128xf32, #tpu.memory_space<vmem_shared>>
      %dma_wait3A_98 = arith.constant 0 : i32
      %dma_wait3A_99 = arith.constant 0 : i32
      %dma_wait3A_100 = tpu.memref_slice %arg9[%dma_wait3A_98, %dma_wait3A_99] : memref<128x128xf32, #tpu.memory_space<vmem>> -> memref<128x128xf32, #tpu.memory_space<vmem>>
      tpu.wait_dma2 semaphore(%run_scoped3A_80 : memref<!tpu.dma_semaphore, #tpu.memory_space<semaphore_mem>>) src(%dma_wait3A_100 : memref<128x128xf32, #tpu.memory_space<vmem>>) dst(%dma_wait3A_97 : memref<128x128xf32, #tpu.memory_space<vmem_shared>>)
      tpu.yield
    }) : () -> ()
    %add3A_9 = arith.constant 384 : i32
    %add3A_10 = arith.addi %mul3A_2, %add3A_9 : i32
    "tpu.region"() ({
      %run_scoped3A_80 = tpu.sem_alloc : memref<!tpu.dma_semaphore, #tpu.memory_space<semaphore_mem>>
      %dma_start3A_81 = arith.constant 0 : i32
      %dma_start3A_82 = arith.constant 0 : i32
      %dma_start3A_83 = tpu.memref_slice %arg9[%dma_start3A_81, %dma_start3A_82] : memref<128x128xf32, #tpu.memory_space<vmem>> -> memref<128x128xf32, #tpu.memory_space<vmem>>
      %dma_start3A_84 = arith.constant 0 : i32
      %dma_start3A_85 = tpu.memref_slice %arg11[%add3A_10, %dma_start3A_84] : memref<10112x128xf32, #tpu.memory_space<vmem_shared>> -> memref<128x128xf32, #tpu.memory_space<vmem_shared>>
      %dma_start3A_86 = arith.constant 0 : i32
      %dma_start3A_87 = tpu.memref_slice %arg11[%add3A_10, %dma_start3A_86] : memref<10112x128xf32, #tpu.memory_space<vmem_shared>> -> memref<128x128xf32, #tpu.memory_space<vmem_shared>>
      %dma_start3A_88 = arith.constant 0 : i32
      %dma_start3A_89 = arith.constant 0 : i32
      %dma_start3A_90 = tpu.memref_slice %arg9[%dma_start3A_88, %dma_start3A_89] : memref<128x128xf32, #tpu.memory_space<vmem>> -> memref<128x128xf32, #tpu.memory_space<vmem>>
      tpu.enqueue_dma source(%dma_start3A_90 : memref<128x128xf32, #tpu.memory_space<vmem>>) target(%dma_start3A_87 : memref<128x128xf32, #tpu.memory_space<vmem_shared>>) target_semaphore(%run_scoped3A_80 : memref<!tpu.dma_semaphore, #tpu.memory_space<semaphore_mem>>)
      %dma_wait3A_91 = arith.constant 0 : i32
      %dma_wait3A_92 = arith.constant 0 : i32
      %dma_wait3A_93 = tpu.memref_slice %arg9[%dma_wait3A_91, %dma_wait3A_92] : memref<128x128xf32, #tpu.memory_space<vmem>> -> memref<128x128xf32, #tpu.memory_space<vmem>>
      %dma_wait3A_94 = arith.constant 0 : i32
      %dma_wait3A_95 = tpu.memref_slice %arg11[%add3A_10, %dma_wait3A_94] : memref<10112x128xf32, #tpu.memory_space<vmem_shared>> -> memref<128x128xf32, #tpu.memory_space<vmem_shared>>
      %dma_wait3A_96 = arith.constant 0 : i32
      %dma_wait3A_97 = tpu.memref_slice %arg11[%add3A_10, %dma_wait3A_96] : memref<10112x128xf32, #tpu.memory_space<vmem_shared>> -> memref<128x128xf32, #tpu.memory_space<vmem_shared>>
      %dma_wait3A_98 = arith.constant 0 : i32
      %dma_wait3A_99 = arith.constant 0 : i32
      %dma_wait3A_100 = tpu.memref_slice %arg9[%dma_wait3A_98, %dma_wait3A_99] : memref<128x128xf32, #tpu.memory_space<vmem>> -> memref<128x128xf32, #tpu.memory_space<vmem>>
      tpu.wait_dma2 semaphore(%run_scoped3A_80 : memref<!tpu.dma_semaphore, #tpu.memory_space<semaphore_mem>>) src(%dma_wait3A_100 : memref<128x128xf32, #tpu.memory_space<vmem>>) dst(%dma_wait3A_97 : memref<128x128xf32, #tpu.memory_space<vmem_shared>>)
      tpu.yield
    }) : () -> ()
    %add3A_11 = arith.constant 512 : i32
    %add3A_12 = arith.addi %mul3A_2, %add3A_11 : i32
    "tpu.region"() ({
      %run_scoped3A_80 = tpu.sem_alloc : memref<!tpu.dma_semaphore, #tpu.memory_space<semaphore_mem>>
      %dma_start3A_81 = arith.constant 0 : i32
      %dma_start3A_82 = arith.constant 0 : i32
      %dma_start3A_83 = tpu.memref_slice %arg9[%dma_start3A_81, %dma_start3A_82] : memref<128x128xf32, #tpu.memory_space<vmem>> -> memref<120x128xf32, #tpu.memory_space<vmem>>
      %dma_start3A_84 = arith.constant 0 : i32
      %dma_start3A_85 = tpu.memref_slice %arg11[%add3A_12, %dma_start3A_84] : memref<10112x128xf32, #tpu.memory_space<vmem_shared>> -> memref<120x128xf32, #tpu.memory_space<vmem_shared>>
      %dma_start3A_86 = arith.constant 0 : i32
      %dma_start3A_87 = tpu.memref_slice %arg11[%add3A_12, %dma_start3A_86] : memref<10112x128xf32, #tpu.memory_space<vmem_shared>> -> memref<120x128xf32, #tpu.memory_space<vmem_shared>>
      %dma_start3A_88 = arith.constant 0 : i32
      %dma_start3A_89 = arith.constant 0 : i32
      %dma_start3A_90 = tpu.memref_slice %arg9[%dma_start3A_88, %dma_start3A_89] : memref<128x128xf32, #tpu.memory_space<vmem>> -> memref<120x128xf32, #tpu.memory_space<vmem>>
      tpu.enqueue_dma source(%dma_start3A_90 : memref<120x128xf32, #tpu.memory_space<vmem>>) target(%dma_start3A_87 : memref<120x128xf32, #tpu.memory_space<vmem_shared>>) target_semaphore(%run_scoped3A_80 : memref<!tpu.dma_semaphore, #tpu.memory_space<semaphore_mem>>)
      %dma_wait3A_91 = arith.constant 0 : i32
      %dma_wait3A_92 = arith.constant 0 : i32
      %dma_wait3A_93 = tpu.memref_slice %arg9[%dma_wait3A_91, %dma_wait3A_92] : memref<128x128xf32, #tpu.memory_space<vmem>> -> memref<120x128xf32, #tpu.memory_space<vmem>>
      %dma_wait3A_94 = arith.constant 0 : i32
      %dma_wait3A_95 = tpu.memref_slice %arg11[%add3A_12, %dma_wait3A_94] : memref<10112x128xf32, #tpu.memory_space<vmem_shared>> -> memref<120x128xf32, #tpu.memory_space<vmem_shared>>
      %dma_wait3A_96 = arith.constant 0 : i32
      %dma_wait3A_97 = tpu.memref_slice %arg11[%add3A_12, %dma_wait3A_96] : memref<10112x128xf32, #tpu.memory_space<vmem_shared>> -> memref<120x128xf32, #tpu.memory_space<vmem_shared>>
      %dma_wait3A_98 = arith.constant 0 : i32
      %dma_wait3A_99 = arith.constant 0 : i32
      %dma_wait3A_100 = tpu.memref_slice %arg9[%dma_wait3A_98, %dma_wait3A_99] : memref<128x128xf32, #tpu.memory_space<vmem>> -> memref<120x128xf32, #tpu.memory_space<vmem>>
      tpu.wait_dma2 semaphore(%run_scoped3A_80 : memref<!tpu.dma_semaphore, #tpu.memory_space<semaphore_mem>>) src(%dma_wait3A_100 : memref<120x128xf32, #tpu.memory_space<vmem>>) dst(%dma_wait3A_97 : memref<120x128xf32, #tpu.memory_space<vmem_shared>>)
      tpu.yield
    }) : () -> ()
    "tpu.region"() ({
      %run_scoped3A_80 = tpu.sem_alloc : memref<!tpu.dma_semaphore, #tpu.memory_space<semaphore_mem>>
      %dma_start3A_81 = arith.constant 0 : i32
      %dma_start3A_82 = arith.constant 0 : i32
      %dma_start3A_83 = tpu.memref_slice %arg2[%add3A, %dma_start3A_81, %dma_start3A_82] : memref<32x80x128xi32, #tpu.memory_space<hbm>> -> memref<1x80x128xi32, #tpu.memory_space<hbm>>
      %dma_start3A_84 = tpu.memref_squeeze %dma_start3A_83 : memref<1x80x128xi32, #tpu.memory_space<hbm>> -> memref<80x128xi32, #tpu.memory_space<hbm>>
      %dma_start3A_85 = arith.constant 0 : i32
      %dma_start3A_86 = arith.constant 0 : i32
      %dma_start3A_87 = tpu.memref_slice %arg2[%add3A, %dma_start3A_85, %dma_start3A_86] : memref<32x80x128xi32, #tpu.memory_space<hbm>> -> memref<1x80x128xi32, #tpu.memory_space<hbm>>
      %dma_start3A_88 = tpu.memref_squeeze %dma_start3A_87 : memref<1x80x128xi32, #tpu.memory_space<hbm>> -> memref<80x128xi32, #tpu.memory_space<hbm>>
      tpu.enqueue_dma source(%dma_start3A_88 : memref<80x128xi32, #tpu.memory_space<hbm>>) target(%arg7 : memref<80x128xi32, #tpu.memory_space<vmem>>) target_semaphore(%run_scoped3A_80 : memref<!tpu.dma_semaphore, #tpu.memory_space<semaphore_mem>>)
      %dma_wait3A_89 = arith.constant 0 : i32
      %dma_wait3A_90 = arith.constant 0 : i32
      %dma_wait3A_91 = tpu.memref_slice %arg2[%add3A, %dma_wait3A_89, %dma_wait3A_90] : memref<32x80x128xi32, #tpu.memory_space<hbm>> -> memref<1x80x128xi32, #tpu.memory_space<hbm>>
      %dma_wait3A_92 = tpu.memref_squeeze %dma_wait3A_91 : memref<1x80x128xi32, #tpu.memory_space<hbm>> -> memref<80x128xi32, #tpu.memory_space<hbm>>
      %dma_wait3A_93 = arith.constant 0 : i32
      %dma_wait3A_94 = arith.constant 0 : i32
      %dma_wait3A_95 = tpu.memref_slice %arg2[%add3A, %dma_wait3A_93, %dma_wait3A_94] : memref<32x80x128xi32, #tpu.memory_space<hbm>> -> memref<1x80x128xi32, #tpu.memory_space<hbm>>
      %dma_wait3A_96 = tpu.memref_squeeze %dma_wait3A_95 : memref<1x80x128xi32, #tpu.memory_space<hbm>> -> memref<80x128xi32, #tpu.memory_space<hbm>>
      tpu.wait_dma2 semaphore(%run_scoped3A_80 : memref<!tpu.dma_semaphore, #tpu.memory_space<semaphore_mem>>) src(%dma_wait3A_96 : memref<80x128xi32, #tpu.memory_space<hbm>>) dst(%arg7 : memref<80x128xi32, #tpu.memory_space<vmem>>)
      tpu.yield
    }) : () -> ()
    %barrier3A = arith.constant 0 : index
    tpu.barrier barrier_id(%barrier3A)
    %dma_start3A = arith.constant 0 : i32
    %dma_start3A_13 = arith.constant 0 : i32
    %dma_start3A_14 = tpu.memref_slice %arg7[%dma_start3A, %dma_start3A_13] : memref<80x128xi32, #tpu.memory_space<vmem>> -> memref<1x128xi32, #tpu.memory_space<vmem>>
    %dma_start3A_15 = tpu.memref_squeeze %dma_start3A_14 : memref<1x128xi32, #tpu.memory_space<vmem>> -> memref<128xi32, #tpu.memory_space<vmem>>
    %dma_start3A_16 = arith.constant 0 : i32
    %dma_start3A_17 = arith.constant 0 : i32
    %dma_start3A_18 = tpu.memref_slice %arg4[%dma_start3A_16, %dma_start3A_17] : memref<10000x128xf32, #tpu.memory_space<hbm>> -> memref<10000x128xf32, #tpu.memory_space<hbm>>
    tpu.enqueue_indirect_dma source(%dma_start3A_18 : memref<10000x128xf32, #tpu.memory_space<hbm>>) target(%arg9 : memref<128x128xf32, #tpu.memory_space<vmem>>) offsets(%dma_start3A_15 : memref<128xi32, #tpu.memory_space<vmem>>) semaphore(%arg12 : memref<!tpu.dma_semaphore, #tpu.memory_space<semaphore_mem>>)
    %scan3A = arith.constant 0 : i32
    %scan3A_19 = arith.constant 0 : i32
    %scan3A_20 = arith.constant 39 : i32
    %scan3A_21 = arith.addi %scan3A_19, %scan3A_20 : i32
    %scan3A_22 = arith.constant 1 : i32
    scf.for %scan3A_80 = %scan3A_19 to %scan3A_21 step %scan3A_22  : i32 {
      %mul3A_81 = arith.constant 2 : i32
      %mul3A_82 = arith.muli %mul3A_81, %scan3A_80 : i32
      %add3A_83 = arith.constant 1 : i32
      %add3A_84 = arith.addi %mul3A_82, %add3A_83 : i32
      %dma_start3A_85 = arith.constant 0 : i32
      %dma_start3A_86 = tpu.memref_slice %arg7[%add3A_84, %dma_start3A_85] : memref<80x128xi32, #tpu.memory_space<vmem>> -> memref<1x128xi32, #tpu.memory_space<vmem>>
      %dma_start3A_87 = tpu.memref_squeeze %dma_start3A_86 : memref<1x128xi32, #tpu.memory_space<vmem>> -> memref<128xi32, #tpu.memory_space<vmem>>
      %dma_start3A_88 = arith.constant 0 : i32
      %dma_start3A_89 = arith.constant 0 : i32
      %dma_start3A_90 = tpu.memref_slice %arg4[%dma_start3A_88, %dma_start3A_89] : memref<10000x128xf32, #tpu.memory_space<hbm>> -> memref<10000x128xf32, #tpu.memory_space<hbm>>
      tpu.enqueue_indirect_dma source(%dma_start3A_90 : memref<10000x128xf32, #tpu.memory_space<hbm>>) target(%arg10 : memref<128x128xf32, #tpu.memory_space<vmem>>) offsets(%dma_start3A_87 : memref<128xi32, #tpu.memory_space<vmem>>) semaphore(%arg13 : memref<!tpu.dma_semaphore, #tpu.memory_space<semaphore_mem>>)
      %mul3A_91 = arith.constant 80 : i32
      %mul3A_92 = arith.muli %add3A, %mul3A_91 : i32
      %add3A_93 = arith.addi %mul3A_92, %mul3A_82 : i32
      %mul3A_94 = arith.constant 128 : i32
      %mul3A_95 = arith.muli %add3A_93, %mul3A_94 : i32
      %run_scoped3A_96 = arith.constant 0 : i32
      "tpu.region"() ({
        %run_scoped3A_129 = tpu.sem_alloc : memref<!tpu.dma_semaphore, #tpu.memory_space<semaphore_mem>>
        %dma_start3A_130 = arith.constant 0 : i32
        %dma_start3A_131 = tpu.memref_slice %arg8[%run_scoped3A_96, %dma_start3A_130] : memref<8x128xi32, #tpu.memory_space<vmem>> -> memref<1x128xi32, #tpu.memory_space<vmem>>
        %dma_start3A_132 = tpu.memref_squeeze %dma_start3A_131 : memref<1x128xi32, #tpu.memory_space<vmem>> -> memref<128xi32, #tpu.memory_space<vmem>>
        %dma_start3A_133 = tpu.memref_slice %arg3[%mul3A_95] : memref<327680xi32, #tpu.memory_space<hbm>> -> memref<128xi32, #tpu.memory_space<hbm>>
        %dma_start3A_134 = arith.constant 0 : i32
        %dma_start3A_135 = tpu.memref_slice %arg8[%run_scoped3A_96, %dma_start3A_134] : memref<8x128xi32, #tpu.memory_space<vmem>> -> memref<1x128xi32, #tpu.memory_space<vmem>>
        %dma_start3A_136 = tpu.memref_squeeze %dma_start3A_135 : memref<1x128xi32, #tpu.memory_space<vmem>> -> memref<128xi32, #tpu.memory_space<vmem>>
        %dma_start3A_137 = tpu.memref_slice %arg3[%mul3A_95] : memref<327680xi32, #tpu.memory_space<hbm>> -> memref<128xi32, #tpu.memory_space<hbm>>
        tpu.enqueue_dma source(%dma_start3A_137 : memref<128xi32, #tpu.memory_space<hbm>>) target(%dma_start3A_136 : memref<128xi32, #tpu.memory_space<vmem>>) target_semaphore(%run_scoped3A_129 : memref<!tpu.dma_semaphore, #tpu.memory_space<semaphore_mem>>)
        %dma_wait3A_138 = arith.constant 0 : i32
        %dma_wait3A_139 = tpu.memref_slice %arg8[%run_scoped3A_96, %dma_wait3A_138] : memref<8x128xi32, #tpu.memory_space<vmem>> -> memref<1x128xi32, #tpu.memory_space<vmem>>
        %dma_wait3A_140 = tpu.memref_squeeze %dma_wait3A_139 : memref<1x128xi32, #tpu.memory_space<vmem>> -> memref<128xi32, #tpu.memory_space<vmem>>
        %dma_wait3A_141 = tpu.memref_slice %arg3[%mul3A_95] : memref<327680xi32, #tpu.memory_space<hbm>> -> memref<128xi32, #tpu.memory_space<hbm>>
        %dma_wait3A_142 = arith.constant 0 : i32
        %dma_wait3A_143 = tpu.memref_slice %arg8[%run_scoped3A_96, %dma_wait3A_142] : memref<8x128xi32, #tpu.memory_space<vmem>> -> memref<1x128xi32, #tpu.memory_space<vmem>>
        %dma_wait3A_144 = tpu.memref_squeeze %dma_wait3A_143 : memref<1x128xi32, #tpu.memory_space<vmem>> -> memref<128xi32, #tpu.memory_space<vmem>>
        %dma_wait3A_145 = tpu.memref_slice %arg3[%mul3A_95] : memref<327680xi32, #tpu.memory_space<hbm>> -> memref<128xi32, #tpu.memory_space<hbm>>
        tpu.wait_dma2 semaphore(%run_scoped3A_129 : memref<!tpu.dma_semaphore, #tpu.memory_space<semaphore_mem>>) src(%dma_wait3A_145 : memref<128xi32, #tpu.memory_space<hbm>>) dst(%dma_wait3A_144 : memref<128xi32, #tpu.memory_space<vmem>>)
        tpu.yield
      }) : () -> ()
      %dma_wait3A_97 = arith.constant 0 : i32
      %dma_wait3A_98 = tpu.memref_slice %arg7[%mul3A_82, %dma_wait3A_97] : memref<80x128xi32, #tpu.memory_space<vmem>> -> memref<1x128xi32, #tpu.memory_space<vmem>>
      %dma_wait3A_99 = tpu.memref_squeeze %dma_wait3A_98 : memref<1x128xi32, #tpu.memory_space<vmem>> -> memref<128xi32, #tpu.memory_space<vmem>>
      %dma_wait3A_100 = arith.constant 0 : i32
      %dma_wait3A_101 = arith.constant 0 : i32
      %dma_wait3A_102 = tpu.memref_slice %arg4[%dma_wait3A_100, %dma_wait3A_101] : memref<10000x128xf32, #tpu.memory_space<hbm>> -> memref<10000x128xf32, #tpu.memory_space<hbm>>
      tpu.wait_indirect_dma semaphore(%arg12 : memref<!tpu.dma_semaphore, #tpu.memory_space<semaphore_mem>>) src(%dma_wait3A_102 : memref<10000x128xf32, #tpu.memory_space<hbm>>) dst(%arg9 : memref<128x128xf32, #tpu.memory_space<vmem>>)
      %run_scoped3A_103 = arith.constant 0 : i32
      "tpu.region"() ({
        %run_scoped3A_129 = tpu.sem_alloc : memref<!tpu.dma_semaphore, #tpu.memory_space<semaphore_mem>>
        %dma_start3A_130 = arith.constant 0 : i32
        %dma_start3A_131 = tpu.memref_slice %arg8[%run_scoped3A_103, %dma_start3A_130] : memref<8x128xi32, #tpu.memory_space<vmem>> -> memref<1x128xi32, #tpu.memory_space<vmem>>
        %dma_start3A_132 = tpu.memref_squeeze %dma_start3A_131 : memref<1x128xi32, #tpu.memory_space<vmem>> -> memref<128xi32, #tpu.memory_space<vmem>>
        %dma_start3A_133 = arith.constant 0 : i32
        %dma_start3A_134 = arith.constant 0 : i32
        %dma_start3A_135 = tpu.memref_slice %arg11[%dma_start3A_133, %dma_start3A_134] : memref<10112x128xf32, #tpu.memory_space<vmem_shared>> -> memref<10112x128xf32, #tpu.memory_space<vmem_shared>>
        tpu.enqueue_indirect_dma source(%arg9 : memref<128x128xf32, #tpu.memory_space<vmem>>) target(%dma_start3A_135 : memref<10112x128xf32, #tpu.memory_space<vmem_shared>>) offsets(%dma_start3A_132 : memref<128xi32, #tpu.memory_space<vmem>>) semaphore(%run_scoped3A_129 : memref<!tpu.dma_semaphore, #tpu.memory_space<semaphore_mem>>) {add = true}
        %dma_wait3A_136 = arith.constant 0 : i32
        %dma_wait3A_137 = tpu.memref_slice %arg8[%run_scoped3A_103, %dma_wait3A_136] : memref<8x128xi32, #tpu.memory_space<vmem>> -> memref<1x128xi32, #tpu.memory_space<vmem>>
        %dma_wait3A_138 = tpu.memref_squeeze %dma_wait3A_137 : memref<1x128xi32, #tpu.memory_space<vmem>> -> memref<128xi32, #tpu.memory_space<vmem>>
        %dma_wait3A_139 = arith.constant 0 : i32
        %dma_wait3A_140 = arith.constant 0 : i32
        %dma_wait3A_141 = tpu.memref_slice %arg11[%dma_wait3A_139, %dma_wait3A_140] : memref<10112x128xf32, #tpu.memory_space<vmem_shared>> -> memref<10112x128xf32, #tpu.memory_space<vmem_shared>>
        tpu.wait_indirect_dma semaphore(%run_scoped3A_129 : memref<!tpu.dma_semaphore, #tpu.memory_space<semaphore_mem>>) src(%arg9 : memref<128x128xf32, #tpu.memory_space<vmem>>) dst(%dma_wait3A_141 : memref<10112x128xf32, #tpu.memory_space<vmem_shared>>)
        tpu.yield
      }) : () -> ()
      %add3A_104 = arith.constant 2 : i32
      %add3A_105 = arith.addi %mul3A_82, %add3A_104 : i32
      %dma_start3A_106 = arith.constant 0 : i32
      %dma_start3A_107 = tpu.memref_slice %arg7[%add3A_105, %dma_start3A_106] : memref<80x128xi32, #tpu.memory_space<vmem>> -> memref<1x128xi32, #tpu.memory_space<vmem>>
      %dma_start3A_108 = tpu.memref_squeeze %dma_start3A_107 : memref<1x128xi32, #tpu.memory_space<vmem>> -> memref<128xi32, #tpu.memory_space<vmem>>
      %dma_start3A_109 = arith.constant 0 : i32
      %dma_start3A_110 = arith.constant 0 : i32
      %dma_start3A_111 = tpu.memref_slice %arg4[%dma_start3A_109, %dma_start3A_110] : memref<10000x128xf32, #tpu.memory_space<hbm>> -> memref<10000x128xf32, #tpu.memory_space<hbm>>
      tpu.enqueue_indirect_dma source(%dma_start3A_111 : memref<10000x128xf32, #tpu.memory_space<hbm>>) target(%arg9 : memref<128x128xf32, #tpu.memory_space<vmem>>) offsets(%dma_start3A_108 : memref<128xi32, #tpu.memory_space<vmem>>) semaphore(%arg12 : memref<!tpu.dma_semaphore, #tpu.memory_space<semaphore_mem>>)
      %add3A_112 = arith.constant 1 : i32
      %add3A_113 = arith.addi %mul3A_82, %add3A_112 : i32
      %mul3A_114 = arith.constant 80 : i32
      %mul3A_115 = arith.muli %add3A, %mul3A_114 : i32
      %add3A_116 = arith.addi %mul3A_115, %add3A_113 : i32
      %mul3A_117 = arith.constant 128 : i32
      %mul3A_118 = arith.muli %add3A_116, %mul3A_117 : i32
      %run_scoped3A_119 = arith.constant 1 : i32
      "tpu.region"() ({
        %run_scoped3A_129 = tpu.sem_alloc : memref<!tpu.dma_semaphore, #tpu.memory_space<semaphore_mem>>
        %dma_start3A_130 = arith.constant 0 : i32
        %dma_start3A_131 = tpu.memref_slice %arg8[%run_scoped3A_119, %dma_start3A_130] : memref<8x128xi32, #tpu.memory_space<vmem>> -> memref<1x128xi32, #tpu.memory_space<vmem>>
        %dma_start3A_132 = tpu.memref_squeeze %dma_start3A_131 : memref<1x128xi32, #tpu.memory_space<vmem>> -> memref<128xi32, #tpu.memory_space<vmem>>
        %dma_start3A_133 = tpu.memref_slice %arg3[%mul3A_118] : memref<327680xi32, #tpu.memory_space<hbm>> -> memref<128xi32, #tpu.memory_space<hbm>>
        %dma_start3A_134 = arith.constant 0 : i32
        %dma_start3A_135 = tpu.memref_slice %arg8[%run_scoped3A_119, %dma_start3A_134] : memref<8x128xi32, #tpu.memory_space<vmem>> -> memref<1x128xi32, #tpu.memory_space<vmem>>
        %dma_start3A_136 = tpu.memref_squeeze %dma_start3A_135 : memref<1x128xi32, #tpu.memory_space<vmem>> -> memref<128xi32, #tpu.memory_space<vmem>>
        %dma_start3A_137 = tpu.memref_slice %arg3[%mul3A_118] : memref<327680xi32, #tpu.memory_space<hbm>> -> memref<128xi32, #tpu.memory_space<hbm>>
        tpu.enqueue_dma source(%dma_start3A_137 : memref<128xi32, #tpu.memory_space<hbm>>) target(%dma_start3A_136 : memref<128xi32, #tpu.memory_space<vmem>>) target_semaphore(%run_scoped3A_129 : memref<!tpu.dma_semaphore, #tpu.memory_space<semaphore_mem>>)
        %dma_wait3A_138 = arith.constant 0 : i32
        %dma_wait3A_139 = tpu.memref_slice %arg8[%run_scoped3A_119, %dma_wait3A_138] : memref<8x128xi32, #tpu.memory_space<vmem>> -> memref<1x128xi32, #tpu.memory_space<vmem>>
        %dma_wait3A_140 = tpu.memref_squeeze %dma_wait3A_139 : memref<1x128xi32, #tpu.memory_space<vmem>> -> memref<128xi32, #tpu.memory_space<vmem>>
        %dma_wait3A_141 = tpu.memref_slice %arg3[%mul3A_118] : memref<327680xi32, #tpu.memory_space<hbm>> -> memref<128xi32, #tpu.memory_space<hbm>>
        %dma_wait3A_142 = arith.constant 0 : i32
        %dma_wait3A_143 = tpu.memref_slice %arg8[%run_scoped3A_119, %dma_wait3A_142] : memref<8x128xi32, #tpu.memory_space<vmem>> -> memref<1x128xi32, #tpu.memory_space<vmem>>
        %dma_wait3A_144 = tpu.memref_squeeze %dma_wait3A_143 : memref<1x128xi32, #tpu.memory_space<vmem>> -> memref<128xi32, #tpu.memory_space<vmem>>
        %dma_wait3A_145 = tpu.memref_slice %arg3[%mul3A_118] : memref<327680xi32, #tpu.memory_space<hbm>> -> memref<128xi32, #tpu.memory_space<hbm>>
        tpu.wait_dma2 semaphore(%run_scoped3A_129 : memref<!tpu.dma_semaphore, #tpu.memory_space<semaphore_mem>>) src(%dma_wait3A_145 : memref<128xi32, #tpu.memory_space<hbm>>) dst(%dma_wait3A_144 : memref<128xi32, #tpu.memory_space<vmem>>)
        tpu.yield
      }) : () -> ()
      %add3A_120 = arith.constant 1 : i32
      %add3A_121 = arith.addi %mul3A_82, %add3A_120 : i32
      %dma_wait3A_122 = arith.constant 0 : i32
      %dma_wait3A_123 = tpu.memref_slice %arg7[%add3A_121, %dma_wait3A_122] : memref<80x128xi32, #tpu.memory_space<vmem>> -> memref<1x128xi32, #tpu.memory_space<vmem>>
      %dma_wait3A_124 = tpu.memref_squeeze %dma_wait3A_123 : memref<1x128xi32, #tpu.memory_space<vmem>> -> memref<128xi32, #tpu.memory_space<vmem>>
      %dma_wait3A_125 = arith.constant 0 : i32
      %dma_wait3A_126 = arith.constant 0 : i32
      %dma_wait3A_127 = tpu.memref_slice %arg4[%dma_wait3A_125, %dma_wait3A_126] : memref<10000x128xf32, #tpu.memory_space<hbm>> -> memref<10000x128xf32, #tpu.memory_space<hbm>>
      tpu.wait_indirect_dma semaphore(%arg13 : memref<!tpu.dma_semaphore, #tpu.memory_space<semaphore_mem>>) src(%dma_wait3A_127 : memref<10000x128xf32, #tpu.memory_space<hbm>>) dst(%arg10 : memref<128x128xf32, #tpu.memory_space<vmem>>)
      %run_scoped3A_128 = arith.constant 1 : i32
      "tpu.region"() ({
        %run_scoped3A_129 = tpu.sem_alloc : memref<!tpu.dma_semaphore, #tpu.memory_space<semaphore_mem>>
        %dma_start3A_130 = arith.constant 0 : i32
        %dma_start3A_131 = tpu.memref_slice %arg8[%run_scoped3A_128, %dma_start3A_130] : memref<8x128xi32, #tpu.memory_space<vmem>> -> memref<1x128xi32, #tpu.memory_space<vmem>>
        %dma_start3A_132 = tpu.memref_squeeze %dma_start3A_131 : memref<1x128xi32, #tpu.memory_space<vmem>> -> memref<128xi32, #tpu.memory_space<vmem>>
        %dma_start3A_133 = arith.constant 0 : i32
        %dma_start3A_134 = arith.constant 0 : i32
        %dma_start3A_135 = tpu.memref_slice %arg11[%dma_start3A_133, %dma_start3A_134] : memref<10112x128xf32, #tpu.memory_space<vmem_shared>> -> memref<10112x128xf32, #tpu.memory_space<vmem_shared>>
        tpu.enqueue_indirect_dma source(%arg10 : memref<128x128xf32, #tpu.memory_space<vmem>>) target(%dma_start3A_135 : memref<10112x128xf32, #tpu.memory_space<vmem_shared>>) offsets(%dma_start3A_132 : memref<128xi32, #tpu.memory_space<vmem>>) semaphore(%run_scoped3A_129 : memref<!tpu.dma_semaphore, #tpu.memory_space<semaphore_mem>>) {add = true}
        %dma_wait3A_136 = arith.constant 0 : i32
        %dma_wait3A_137 = tpu.memref_slice %arg8[%run_scoped3A_128, %dma_wait3A_136] : memref<8x128xi32, #tpu.memory_space<vmem>> -> memref<1x128xi32, #tpu.memory_space<vmem>>
        %dma_wait3A_138 = tpu.memref_squeeze %dma_wait3A_137 : memref<1x128xi32, #tpu.memory_space<vmem>> -> memref<128xi32, #tpu.memory_space<vmem>>
        %dma_wait3A_139 = arith.constant 0 : i32
        %dma_wait3A_140 = arith.constant 0 : i32
        %dma_wait3A_141 = tpu.memref_slice %arg11[%dma_wait3A_139, %dma_wait3A_140] : memref<10112x128xf32, #tpu.memory_space<vmem_shared>> -> memref<10112x128xf32, #tpu.memory_space<vmem_shared>>
        tpu.wait_indirect_dma semaphore(%run_scoped3A_129 : memref<!tpu.dma_semaphore, #tpu.memory_space<semaphore_mem>>) src(%arg10 : memref<128x128xf32, #tpu.memory_space<vmem>>) dst(%dma_wait3A_141 : memref<10112x128xf32, #tpu.memory_space<vmem_shared>>)
        tpu.yield
      }) : () -> ()
    }
    %scan3A_23 = arith.constant 39 : i32
    %dma_start3A_24 = arith.constant 79 : i32
    %dma_start3A_25 = arith.constant 0 : i32
    %dma_start3A_26 = tpu.memref_slice %arg7[%dma_start3A_24, %dma_start3A_25] : memref<80x128xi32, #tpu.memory_space<vmem>> -> memref<1x128xi32, #tpu.memory_space<vmem>>
    %dma_start3A_27 = tpu.memref_squeeze %dma_start3A_26 : memref<1x128xi32, #tpu.memory_space<vmem>> -> memref<128xi32, #tpu.memory_space<vmem>>
    %dma_start3A_28 = arith.constant 0 : i32
    %dma_start3A_29 = arith.constant 0 : i32
    %dma_start3A_30 = tpu.memref_slice %arg4[%dma_start3A_28, %dma_start3A_29] : memref<10000x128xf32, #tpu.memory_space<hbm>> -> memref<10000x128xf32, #tpu.memory_space<hbm>>
    tpu.enqueue_indirect_dma source(%dma_start3A_30 : memref<10000x128xf32, #tpu.memory_space<hbm>>) target(%arg10 : memref<128x128xf32, #tpu.memory_space<vmem>>) offsets(%dma_start3A_27 : memref<128xi32, #tpu.memory_space<vmem>>) semaphore(%arg13 : memref<!tpu.dma_semaphore, #tpu.memory_space<semaphore_mem>>)
    %mul3A_31 = arith.constant 80 : i32
    %mul3A_32 = arith.muli %add3A, %mul3A_31 : i32
    %add3A_33 = arith.constant 78 : i32
    %add3A_34 = arith.addi %mul3A_32, %add3A_33 : i32
    %mul3A_35 = arith.constant 128 : i32
    %mul3A_36 = arith.muli %add3A_34, %mul3A_35 : i32
    %run_scoped3A = arith.constant 0 : i32
    "tpu.region"() ({
      %run_scoped3A_80 = tpu.sem_alloc : memref<!tpu.dma_semaphore, #tpu.memory_space<semaphore_mem>>
      %dma_start3A_81 = arith.constant 0 : i32
      %dma_start3A_82 = tpu.memref_slice %arg8[%run_scoped3A, %dma_start3A_81] : memref<8x128xi32, #tpu.memory_space<vmem>> -> memref<1x128xi32, #tpu.memory_space<vmem>>
      %dma_start3A_83 = tpu.memref_squeeze %dma_start3A_82 : memref<1x128xi32, #tpu.memory_space<vmem>> -> memref<128xi32, #tpu.memory_space<vmem>>
      %dma_start3A_84 = tpu.memref_slice %arg3[%mul3A_36] : memref<327680xi32, #tpu.memory_space<hbm>> -> memref<128xi32, #tpu.memory_space<hbm>>
      %dma_start3A_85 = arith.constant 0 : i32
      %dma_start3A_86 = tpu.memref_slice %arg8[%run_scoped3A, %dma_start3A_85] : memref<8x128xi32, #tpu.memory_space<vmem>> -> memref<1x128xi32, #tpu.memory_space<vmem>>
      %dma_start3A_87 = tpu.memref_squeeze %dma_start3A_86 : memref<1x128xi32, #tpu.memory_space<vmem>> -> memref<128xi32, #tpu.memory_space<vmem>>
      %dma_start3A_88 = tpu.memref_slice %arg3[%mul3A_36] : memref<327680xi32, #tpu.memory_space<hbm>> -> memref<128xi32, #tpu.memory_space<hbm>>
      tpu.enqueue_dma source(%dma_start3A_88 : memref<128xi32, #tpu.memory_space<hbm>>) target(%dma_start3A_87 : memref<128xi32, #tpu.memory_space<vmem>>) target_semaphore(%run_scoped3A_80 : memref<!tpu.dma_semaphore, #tpu.memory_space<semaphore_mem>>)
      %dma_wait3A_89 = arith.constant 0 : i32
      %dma_wait3A_90 = tpu.memref_slice %arg8[%run_scoped3A, %dma_wait3A_89] : memref<8x128xi32, #tpu.memory_space<vmem>> -> memref<1x128xi32, #tpu.memory_space<vmem>>
      %dma_wait3A_91 = tpu.memref_squeeze %dma_wait3A_90 : memref<1x128xi32, #tpu.memory_space<vmem>> -> memref<128xi32, #tpu.memory_space<vmem>>
      %dma_wait3A_92 = tpu.memref_slice %arg3[%mul3A_36] : memref<327680xi32, #tpu.memory_space<hbm>> -> memref<128xi32, #tpu.memory_space<hbm>>
      %dma_wait3A_93 = arith.constant 0 : i32
      %dma_wait3A_94 = tpu.memref_slice %arg8[%run_scoped3A, %dma_wait3A_93] : memref<8x128xi32, #tpu.memory_space<vmem>> -> memref<1x128xi32, #tpu.memory_space<vmem>>
      %dma_wait3A_95 = tpu.memref_squeeze %dma_wait3A_94 : memref<1x128xi32, #tpu.memory_space<vmem>> -> memref<128xi32, #tpu.memory_space<vmem>>
      %dma_wait3A_96 = tpu.memref_slice %arg3[%mul3A_36] : memref<327680xi32, #tpu.memory_space<hbm>> -> memref<128xi32, #tpu.memory_space<hbm>>
      tpu.wait_dma2 semaphore(%run_scoped3A_80 : memref<!tpu.dma_semaphore, #tpu.memory_space<semaphore_mem>>) src(%dma_wait3A_96 : memref<128xi32, #tpu.memory_space<hbm>>) dst(%dma_wait3A_95 : memref<128xi32, #tpu.memory_space<vmem>>)
      tpu.yield
    }) : () -> ()
    %dma_wait3A = arith.constant 78 : i32
    %dma_wait3A_37 = arith.constant 0 : i32
    %dma_wait3A_38 = tpu.memref_slice %arg7[%dma_wait3A, %dma_wait3A_37] : memref<80x128xi32, #tpu.memory_space<vmem>> -> memref<1x128xi32, #tpu.memory_space<vmem>>
    %dma_wait3A_39 = tpu.memref_squeeze %dma_wait3A_38 : memref<1x128xi32, #tpu.memory_space<vmem>> -> memref<128xi32, #tpu.memory_space<vmem>>
    %dma_wait3A_40 = arith.constant 0 : i32
    %dma_wait3A_41 = arith.constant 0 : i32
    %dma_wait3A_42 = tpu.memref_slice %arg4[%dma_wait3A_40, %dma_wait3A_41] : memref<10000x128xf32, #tpu.memory_space<hbm>> -> memref<10000x128xf32, #tpu.memory_space<hbm>>
    tpu.wait_indirect_dma semaphore(%arg12 : memref<!tpu.dma_semaphore, #tpu.memory_space<semaphore_mem>>) src(%dma_wait3A_42 : memref<10000x128xf32, #tpu.memory_space<hbm>>) dst(%arg9 : memref<128x128xf32, #tpu.memory_space<vmem>>)
    %run_scoped3A_43 = arith.constant 0 : i32
    "tpu.region"() ({
      %run_scoped3A_80 = tpu.sem_alloc : memref<!tpu.dma_semaphore, #tpu.memory_space<semaphore_mem>>
      %dma_start3A_81 = arith.constant 0 : i32
      %dma_start3A_82 = tpu.memref_slice %arg8[%run_scoped3A_43, %dma_start3A_81] : memref<8x128xi32, #tpu.memory_space<vmem>> -> memref<1x128xi32, #tpu.memory_space<vmem>>
      %dma_start3A_83 = tpu.memref_squeeze %dma_start3A_82 : memref<1x128xi32, #tpu.memory_space<vmem>> -> memref<128xi32, #tpu.memory_space<vmem>>
      %dma_start3A_84 = arith.constant 0 : i32
      %dma_start3A_85 = arith.constant 0 : i32
      %dma_start3A_86 = tpu.memref_slice %arg11[%dma_start3A_84, %dma_start3A_85] : memref<10112x128xf32, #tpu.memory_space<vmem_shared>> -> memref<10112x128xf32, #tpu.memory_space<vmem_shared>>
      tpu.enqueue_indirect_dma source(%arg9 : memref<128x128xf32, #tpu.memory_space<vmem>>) target(%dma_start3A_86 : memref<10112x128xf32, #tpu.memory_space<vmem_shared>>) offsets(%dma_start3A_83 : memref<128xi32, #tpu.memory_space<vmem>>) semaphore(%run_scoped3A_80 : memref<!tpu.dma_semaphore, #tpu.memory_space<semaphore_mem>>) {add = true}
      %dma_wait3A_87 = arith.constant 0 : i32
      %dma_wait3A_88 = tpu.memref_slice %arg8[%run_scoped3A_43, %dma_wait3A_87] : memref<8x128xi32, #tpu.memory_space<vmem>> -> memref<1x128xi32, #tpu.memory_space<vmem>>
      %dma_wait3A_89 = tpu.memref_squeeze %dma_wait3A_88 : memref<1x128xi32, #tpu.memory_space<vmem>> -> memref<128xi32, #tpu.memory_space<vmem>>
      %dma_wait3A_90 = arith.constant 0 : i32
      %dma_wait3A_91 = arith.constant 0 : i32
      %dma_wait3A_92 = tpu.memref_slice %arg11[%dma_wait3A_90, %dma_wait3A_91] : memref<10112x128xf32, #tpu.memory_space<vmem_shared>> -> memref<10112x128xf32, #tpu.memory_space<vmem_shared>>
      tpu.wait_indirect_dma semaphore(%run_scoped3A_80 : memref<!tpu.dma_semaphore, #tpu.memory_space<semaphore_mem>>) src(%arg9 : memref<128x128xf32, #tpu.memory_space<vmem>>) dst(%dma_wait3A_92 : memref<10112x128xf32, #tpu.memory_space<vmem_shared>>)
      tpu.yield
    }) : () -> ()
    %mul3A_44 = arith.constant 80 : i32
    %mul3A_45 = arith.muli %add3A, %mul3A_44 : i32
    %add3A_46 = arith.constant 79 : i32
    %add3A_47 = arith.addi %mul3A_45, %add3A_46 : i32
    %mul3A_48 = arith.constant 128 : i32
    %mul3A_49 = arith.muli %add3A_47, %mul3A_48 : i32
    %run_scoped3A_50 = arith.constant 1 : i32
    "tpu.region"() ({
      %run_scoped3A_80 = tpu.sem_alloc : memref<!tpu.dma_semaphore, #tpu.memory_space<semaphore_mem>>
      %dma_start3A_81 = arith.constant 0 : i32
      %dma_start3A_82 = tpu.memref_slice %arg8[%run_scoped3A_50, %dma_start3A_81] : memref<8x128xi32, #tpu.memory_space<vmem>> -> memref<1x128xi32, #tpu.memory_space<vmem>>
      %dma_start3A_83 = tpu.memref_squeeze %dma_start3A_82 : memref<1x128xi32, #tpu.memory_space<vmem>> -> memref<128xi32, #tpu.memory_space<vmem>>
      %dma_start3A_84 = tpu.memref_slice %arg3[%mul3A_49] : memref<327680xi32, #tpu.memory_space<hbm>> -> memref<128xi32, #tpu.memory_space<hbm>>
      %dma_start3A_85 = arith.constant 0 : i32
      %dma_start3A_86 = tpu.memref_slice %arg8[%run_scoped3A_50, %dma_start3A_85] : memref<8x128xi32, #tpu.memory_space<vmem>> -> memref<1x128xi32, #tpu.memory_space<vmem>>
      %dma_start3A_87 = tpu.memref_squeeze %dma_start3A_86 : memref<1x128xi32, #tpu.memory_space<vmem>> -> memref<128xi32, #tpu.memory_space<vmem>>
      %dma_start3A_88 = tpu.memref_slice %arg3[%mul3A_49] : memref<327680xi32, #tpu.memory_space<hbm>> -> memref<128xi32, #tpu.memory_space<hbm>>
      tpu.enqueue_dma source(%dma_start3A_88 : memref<128xi32, #tpu.memory_space<hbm>>) target(%dma_start3A_87 : memref<128xi32, #tpu.memory_space<vmem>>) target_semaphore(%run_scoped3A_80 : memref<!tpu.dma_semaphore, #tpu.memory_space<semaphore_mem>>)
      %dma_wait3A_89 = arith.constant 0 : i32
      %dma_wait3A_90 = tpu.memref_slice %arg8[%run_scoped3A_50, %dma_wait3A_89] : memref<8x128xi32, #tpu.memory_space<vmem>> -> memref<1x128xi32, #tpu.memory_space<vmem>>
      %dma_wait3A_91 = tpu.memref_squeeze %dma_wait3A_90 : memref<1x128xi32, #tpu.memory_space<vmem>> -> memref<128xi32, #tpu.memory_space<vmem>>
      %dma_wait3A_92 = tpu.memref_slice %arg3[%mul3A_49] : memref<327680xi32, #tpu.memory_space<hbm>> -> memref<128xi32, #tpu.memory_space<hbm>>
      %dma_wait3A_93 = arith.constant 0 : i32
      %dma_wait3A_94 = tpu.memref_slice %arg8[%run_scoped3A_50, %dma_wait3A_93] : memref<8x128xi32, #tpu.memory_space<vmem>> -> memref<1x128xi32, #tpu.memory_space<vmem>>
      %dma_wait3A_95 = tpu.memref_squeeze %dma_wait3A_94 : memref<1x128xi32, #tpu.memory_space<vmem>> -> memref<128xi32, #tpu.memory_space<vmem>>
      %dma_wait3A_96 = tpu.memref_slice %arg3[%mul3A_49] : memref<327680xi32, #tpu.memory_space<hbm>> -> memref<128xi32, #tpu.memory_space<hbm>>
      tpu.wait_dma2 semaphore(%run_scoped3A_80 : memref<!tpu.dma_semaphore, #tpu.memory_space<semaphore_mem>>) src(%dma_wait3A_96 : memref<128xi32, #tpu.memory_space<hbm>>) dst(%dma_wait3A_95 : memref<128xi32, #tpu.memory_space<vmem>>)
      tpu.yield
    }) : () -> ()
    %dma_wait3A_51 = arith.constant 79 : i32
    %dma_wait3A_52 = arith.constant 0 : i32
    %dma_wait3A_53 = tpu.memref_slice %arg7[%dma_wait3A_51, %dma_wait3A_52] : memref<80x128xi32, #tpu.memory_space<vmem>> -> memref<1x128xi32, #tpu.memory_space<vmem>>
    %dma_wait3A_54 = tpu.memref_squeeze %dma_wait3A_53 : memref<1x128xi32, #tpu.memory_space<vmem>> -> memref<128xi32, #tpu.memory_space<vmem>>
    %dma_wait3A_55 = arith.constant 0 : i32
    %dma_wait3A_56 = arith.constant 0 : i32
    %dma_wait3A_57 = tpu.memref_slice %arg4[%dma_wait3A_55, %dma_wait3A_56] : memref<10000x128xf32, #tpu.memory_space<hbm>> -> memref<10000x128xf32, #tpu.memory_space<hbm>>
    tpu.wait_indirect_dma semaphore(%arg13 : memref<!tpu.dma_semaphore, #tpu.memory_space<semaphore_mem>>) src(%dma_wait3A_57 : memref<10000x128xf32, #tpu.memory_space<hbm>>) dst(%arg10 : memref<128x128xf32, #tpu.memory_space<vmem>>)
    %run_scoped3A_58 = arith.constant 1 : i32
    "tpu.region"() ({
      %run_scoped3A_80 = tpu.sem_alloc : memref<!tpu.dma_semaphore, #tpu.memory_space<semaphore_mem>>
      %dma_start3A_81 = arith.constant 0 : i32
      %dma_start3A_82 = tpu.memref_slice %arg8[%run_scoped3A_58, %dma_start3A_81] : memref<8x128xi32, #tpu.memory_space<vmem>> -> memref<1x128xi32, #tpu.memory_space<vmem>>
      %dma_start3A_83 = tpu.memref_squeeze %dma_start3A_82 : memref<1x128xi32, #tpu.memory_space<vmem>> -> memref<128xi32, #tpu.memory_space<vmem>>
      %dma_start3A_84 = arith.constant 0 : i32
      %dma_start3A_85 = arith.constant 0 : i32
      %dma_start3A_86 = tpu.memref_slice %arg11[%dma_start3A_84, %dma_start3A_85] : memref<10112x128xf32, #tpu.memory_space<vmem_shared>> -> memref<10112x128xf32, #tpu.memory_space<vmem_shared>>
      tpu.enqueue_indirect_dma source(%arg10 : memref<128x128xf32, #tpu.memory_space<vmem>>) target(%dma_start3A_86 : memref<10112x128xf32, #tpu.memory_space<vmem_shared>>) offsets(%dma_start3A_83 : memref<128xi32, #tpu.memory_space<vmem>>) semaphore(%run_scoped3A_80 : memref<!tpu.dma_semaphore, #tpu.memory_space<semaphore_mem>>) {add = true}
      %dma_wait3A_87 = arith.constant 0 : i32
      %dma_wait3A_88 = tpu.memref_slice %arg8[%run_scoped3A_58, %dma_wait3A_87] : memref<8x128xi32, #tpu.memory_space<vmem>> -> memref<1x128xi32, #tpu.memory_space<vmem>>
      %dma_wait3A_89 = tpu.memref_squeeze %dma_wait3A_88 : memref<1x128xi32, #tpu.memory_space<vmem>> -> memref<128xi32, #tpu.memory_space<vmem>>
      %dma_wait3A_90 = arith.constant 0 : i32
      %dma_wait3A_91 = arith.constant 0 : i32
      %dma_wait3A_92 = tpu.memref_slice %arg11[%dma_wait3A_90, %dma_wait3A_91] : memref<10112x128xf32, #tpu.memory_space<vmem_shared>> -> memref<10112x128xf32, #tpu.memory_space<vmem_shared>>
      tpu.wait_indirect_dma semaphore(%run_scoped3A_80 : memref<!tpu.dma_semaphore, #tpu.memory_space<semaphore_mem>>) src(%arg10 : memref<128x128xf32, #tpu.memory_space<vmem>>) dst(%dma_wait3A_92 : memref<10112x128xf32, #tpu.memory_space<vmem_shared>>)
      tpu.yield
    }) : () -> ()
    %barrier3A_59 = arith.constant 0 : index
    tpu.barrier barrier_id(%barrier3A_59)
    %add3A_60 = arith.constant 0 : i32
    %add3A_61 = arith.addi %mul3A_2, %add3A_60 : i32
    "tpu.region"() ({
      %run_scoped3A_80 = tpu.sem_alloc : memref<!tpu.dma_semaphore, #tpu.memory_space<semaphore_mem>>
      %dma_start3A_81 = arith.constant 0 : i32
      %dma_start3A_82 = arith.constant 0 : i32
      %dma_start3A_83 = tpu.memref_slice %arg9[%dma_start3A_81, %dma_start3A_82] : memref<128x128xf32, #tpu.memory_space<vmem>> -> memref<128x128xf32, #tpu.memory_space<vmem>>
      %dma_start3A_84 = arith.constant 0 : i32
      %dma_start3A_85 = tpu.memref_slice %arg11[%add3A_61, %dma_start3A_84] : memref<10112x128xf32, #tpu.memory_space<vmem_shared>> -> memref<128x128xf32, #tpu.memory_space<vmem_shared>>
      %dma_start3A_86 = arith.constant 0 : i32
      %dma_start3A_87 = arith.constant 0 : i32
      %dma_start3A_88 = tpu.memref_slice %arg9[%dma_start3A_86, %dma_start3A_87] : memref<128x128xf32, #tpu.memory_space<vmem>> -> memref<128x128xf32, #tpu.memory_space<vmem>>
      %dma_start3A_89 = arith.constant 0 : i32
      %dma_start3A_90 = tpu.memref_slice %arg11[%add3A_61, %dma_start3A_89] : memref<10112x128xf32, #tpu.memory_space<vmem_shared>> -> memref<128x128xf32, #tpu.memory_space<vmem_shared>>
      tpu.enqueue_dma source(%dma_start3A_90 : memref<128x128xf32, #tpu.memory_space<vmem_shared>>) target(%dma_start3A_88 : memref<128x128xf32, #tpu.memory_space<vmem>>) target_semaphore(%run_scoped3A_80 : memref<!tpu.dma_semaphore, #tpu.memory_space<semaphore_mem>>)
      %dma_wait3A_91 = arith.constant 0 : i32
      %dma_wait3A_92 = arith.constant 0 : i32
      %dma_wait3A_93 = tpu.memref_slice %arg9[%dma_wait3A_91, %dma_wait3A_92] : memref<128x128xf32, #tpu.memory_space<vmem>> -> memref<128x128xf32, #tpu.memory_space<vmem>>
      %dma_wait3A_94 = arith.constant 0 : i32
      %dma_wait3A_95 = tpu.memref_slice %arg11[%add3A_61, %dma_wait3A_94] : memref<10112x128xf32, #tpu.memory_space<vmem_shared>> -> memref<128x128xf32, #tpu.memory_space<vmem_shared>>
      %dma_wait3A_96 = arith.constant 0 : i32
      %dma_wait3A_97 = arith.constant 0 : i32
      %dma_wait3A_98 = tpu.memref_slice %arg9[%dma_wait3A_96, %dma_wait3A_97] : memref<128x128xf32, #tpu.memory_space<vmem>> -> memref<128x128xf32, #tpu.memory_space<vmem>>
      %dma_wait3A_99 = arith.constant 0 : i32
      %dma_wait3A_100 = tpu.memref_slice %arg11[%add3A_61, %dma_wait3A_99] : memref<10112x128xf32, #tpu.memory_space<vmem_shared>> -> memref<128x128xf32, #tpu.memory_space<vmem_shared>>
      tpu.wait_dma2 semaphore(%run_scoped3A_80 : memref<!tpu.dma_semaphore, #tpu.memory_space<semaphore_mem>>) src(%dma_wait3A_100 : memref<128x128xf32, #tpu.memory_space<vmem_shared>>) dst(%dma_wait3A_98 : memref<128x128xf32, #tpu.memory_space<vmem>>)
      tpu.yield
    }) : () -> ()
    %add3A_62 = arith.constant 0 : i32
    %add3A_63 = arith.addi %mul3A_2, %add3A_62 : i32
    "tpu.region"() ({
      %run_scoped3A_80 = tpu.sem_alloc : memref<!tpu.dma_semaphore, #tpu.memory_space<semaphore_mem>>
      %dma_start3A_81 = arith.constant 0 : i32
      %dma_start3A_82 = arith.constant 0 : i32
      %dma_start3A_83 = tpu.memref_slice %arg9[%dma_start3A_81, %dma_start3A_82] : memref<128x128xf32, #tpu.memory_space<vmem>> -> memref<128x128xf32, #tpu.memory_space<vmem>>
      %dma_start3A_84 = arith.constant 0 : i32
      %dma_start3A_85 = tpu.memref_slice %arg6[%arg0, %add3A_63, %dma_start3A_84] : memref<2x10112x128xf32, #tpu.memory_space<hbm>> -> memref<1x128x128xf32, #tpu.memory_space<hbm>>
      %dma_start3A_86 = tpu.memref_squeeze %dma_start3A_85 : memref<1x128x128xf32, #tpu.memory_space<hbm>> -> memref<128x128xf32, #tpu.memory_space<hbm>>
      %dma_start3A_87 = arith.constant 0 : i32
      %dma_start3A_88 = tpu.memref_slice %arg6[%arg0, %add3A_63, %dma_start3A_87] : memref<2x10112x128xf32, #tpu.memory_space<hbm>> -> memref<1x128x128xf32, #tpu.memory_space<hbm>>
      %dma_start3A_89 = tpu.memref_squeeze %dma_start3A_88 : memref<1x128x128xf32, #tpu.memory_space<hbm>> -> memref<128x128xf32, #tpu.memory_space<hbm>>
      %dma_start3A_90 = arith.constant 0 : i32
      %dma_start3A_91 = arith.constant 0 : i32
      %dma_start3A_92 = tpu.memref_slice %arg9[%dma_start3A_90, %dma_start3A_91] : memref<128x128xf32, #tpu.memory_space<vmem>> -> memref<128x128xf32, #tpu.memory_space<vmem>>
      tpu.enqueue_dma source(%dma_start3A_92 : memref<128x128xf32, #tpu.memory_space<vmem>>) target(%dma_start3A_89 : memref<128x128xf32, #tpu.memory_space<hbm>>) target_semaphore(%run_scoped3A_80 : memref<!tpu.dma_semaphore, #tpu.memory_space<semaphore_mem>>)
      %dma_wait3A_93 = arith.constant 0 : i32
      %dma_wait3A_94 = arith.constant 0 : i32
      %dma_wait3A_95 = tpu.memref_slice %arg9[%dma_wait3A_93, %dma_wait3A_94] : memref<128x128xf32, #tpu.memory_space<vmem>> -> memref<128x128xf32, #tpu.memory_space<vmem>>
      %dma_wait3A_96 = arith.constant 0 : i32
      %dma_wait3A_97 = tpu.memref_slice %arg6[%arg0, %add3A_63, %dma_wait3A_96] : memref<2x10112x128xf32, #tpu.memory_space<hbm>> -> memref<1x128x128xf32, #tpu.memory_space<hbm>>
      %dma_wait3A_98 = tpu.memref_squeeze %dma_wait3A_97 : memref<1x128x128xf32, #tpu.memory_space<hbm>> -> memref<128x128xf32, #tpu.memory_space<hbm>>
      %dma_wait3A_99 = arith.constant 0 : i32
      %dma_wait3A_100 = tpu.memref_slice %arg6[%arg0, %add3A_63, %dma_wait3A_99] : memref<2x10112x128xf32, #tpu.memory_space<hbm>> -> memref<1x128x128xf32, #tpu.memory_space<hbm>>
      %dma_wait3A_101 = tpu.memref_squeeze %dma_wait3A_100 : memref<1x128x128xf32, #tpu.memory_space<hbm>> -> memref<128x128xf32, #tpu.memory_space<hbm>>
      %dma_wait3A_102 = arith.constant 0 : i32
      %dma_wait3A_103 = arith.constant 0 : i32
      %dma_wait3A_104 = tpu.memref_slice %arg9[%dma_wait3A_102, %dma_wait3A_103] : memref<128x128xf32, #tpu.memory_space<vmem>> -> memref<128x128xf32, #tpu.memory_space<vmem>>
      tpu.wait_dma2 semaphore(%run_scoped3A_80 : memref<!tpu.dma_semaphore, #tpu.memory_space<semaphore_mem>>) src(%dma_wait3A_104 : memref<128x128xf32, #tpu.memory_space<vmem>>) dst(%dma_wait3A_101 : memref<128x128xf32, #tpu.memory_space<hbm>>)
      tpu.yield
    }) : () -> ()
    %add3A_64 = arith.constant 128 : i32
    %add3A_65 = arith.addi %mul3A_2, %add3A_64 : i32
    "tpu.region"() ({
      %run_scoped3A_80 = tpu.sem_alloc : memref<!tpu.dma_semaphore, #tpu.memory_space<semaphore_mem>>
      %dma_start3A_81 = arith.constant 0 : i32
      %dma_start3A_82 = arith.constant 0 : i32
      %dma_start3A_83 = tpu.memref_slice %arg9[%dma_start3A_81, %dma_start3A_82] : memref<128x128xf32, #tpu.memory_space<vmem>> -> memref<128x128xf32, #tpu.memory_space<vmem>>
      %dma_start3A_84 = arith.constant 0 : i32
      %dma_start3A_85 = tpu.memref_slice %arg11[%add3A_65, %dma_start3A_84] : memref<10112x128xf32, #tpu.memory_space<vmem_shared>> -> memref<128x128xf32, #tpu.memory_space<vmem_shared>>
      %dma_start3A_86 = arith.constant 0 : i32
      %dma_start3A_87 = arith.constant 0 : i32
      %dma_start3A_88 = tpu.memref_slice %arg9[%dma_start3A_86, %dma_start3A_87] : memref<128x128xf32, #tpu.memory_space<vmem>> -> memref<128x128xf32, #tpu.memory_space<vmem>>
      %dma_start3A_89 = arith.constant 0 : i32
      %dma_start3A_90 = tpu.memref_slice %arg11[%add3A_65, %dma_start3A_89] : memref<10112x128xf32, #tpu.memory_space<vmem_shared>> -> memref<128x128xf32, #tpu.memory_space<vmem_shared>>
      tpu.enqueue_dma source(%dma_start3A_90 : memref<128x128xf32, #tpu.memory_space<vmem_shared>>) target(%dma_start3A_88 : memref<128x128xf32, #tpu.memory_space<vmem>>) target_semaphore(%run_scoped3A_80 : memref<!tpu.dma_semaphore, #tpu.memory_space<semaphore_mem>>)
      %dma_wait3A_91 = arith.constant 0 : i32
      %dma_wait3A_92 = arith.constant 0 : i32
      %dma_wait3A_93 = tpu.memref_slice %arg9[%dma_wait3A_91, %dma_wait3A_92] : memref<128x128xf32, #tpu.memory_space<vmem>> -> memref<128x128xf32, #tpu.memory_space<vmem>>
      %dma_wait3A_94 = arith.constant 0 : i32
      %dma_wait3A_95 = tpu.memref_slice %arg11[%add3A_65, %dma_wait3A_94] : memref<10112x128xf32, #tpu.memory_space<vmem_shared>> -> memref<128x128xf32, #tpu.memory_space<vmem_shared>>
      %dma_wait3A_96 = arith.constant 0 : i32
      %dma_wait3A_97 = arith.constant 0 : i32
      %dma_wait3A_98 = tpu.memref_slice %arg9[%dma_wait3A_96, %dma_wait3A_97] : memref<128x128xf32, #tpu.memory_space<vmem>> -> memref<128x128xf32, #tpu.memory_space<vmem>>
      %dma_wait3A_99 = arith.constant 0 : i32
      %dma_wait3A_100 = tpu.memref_slice %arg11[%add3A_65, %dma_wait3A_99] : memref<10112x128xf32, #tpu.memory_space<vmem_shared>> -> memref<128x128xf32, #tpu.memory_space<vmem_shared>>
      tpu.wait_dma2 semaphore(%run_scoped3A_80 : memref<!tpu.dma_semaphore, #tpu.memory_space<semaphore_mem>>) src(%dma_wait3A_100 : memref<128x128xf32, #tpu.memory_space<vmem_shared>>) dst(%dma_wait3A_98 : memref<128x128xf32, #tpu.memory_space<vmem>>)
      tpu.yield
    }) : () -> ()
    %add3A_66 = arith.constant 128 : i32
    %add3A_67 = arith.addi %mul3A_2, %add3A_66 : i32
    "tpu.region"() ({
      %run_scoped3A_80 = tpu.sem_alloc : memref<!tpu.dma_semaphore, #tpu.memory_space<semaphore_mem>>
      %dma_start3A_81 = arith.constant 0 : i32
      %dma_start3A_82 = arith.constant 0 : i32
      %dma_start3A_83 = tpu.memref_slice %arg9[%dma_start3A_81, %dma_start3A_82] : memref<128x128xf32, #tpu.memory_space<vmem>> -> memref<128x128xf32, #tpu.memory_space<vmem>>
      %dma_start3A_84 = arith.constant 0 : i32
      %dma_start3A_85 = tpu.memref_slice %arg6[%arg0, %add3A_67, %dma_start3A_84] : memref<2x10112x128xf32, #tpu.memory_space<hbm>> -> memref<1x128x128xf32, #tpu.memory_space<hbm>>
      %dma_start3A_86 = tpu.memref_squeeze %dma_start3A_85 : memref<1x128x128xf32, #tpu.memory_space<hbm>> -> memref<128x128xf32, #tpu.memory_space<hbm>>
      %dma_start3A_87 = arith.constant 0 : i32
      %dma_start3A_88 = tpu.memref_slice %arg6[%arg0, %add3A_67, %dma_start3A_87] : memref<2x10112x128xf32, #tpu.memory_space<hbm>> -> memref<1x128x128xf32, #tpu.memory_space<hbm>>
      %dma_start3A_89 = tpu.memref_squeeze %dma_start3A_88 : memref<1x128x128xf32, #tpu.memory_space<hbm>> -> memref<128x128xf32, #tpu.memory_space<hbm>>
      %dma_start3A_90 = arith.constant 0 : i32
      %dma_start3A_91 = arith.constant 0 : i32
      %dma_start3A_92 = tpu.memref_slice %arg9[%dma_start3A_90, %dma_start3A_91] : memref<128x128xf32, #tpu.memory_space<vmem>> -> memref<128x128xf32, #tpu.memory_space<vmem>>
      tpu.enqueue_dma source(%dma_start3A_92 : memref<128x128xf32, #tpu.memory_space<vmem>>) target(%dma_start3A_89 : memref<128x128xf32, #tpu.memory_space<hbm>>) target_semaphore(%run_scoped3A_80 : memref<!tpu.dma_semaphore, #tpu.memory_space<semaphore_mem>>)
      %dma_wait3A_93 = arith.constant 0 : i32
      %dma_wait3A_94 = arith.constant 0 : i32
      %dma_wait3A_95 = tpu.memref_slice %arg9[%dma_wait3A_93, %dma_wait3A_94] : memref<128x128xf32, #tpu.memory_space<vmem>> -> memref<128x128xf32, #tpu.memory_space<vmem>>
      %dma_wait3A_96 = arith.constant 0 : i32
      %dma_wait3A_97 = tpu.memref_slice %arg6[%arg0, %add3A_67, %dma_wait3A_96] : memref<2x10112x128xf32, #tpu.memory_space<hbm>> -> memref<1x128x128xf32, #tpu.memory_space<hbm>>
      %dma_wait3A_98 = tpu.memref_squeeze %dma_wait3A_97 : memref<1x128x128xf32, #tpu.memory_space<hbm>> -> memref<128x128xf32, #tpu.memory_space<hbm>>
      %dma_wait3A_99 = arith.constant 0 : i32
      %dma_wait3A_100 = tpu.memref_slice %arg6[%arg0, %add3A_67, %dma_wait3A_99] : memref<2x10112x128xf32, #tpu.memory_space<hbm>> -> memref<1x128x128xf32, #tpu.memory_space<hbm>>
      %dma_wait3A_101 = tpu.memref_squeeze %dma_wait3A_100 : memref<1x128x128xf32, #tpu.memory_space<hbm>> -> memref<128x128xf32, #tpu.memory_space<hbm>>
      %dma_wait3A_102 = arith.constant 0 : i32
      %dma_wait3A_103 = arith.constant 0 : i32
      %dma_wait3A_104 = tpu.memref_slice %arg9[%dma_wait3A_102, %dma_wait3A_103] : memref<128x128xf32, #tpu.memory_space<vmem>> -> memref<128x128xf32, #tpu.memory_space<vmem>>
      tpu.wait_dma2 semaphore(%run_scoped3A_80 : memref<!tpu.dma_semaphore, #tpu.memory_space<semaphore_mem>>) src(%dma_wait3A_104 : memref<128x128xf32, #tpu.memory_space<vmem>>) dst(%dma_wait3A_101 : memref<128x128xf32, #tpu.memory_space<hbm>>)
      tpu.yield
    }) : () -> ()
    %add3A_68 = arith.constant 256 : i32
    %add3A_69 = arith.addi %mul3A_2, %add3A_68 : i32
    "tpu.region"() ({
      %run_scoped3A_80 = tpu.sem_alloc : memref<!tpu.dma_semaphore, #tpu.memory_space<semaphore_mem>>
      %dma_start3A_81 = arith.constant 0 : i32
      %dma_start3A_82 = arith.constant 0 : i32
      %dma_start3A_83 = tpu.memref_slice %arg9[%dma_start3A_81, %dma_start3A_82] : memref<128x128xf32, #tpu.memory_space<vmem>> -> memref<128x128xf32, #tpu.memory_space<vmem>>
      %dma_start3A_84 = arith.constant 0 : i32
      %dma_start3A_85 = tpu.memref_slice %arg11[%add3A_69, %dma_start3A_84] : memref<10112x128xf32, #tpu.memory_space<vmem_shared>> -> memref<128x128xf32, #tpu.memory_space<vmem_shared>>
      %dma_start3A_86 = arith.constant 0 : i32
      %dma_start3A_87 = arith.constant 0 : i32
      %dma_start3A_88 = tpu.memref_slice %arg9[%dma_start3A_86, %dma_start3A_87] : memref<128x128xf32, #tpu.memory_space<vmem>> -> memref<128x128xf32, #tpu.memory_space<vmem>>
      %dma_start3A_89 = arith.constant 0 : i32
      %dma_start3A_90 = tpu.memref_slice %arg11[%add3A_69, %dma_start3A_89] : memref<10112x128xf32, #tpu.memory_space<vmem_shared>> -> memref<128x128xf32, #tpu.memory_space<vmem_shared>>
      tpu.enqueue_dma source(%dma_start3A_90 : memref<128x128xf32, #tpu.memory_space<vmem_shared>>) target(%dma_start3A_88 : memref<128x128xf32, #tpu.memory_space<vmem>>) target_semaphore(%run_scoped3A_80 : memref<!tpu.dma_semaphore, #tpu.memory_space<semaphore_mem>>)
      %dma_wait3A_91 = arith.constant 0 : i32
      %dma_wait3A_92 = arith.constant 0 : i32
      %dma_wait3A_93 = tpu.memref_slice %arg9[%dma_wait3A_91, %dma_wait3A_92] : memref<128x128xf32, #tpu.memory_space<vmem>> -> memref<128x128xf32, #tpu.memory_space<vmem>>
      %dma_wait3A_94 = arith.constant 0 : i32
      %dma_wait3A_95 = tpu.memref_slice %arg11[%add3A_69, %dma_wait3A_94] : memref<10112x128xf32, #tpu.memory_space<vmem_shared>> -> memref<128x128xf32, #tpu.memory_space<vmem_shared>>
      %dma_wait3A_96 = arith.constant 0 : i32
      %dma_wait3A_97 = arith.constant 0 : i32
      %dma_wait3A_98 = tpu.memref_slice %arg9[%dma_wait3A_96, %dma_wait3A_97] : memref<128x128xf32, #tpu.memory_space<vmem>> -> memref<128x128xf32, #tpu.memory_space<vmem>>
      %dma_wait3A_99 = arith.constant 0 : i32
      %dma_wait3A_100 = tpu.memref_slice %arg11[%add3A_69, %dma_wait3A_99] : memref<10112x128xf32, #tpu.memory_space<vmem_shared>> -> memref<128x128xf32, #tpu.memory_space<vmem_shared>>
      tpu.wait_dma2 semaphore(%run_scoped3A_80 : memref<!tpu.dma_semaphore, #tpu.memory_space<semaphore_mem>>) src(%dma_wait3A_100 : memref<128x128xf32, #tpu.memory_space<vmem_shared>>) dst(%dma_wait3A_98 : memref<128x128xf32, #tpu.memory_space<vmem>>)
      tpu.yield
    }) : () -> ()
    %add3A_70 = arith.constant 256 : i32
    %add3A_71 = arith.addi %mul3A_2, %add3A_70 : i32
    "tpu.region"() ({
      %run_scoped3A_80 = tpu.sem_alloc : memref<!tpu.dma_semaphore, #tpu.memory_space<semaphore_mem>>
      %dma_start3A_81 = arith.constant 0 : i32
      %dma_start3A_82 = arith.constant 0 : i32
      %dma_start3A_83 = tpu.memref_slice %arg9[%dma_start3A_81, %dma_start3A_82] : memref<128x128xf32, #tpu.memory_space<vmem>> -> memref<128x128xf32, #tpu.memory_space<vmem>>
      %dma_start3A_84 = arith.constant 0 : i32
      %dma_start3A_85 = tpu.memref_slice %arg6[%arg0, %add3A_71, %dma_start3A_84] : memref<2x10112x128xf32, #tpu.memory_space<hbm>> -> memref<1x128x128xf32, #tpu.memory_space<hbm>>
      %dma_start3A_86 = tpu.memref_squeeze %dma_start3A_85 : memref<1x128x128xf32, #tpu.memory_space<hbm>> -> memref<128x128xf32, #tpu.memory_space<hbm>>
      %dma_start3A_87 = arith.constant 0 : i32
      %dma_start3A_88 = tpu.memref_slice %arg6[%arg0, %add3A_71, %dma_start3A_87] : memref<2x10112x128xf32, #tpu.memory_space<hbm>> -> memref<1x128x128xf32, #tpu.memory_space<hbm>>
      %dma_start3A_89 = tpu.memref_squeeze %dma_start3A_88 : memref<1x128x128xf32, #tpu.memory_space<hbm>> -> memref<128x128xf32, #tpu.memory_space<hbm>>
      %dma_start3A_90 = arith.constant 0 : i32
      %dma_start3A_91 = arith.constant 0 : i32
      %dma_start3A_92 = tpu.memref_slice %arg9[%dma_start3A_90, %dma_start3A_91] : memref<128x128xf32, #tpu.memory_space<vmem>> -> memref<128x128xf32, #tpu.memory_space<vmem>>
      tpu.enqueue_dma source(%dma_start3A_92 : memref<128x128xf32, #tpu.memory_space<vmem>>) target(%dma_start3A_89 : memref<128x128xf32, #tpu.memory_space<hbm>>) target_semaphore(%run_scoped3A_80 : memref<!tpu.dma_semaphore, #tpu.memory_space<semaphore_mem>>)
      %dma_wait3A_93 = arith.constant 0 : i32
      %dma_wait3A_94 = arith.constant 0 : i32
      %dma_wait3A_95 = tpu.memref_slice %arg9[%dma_wait3A_93, %dma_wait3A_94] : memref<128x128xf32, #tpu.memory_space<vmem>> -> memref<128x128xf32, #tpu.memory_space<vmem>>
      %dma_wait3A_96 = arith.constant 0 : i32
      %dma_wait3A_97 = tpu.memref_slice %arg6[%arg0, %add3A_71, %dma_wait3A_96] : memref<2x10112x128xf32, #tpu.memory_space<hbm>> -> memref<1x128x128xf32, #tpu.memory_space<hbm>>
      %dma_wait3A_98 = tpu.memref_squeeze %dma_wait3A_97 : memref<1x128x128xf32, #tpu.memory_space<hbm>> -> memref<128x128xf32, #tpu.memory_space<hbm>>
      %dma_wait3A_99 = arith.constant 0 : i32
      %dma_wait3A_100 = tpu.memref_slice %arg6[%arg0, %add3A_71, %dma_wait3A_99] : memref<2x10112x128xf32, #tpu.memory_space<hbm>> -> memref<1x128x128xf32, #tpu.memory_space<hbm>>
      %dma_wait3A_101 = tpu.memref_squeeze %dma_wait3A_100 : memref<1x128x128xf32, #tpu.memory_space<hbm>> -> memref<128x128xf32, #tpu.memory_space<hbm>>
      %dma_wait3A_102 = arith.constant 0 : i32
      %dma_wait3A_103 = arith.constant 0 : i32
      %dma_wait3A_104 = tpu.memref_slice %arg9[%dma_wait3A_102, %dma_wait3A_103] : memref<128x128xf32, #tpu.memory_space<vmem>> -> memref<128x128xf32, #tpu.memory_space<vmem>>
      tpu.wait_dma2 semaphore(%run_scoped3A_80 : memref<!tpu.dma_semaphore, #tpu.memory_space<semaphore_mem>>) src(%dma_wait3A_104 : memref<128x128xf32, #tpu.memory_space<vmem>>) dst(%dma_wait3A_101 : memref<128x128xf32, #tpu.memory_space<hbm>>)
      tpu.yield
    }) : () -> ()
    %add3A_72 = arith.constant 384 : i32
    %add3A_73 = arith.addi %mul3A_2, %add3A_72 : i32
    "tpu.region"() ({
      %run_scoped3A_80 = tpu.sem_alloc : memref<!tpu.dma_semaphore, #tpu.memory_space<semaphore_mem>>
      %dma_start3A_81 = arith.constant 0 : i32
      %dma_start3A_82 = arith.constant 0 : i32
      %dma_start3A_83 = tpu.memref_slice %arg9[%dma_start3A_81, %dma_start3A_82] : memref<128x128xf32, #tpu.memory_space<vmem>> -> memref<128x128xf32, #tpu.memory_space<vmem>>
      %dma_start3A_84 = arith.constant 0 : i32
      %dma_start3A_85 = tpu.memref_slice %arg11[%add3A_73, %dma_start3A_84] : memref<10112x128xf32, #tpu.memory_space<vmem_shared>> -> memref<128x128xf32, #tpu.memory_space<vmem_shared>>
      %dma_start3A_86 = arith.constant 0 : i32
      %dma_start3A_87 = arith.constant 0 : i32
      %dma_start3A_88 = tpu.memref_slice %arg9[%dma_start3A_86, %dma_start3A_87] : memref<128x128xf32, #tpu.memory_space<vmem>> -> memref<128x128xf32, #tpu.memory_space<vmem>>
      %dma_start3A_89 = arith.constant 0 : i32
      %dma_start3A_90 = tpu.memref_slice %arg11[%add3A_73, %dma_start3A_89] : memref<10112x128xf32, #tpu.memory_space<vmem_shared>> -> memref<128x128xf32, #tpu.memory_space<vmem_shared>>
      tpu.enqueue_dma source(%dma_start3A_90 : memref<128x128xf32, #tpu.memory_space<vmem_shared>>) target(%dma_start3A_88 : memref<128x128xf32, #tpu.memory_space<vmem>>) target_semaphore(%run_scoped3A_80 : memref<!tpu.dma_semaphore, #tpu.memory_space<semaphore_mem>>)
      %dma_wait3A_91 = arith.constant 0 : i32
      %dma_wait3A_92 = arith.constant 0 : i32
      %dma_wait3A_93 = tpu.memref_slice %arg9[%dma_wait3A_91, %dma_wait3A_92] : memref<128x128xf32, #tpu.memory_space<vmem>> -> memref<128x128xf32, #tpu.memory_space<vmem>>
      %dma_wait3A_94 = arith.constant 0 : i32
      %dma_wait3A_95 = tpu.memref_slice %arg11[%add3A_73, %dma_wait3A_94] : memref<10112x128xf32, #tpu.memory_space<vmem_shared>> -> memref<128x128xf32, #tpu.memory_space<vmem_shared>>
      %dma_wait3A_96 = arith.constant 0 : i32
      %dma_wait3A_97 = arith.constant 0 : i32
      %dma_wait3A_98 = tpu.memref_slice %arg9[%dma_wait3A_96, %dma_wait3A_97] : memref<128x128xf32, #tpu.memory_space<vmem>> -> memref<128x128xf32, #tpu.memory_space<vmem>>
      %dma_wait3A_99 = arith.constant 0 : i32
      %dma_wait3A_100 = tpu.memref_slice %arg11[%add3A_73, %dma_wait3A_99] : memref<10112x128xf32, #tpu.memory_space<vmem_shared>> -> memref<128x128xf32, #tpu.memory_space<vmem_shared>>
      tpu.wait_dma2 semaphore(%run_scoped3A_80 : memref<!tpu.dma_semaphore, #tpu.memory_space<semaphore_mem>>) src(%dma_wait3A_100 : memref<128x128xf32, #tpu.memory_space<vmem_shared>>) dst(%dma_wait3A_98 : memref<128x128xf32, #tpu.memory_space<vmem>>)
      tpu.yield
    }) : () -> ()
    %add3A_74 = arith.constant 384 : i32
    %add3A_75 = arith.addi %mul3A_2, %add3A_74 : i32
    "tpu.region"() ({
      %run_scoped3A_80 = tpu.sem_alloc : memref<!tpu.dma_semaphore, #tpu.memory_space<semaphore_mem>>
      %dma_start3A_81 = arith.constant 0 : i32
      %dma_start3A_82 = arith.constant 0 : i32
      %dma_start3A_83 = tpu.memref_slice %arg9[%dma_start3A_81, %dma_start3A_82] : memref<128x128xf32, #tpu.memory_space<vmem>> -> memref<128x128xf32, #tpu.memory_space<vmem>>
      %dma_start3A_84 = arith.constant 0 : i32
      %dma_start3A_85 = tpu.memref_slice %arg6[%arg0, %add3A_75, %dma_start3A_84] : memref<2x10112x128xf32, #tpu.memory_space<hbm>> -> memref<1x128x128xf32, #tpu.memory_space<hbm>>
      %dma_start3A_86 = tpu.memref_squeeze %dma_start3A_85 : memref<1x128x128xf32, #tpu.memory_space<hbm>> -> memref<128x128xf32, #tpu.memory_space<hbm>>
      %dma_start3A_87 = arith.constant 0 : i32
      %dma_start3A_88 = tpu.memref_slice %arg6[%arg0, %add3A_75, %dma_start3A_87] : memref<2x10112x128xf32, #tpu.memory_space<hbm>> -> memref<1x128x128xf32, #tpu.memory_space<hbm>>
      %dma_start3A_89 = tpu.memref_squeeze %dma_start3A_88 : memref<1x128x128xf32, #tpu.memory_space<hbm>> -> memref<128x128xf32, #tpu.memory_space<hbm>>
      %dma_start3A_90 = arith.constant 0 : i32
      %dma_start3A_91 = arith.constant 0 : i32
      %dma_start3A_92 = tpu.memref_slice %arg9[%dma_start3A_90, %dma_start3A_91] : memref<128x128xf32, #tpu.memory_space<vmem>> -> memref<128x128xf32, #tpu.memory_space<vmem>>
      tpu.enqueue_dma source(%dma_start3A_92 : memref<128x128xf32, #tpu.memory_space<vmem>>) target(%dma_start3A_89 : memref<128x128xf32, #tpu.memory_space<hbm>>) target_semaphore(%run_scoped3A_80 : memref<!tpu.dma_semaphore, #tpu.memory_space<semaphore_mem>>)
      %dma_wait3A_93 = arith.constant 0 : i32
      %dma_wait3A_94 = arith.constant 0 : i32
      %dma_wait3A_95 = tpu.memref_slice %arg9[%dma_wait3A_93, %dma_wait3A_94] : memref<128x128xf32, #tpu.memory_space<vmem>> -> memref<128x128xf32, #tpu.memory_space<vmem>>
      %dma_wait3A_96 = arith.constant 0 : i32
      %dma_wait3A_97 = tpu.memref_slice %arg6[%arg0, %add3A_75, %dma_wait3A_96] : memref<2x10112x128xf32, #tpu.memory_space<hbm>> -> memref<1x128x128xf32, #tpu.memory_space<hbm>>
      %dma_wait3A_98 = tpu.memref_squeeze %dma_wait3A_97 : memref<1x128x128xf32, #tpu.memory_space<hbm>> -> memref<128x128xf32, #tpu.memory_space<hbm>>
      %dma_wait3A_99 = arith.constant 0 : i32
      %dma_wait3A_100 = tpu.memref_slice %arg6[%arg0, %add3A_75, %dma_wait3A_99] : memref<2x10112x128xf32, #tpu.memory_space<hbm>> -> memref<1x128x128xf32, #tpu.memory_space<hbm>>
      %dma_wait3A_101 = tpu.memref_squeeze %dma_wait3A_100 : memref<1x128x128xf32, #tpu.memory_space<hbm>> -> memref<128x128xf32, #tpu.memory_space<hbm>>
      %dma_wait3A_102 = arith.constant 0 : i32
      %dma_wait3A_103 = arith.constant 0 : i32
      %dma_wait3A_104 = tpu.memref_slice %arg9[%dma_wait3A_102, %dma_wait3A_103] : memref<128x128xf32, #tpu.memory_space<vmem>> -> memref<128x128xf32, #tpu.memory_space<vmem>>
      tpu.wait_dma2 semaphore(%run_scoped3A_80 : memref<!tpu.dma_semaphore, #tpu.memory_space<semaphore_mem>>) src(%dma_wait3A_104 : memref<128x128xf32, #tpu.memory_space<vmem>>) dst(%dma_wait3A_101 : memref<128x128xf32, #tpu.memory_space<hbm>>)
      tpu.yield
    }) : () -> ()
    %add3A_76 = arith.constant 512 : i32
    %add3A_77 = arith.addi %mul3A_2, %add3A_76 : i32
    "tpu.region"() ({
      %run_scoped3A_80 = tpu.sem_alloc : memref<!tpu.dma_semaphore, #tpu.memory_space<semaphore_mem>>
      %dma_start3A_81 = arith.constant 0 : i32
      %dma_start3A_82 = arith.constant 0 : i32
      %dma_start3A_83 = tpu.memref_slice %arg9[%dma_start3A_81, %dma_start3A_82] : memref<128x128xf32, #tpu.memory_space<vmem>> -> memref<120x128xf32, #tpu.memory_space<vmem>>
      %dma_start3A_84 = arith.constant 0 : i32
      %dma_start3A_85 = tpu.memref_slice %arg11[%add3A_77, %dma_start3A_84] : memref<10112x128xf32, #tpu.memory_space<vmem_shared>> -> memref<120x128xf32, #tpu.memory_space<vmem_shared>>
      %dma_start3A_86 = arith.constant 0 : i32
      %dma_start3A_87 = arith.constant 0 : i32
      %dma_start3A_88 = tpu.memref_slice %arg9[%dma_start3A_86, %dma_start3A_87] : memref<128x128xf32, #tpu.memory_space<vmem>> -> memref<120x128xf32, #tpu.memory_space<vmem>>
      %dma_start3A_89 = arith.constant 0 : i32
      %dma_start3A_90 = tpu.memref_slice %arg11[%add3A_77, %dma_start3A_89] : memref<10112x128xf32, #tpu.memory_space<vmem_shared>> -> memref<120x128xf32, #tpu.memory_space<vmem_shared>>
      tpu.enqueue_dma source(%dma_start3A_90 : memref<120x128xf32, #tpu.memory_space<vmem_shared>>) target(%dma_start3A_88 : memref<120x128xf32, #tpu.memory_space<vmem>>) target_semaphore(%run_scoped3A_80 : memref<!tpu.dma_semaphore, #tpu.memory_space<semaphore_mem>>)
      %dma_wait3A_91 = arith.constant 0 : i32
      %dma_wait3A_92 = arith.constant 0 : i32
      %dma_wait3A_93 = tpu.memref_slice %arg9[%dma_wait3A_91, %dma_wait3A_92] : memref<128x128xf32, #tpu.memory_space<vmem>> -> memref<120x128xf32, #tpu.memory_space<vmem>>
      %dma_wait3A_94 = arith.constant 0 : i32
      %dma_wait3A_95 = tpu.memref_slice %arg11[%add3A_77, %dma_wait3A_94] : memref<10112x128xf32, #tpu.memory_space<vmem_shared>> -> memref<120x128xf32, #tpu.memory_space<vmem_shared>>
      %dma_wait3A_96 = arith.constant 0 : i32
      %dma_wait3A_97 = arith.constant 0 : i32
      %dma_wait3A_98 = tpu.memref_slice %arg9[%dma_wait3A_96, %dma_wait3A_97] : memref<128x128xf32, #tpu.memory_space<vmem>> -> memref<120x128xf32, #tpu.memory_space<vmem>>
      %dma_wait3A_99 = arith.constant 0 : i32
      %dma_wait3A_100 = tpu.memref_slice %arg11[%add3A_77, %dma_wait3A_99] : memref<10112x128xf32, #tpu.memory_space<vmem_shared>> -> memref<120x128xf32, #tpu.memory_space<vmem_shared>>
      tpu.wait_dma2 semaphore(%run_scoped3A_80 : memref<!tpu.dma_semaphore, #tpu.memory_space<semaphore_mem>>) src(%dma_wait3A_100 : memref<120x128xf32, #tpu.memory_space<vmem_shared>>) dst(%dma_wait3A_98 : memref<120x128xf32, #tpu.memory_space<vmem>>)
      tpu.yield
    }) : () -> ()
    %add3A_78 = arith.constant 512 : i32
    %add3A_79 = arith.addi %mul3A_2, %add3A_78 : i32
    "tpu.region"() ({
      %run_scoped3A_80 = tpu.sem_alloc : memref<!tpu.dma_semaphore, #tpu.memory_space<semaphore_mem>>
      %dma_start3A_81 = arith.constant 0 : i32
      %dma_start3A_82 = arith.constant 0 : i32
      %dma_start3A_83 = tpu.memref_slice %arg9[%dma_start3A_81, %dma_start3A_82] : memref<128x128xf32, #tpu.memory_space<vmem>> -> memref<120x128xf32, #tpu.memory_space<vmem>>
      %dma_start3A_84 = arith.constant 0 : i32
      %dma_start3A_85 = tpu.memref_slice %arg6[%arg0, %add3A_79, %dma_start3A_84] : memref<2x10112x128xf32, #tpu.memory_space<hbm>> -> memref<1x120x128xf32, #tpu.memory_space<hbm>>
      %dma_start3A_86 = tpu.memref_squeeze %dma_start3A_85 : memref<1x120x128xf32, #tpu.memory_space<hbm>> -> memref<120x128xf32, #tpu.memory_space<hbm>>
      %dma_start3A_87 = arith.constant 0 : i32
      %dma_start3A_88 = tpu.memref_slice %arg6[%arg0, %add3A_79, %dma_start3A_87] : memref<2x10112x128xf32, #tpu.memory_space<hbm>> -> memref<1x120x128xf32, #tpu.memory_space<hbm>>
      %dma_start3A_89 = tpu.memref_squeeze %dma_start3A_88 : memref<1x120x128xf32, #tpu.memory_space<hbm>> -> memref<120x128xf32, #tpu.memory_space<hbm>>
      %dma_start3A_90 = arith.constant 0 : i32
      %dma_start3A_91 = arith.constant 0 : i32
      %dma_start3A_92 = tpu.memref_slice %arg9[%dma_start3A_90, %dma_start3A_91] : memref<128x128xf32, #tpu.memory_space<vmem>> -> memref<120x128xf32, #tpu.memory_space<vmem>>
      tpu.enqueue_dma source(%dma_start3A_92 : memref<120x128xf32, #tpu.memory_space<vmem>>) target(%dma_start3A_89 : memref<120x128xf32, #tpu.memory_space<hbm>>) target_semaphore(%run_scoped3A_80 : memref<!tpu.dma_semaphore, #tpu.memory_space<semaphore_mem>>)
      %dma_wait3A_93 = arith.constant 0 : i32
      %dma_wait3A_94 = arith.constant 0 : i32
      %dma_wait3A_95 = tpu.memref_slice %arg9[%dma_wait3A_93, %dma_wait3A_94] : memref<128x128xf32, #tpu.memory_space<vmem>> -> memref<120x128xf32, #tpu.memory_space<vmem>>
      %dma_wait3A_96 = arith.constant 0 : i32
      %dma_wait3A_97 = tpu.memref_slice %arg6[%arg0, %add3A_79, %dma_wait3A_96] : memref<2x10112x128xf32, #tpu.memory_space<hbm>> -> memref<1x120x128xf32, #tpu.memory_space<hbm>>
      %dma_wait3A_98 = tpu.memref_squeeze %dma_wait3A_97 : memref<1x120x128xf32, #tpu.memory_space<hbm>> -> memref<120x128xf32, #tpu.memory_space<hbm>>
      %dma_wait3A_99 = arith.constant 0 : i32
      %dma_wait3A_100 = tpu.memref_slice %arg6[%arg0, %add3A_79, %dma_wait3A_99] : memref<2x10112x128xf32, #tpu.memory_space<hbm>> -> memref<1x120x128xf32, #tpu.memory_space<hbm>>
      %dma_wait3A_101 = tpu.memref_squeeze %dma_wait3A_100 : memref<1x120x128xf32, #tpu.memory_space<hbm>> -> memref<120x128xf32, #tpu.memory_space<hbm>>
      %dma_wait3A_102 = arith.constant 0 : i32
      %dma_wait3A_103 = arith.constant 0 : i32
      %dma_wait3A_104 = tpu.memref_slice %arg9[%dma_wait3A_102, %dma_wait3A_103] : memref<128x128xf32, #tpu.memory_space<vmem>> -> memref<120x128xf32, #tpu.memory_space<vmem>>
      tpu.wait_dma2 semaphore(%run_scoped3A_80 : memref<!tpu.dma_semaphore, #tpu.memory_space<semaphore_mem>>) src(%dma_wait3A_104 : memref<120x128xf32, #tpu.memory_space<vmem>>) dst(%dma_wait3A_101 : memref<120x128xf32, #tpu.memory_space<hbm>>)
      tpu.yield
    }) : () -> ()
    return
  }
}

module attributes {stable_mosaic.version = 14 : i64} {
  func.func @_enc_body(%arg0: i32, %arg1: memref<1000x128xf32, #tpu.memory_space<vmem>>, %arg2: memref<128x128xf32, #tpu.memory_space<vmem>>, %arg3: memref<1x128xf32, #tpu.memory_space<vmem>>, %arg4: memref<1000x128xf32, #tpu.memory_space<vmem>>) attributes {dimension_semantics = [#tpu.dimension_semantics<arbitrary>], iteration_bounds = array<i64: 10>, scalar_prefetch = 0 : i64, scratch_operands = 0 : i64, tpu.core_type = #tpu.core_type<tc>, window_params = [{transform_indices = @transform_0, window_bounds = array<i64: 1000, 128>}, {pipeline_mode = #tpu.pipeline_mode<synchronous>, transform_indices = @transform_1, window_bounds = array<i64: 128, 128>}, {pipeline_mode = #tpu.pipeline_mode<synchronous>, transform_indices = @transform_2, window_bounds = array<i64: 1, 128>}, {transform_indices = @transform_3, window_bounds = array<i64: 1000, 128>}]} {
    %get3A = arith.constant 0 : index
    %get3A_0 = arith.constant 0 : index
    %get3A_1 = vector.load %arg1[%get3A, %get3A_0] : memref<1000x128xf32, #tpu.memory_space<vmem>>, vector<1000x128xf32>
    %get3A_2 = arith.constant 0 : index
    %get3A_3 = arith.constant 0 : index
    %get3A_4 = vector.load %arg2[%get3A_2, %get3A_3] : memref<128x128xf32, #tpu.memory_space<vmem>>, vector<128x128xf32>
    %dot_general3A = arith.constant dense<0.000000e+00> : vector<1000x128xf32>
    %dot_general3A_5 = tpu.matmul %get3A_1, %get3A_4, %dot_general3A {dimension_numbers = #tpu.dot_dimension_numbers<[1], [0], [0], [1], [0, 0, 1, 1], [], []>, transpose_lhs_hint = false} : vector<1000x128xf32>, vector<128x128xf32>, vector<1000x128xf32> -> vector<1000x128xf32>
    %get3A_6 = arith.constant 0 : index
    %get3A_7 = arith.constant 0 : index
    %get3A_8 = vector.load %arg3[%get3A_6, %get3A_7] : memref<1x128xf32, #tpu.memory_space<vmem>>, vector<1x128xf32>
    %add3A = vector.broadcast %get3A_8 : vector<1x128xf32> to vector<1000x128xf32>
    %add3A_9 = arith.addf %dot_general3A_5, %add3A : vector<1000x128xf32>
    %max3A = arith.constant 0.000000e+00 : f32
    %max3A_10 = vector.broadcast %max3A : f32 to vector<1000x128xf32>
    %max3A_11 = arith.maximumf %add3A_9, %max3A_10 : vector<1000x128xf32>
    %swap3A = arith.constant 0 : index
    %swap3A_12 = arith.constant 0 : index
    %swap3A_13 = vector.load %arg4[%swap3A, %swap3A_12] : memref<1000x128xf32, #tpu.memory_space<vmem>>, vector<1000x128xf32>
    tpu.vector_store %arg4[%swap3A, %swap3A_12], %max3A_11 {strides = array<i32>} : memref<1000x128xf32, #tpu.memory_space<vmem>>, vector<1000x128xf32>,
    return
  }
  func.func @transform_0(%arg0: i32) -> (i32, i32) {
    %c0_i32 = arith.constant 0 : i32
    %c0_i32_0 = arith.constant 0 : i32
    return %arg0, %c0_i32 : i32, i32
  }
  func.func @transform_1(%arg0: i32) -> (i32, i32) {
    %c0_i32 = arith.constant 0 : i32
    %c0_i32_0 = arith.constant 0 : i32
    %c0_i32_1 = arith.constant 0 : i32
    return %c0_i32, %c0_i32_0 : i32, i32
  }
  func.func @transform_2(%arg0: i32) -> (i32, i32) {
    %c0_i32 = arith.constant 0 : i32
    %c0_i32_0 = arith.constant 0 : i32
    %c0_i32_1 = arith.constant 0 : i32
    return %c0_i32, %c0_i32_0 : i32, i32
  }
  func.func @transform_3(%arg0: i32) -> (i32, i32) {
    %c0_i32 = arith.constant 0 : i32
    %c0_i32_0 = arith.constant 0 : i32
    return %arg0, %c0_i32 : i32, i32
  }
}

module attributes {stable_mosaic.version = 14 : i64} {
  func.func @_upd_body(%arg0: i32, %arg1: memref<1000x128xf32, #tpu.memory_space<vmem>>, %arg2: memref<1x1000x128xf32, #tpu.memory_space<vmem>>, %arg3: memref<1x1000x128xf32, #tpu.memory_space<vmem>>, %arg4: memref<1000x1xf32, #tpu.memory_space<vmem>>, %arg5: memref<1000x1xf32, #tpu.memory_space<vmem>>, %arg6: memref<128x128xf32, #tpu.memory_space<vmem>>, %arg7: memref<128x128xf32, #tpu.memory_space<vmem>>, %arg8: memref<1x128xf32, #tpu.memory_space<vmem>>, %arg9: memref<1000x128xf32, #tpu.memory_space<vmem>>) attributes {dimension_semantics = [#tpu.dimension_semantics<arbitrary>], iteration_bounds = array<i64: 10>, scalar_prefetch = 0 : i64, scratch_operands = 0 : i64, tpu.core_type = #tpu.core_type<tc>, window_params = [{transform_indices = @transform_0, window_bounds = array<i64: 1000, 128>}, {transform_indices = @transform_1, window_bounds = array<i64: 1, 1000, 128>}, {transform_indices = @transform_2, window_bounds = array<i64: 1, 1000, 128>}, {transform_indices = @transform_3, window_bounds = array<i64: 1000, 1>}, {transform_indices = @transform_4, window_bounds = array<i64: 1000, 1>}, {pipeline_mode = #tpu.pipeline_mode<synchronous>, transform_indices = @transform_5, window_bounds = array<i64: 128, 128>}, {pipeline_mode = #tpu.pipeline_mode<synchronous>, transform_indices = @transform_6, window_bounds = array<i64: 128, 128>}, {pipeline_mode = #tpu.pipeline_mode<synchronous>, transform_indices = @transform_7, window_bounds = array<i64: 1, 128>}, {transform_indices = @transform_8, window_bounds = array<i64: 1000, 128>}]} {
    %get3A = arith.constant 0 : index
    %get3A_0 = arith.constant 0 : index
    %get3A_1 = vector.load %arg4[%get3A, %get3A_0] : memref<1000x1xf32, #tpu.memory_space<vmem>>, vector<1000x1xf32>
    %get3A_2 = arith.constant 0 : index
    %get3A_3 = arith.constant 0 : index
    %get3A_4 = vector.load %arg5[%get3A_2, %get3A_3] : memref<1000x1xf32, #tpu.memory_space<vmem>>, vector<1000x1xf32>
    %add3A = arith.addf %get3A_1, %get3A_4 : vector<1000x1xf32>
    %max3A = arith.constant 1.000000e+00 : f32
    %max3A_5 = vector.broadcast %max3A : f32 to vector<1000x1xf32>
    %max3A_6 = arith.maximumf %add3A, %max3A_5 : vector<1000x1xf32>
    %get3A_7 = arith.constant 0 : index
    %get3A_8 = arith.constant 0 : index
    %get3A_9 = arith.constant 0 : index
    %get3A_10 = vector.load %arg2[%get3A_7, %get3A_8, %get3A_9] : memref<1x1000x128xf32, #tpu.memory_space<vmem>>, vector<1x1000x128xf32>
    %get3A_11 = vector.shape_cast %get3A_10 : vector<1x1000x128xf32> to vector<1000x128xf32>
    %get3A_12 = arith.constant 0 : index
    %get3A_13 = arith.constant 0 : index
    %get3A_14 = arith.constant 0 : index
    %get3A_15 = vector.load %arg3[%get3A_12, %get3A_13, %get3A_14] : memref<1x1000x128xf32, #tpu.memory_space<vmem>>, vector<1x1000x128xf32>
    %get3A_16 = vector.shape_cast %get3A_15 : vector<1x1000x128xf32> to vector<1000x128xf32>
    %add3A_17 = arith.addf %get3A_11, %get3A_16 : vector<1000x128xf32>
    %div3A = vector.broadcast %max3A_6 : vector<1000x1xf32> to vector<1000x128xf32>
    %div3A_18 = arith.divf %add3A_17, %div3A : vector<1000x128xf32>
    %get3A_19 = arith.constant 0 : index
    %get3A_20 = arith.constant 0 : index
    %get3A_21 = vector.load %arg1[%get3A_19, %get3A_20] : memref<1000x128xf32, #tpu.memory_space<vmem>>, vector<1000x128xf32>
    %get3A_22 = arith.constant 0 : index
    %get3A_23 = arith.constant 0 : index
    %get3A_24 = vector.load %arg6[%get3A_22, %get3A_23] : memref<128x128xf32, #tpu.memory_space<vmem>>, vector<128x128xf32>
    %dot_general3A = arith.constant dense<0.000000e+00> : vector<1000x128xf32>
    %dot_general3A_25 = tpu.matmul %get3A_21, %get3A_24, %dot_general3A {dimension_numbers = #tpu.dot_dimension_numbers<[1], [0], [0], [1], [0, 0, 1, 1], [], []>, transpose_lhs_hint = false} : vector<1000x128xf32>, vector<128x128xf32>, vector<1000x128xf32> -> vector<1000x128xf32>
    %get3A_26 = arith.constant 0 : index
    %get3A_27 = arith.constant 0 : index
    %get3A_28 = vector.load %arg7[%get3A_26, %get3A_27] : memref<128x128xf32, #tpu.memory_space<vmem>>, vector<128x128xf32>
    %dot_general3A_29 = arith.constant dense<0.000000e+00> : vector<1000x128xf32>
    %dot_general3A_30 = tpu.matmul %div3A_18, %get3A_28, %dot_general3A_29 {dimension_numbers = #tpu.dot_dimension_numbers<[1], [0], [0], [1], [0, 0, 1, 1], [], []>, transpose_lhs_hint = false} : vector<1000x128xf32>, vector<128x128xf32>, vector<1000x128xf32> -> vector<1000x128xf32>
    %add3A_31 = arith.addf %dot_general3A_25, %dot_general3A_30 : vector<1000x128xf32>
    %get3A_32 = arith.constant 0 : index
    %get3A_33 = arith.constant 0 : index
    %get3A_34 = vector.load %arg8[%get3A_32, %get3A_33] : memref<1x128xf32, #tpu.memory_space<vmem>>, vector<1x128xf32>
    %add3A_35 = vector.broadcast %get3A_34 : vector<1x128xf32> to vector<1000x128xf32>
    %add3A_36 = arith.addf %add3A_31, %add3A_35 : vector<1000x128xf32>
    %max3A_37 = arith.constant 0.000000e+00 : f32
    %max3A_38 = vector.broadcast %max3A_37 : f32 to vector<1000x128xf32>
    %max3A_39 = arith.maximumf %add3A_36, %max3A_38 : vector<1000x128xf32>
    %swap3A = arith.constant 0 : index
    %swap3A_40 = arith.constant 0 : index
    %swap3A_41 = vector.load %arg9[%swap3A, %swap3A_40] : memref<1000x128xf32, #tpu.memory_space<vmem>>, vector<1000x128xf32>
    tpu.vector_store %arg9[%swap3A, %swap3A_40], %max3A_39 {strides = array<i32>} : memref<1000x128xf32, #tpu.memory_space<vmem>>, vector<1000x128xf32>,
    return
  }
  func.func @transform_0(%arg0: i32) -> (i32, i32) {
    %c0_i32 = arith.constant 0 : i32
    %c0_i32_0 = arith.constant 0 : i32
    return %arg0, %c0_i32 : i32, i32
  }
  func.func @transform_1(%arg0: i32) -> (i32, i32, i32) {
    %c0_i32 = arith.constant 0 : i32
    %c0_i32_0 = arith.constant 0 : i32
    %c0_i32_1 = arith.constant 0 : i32
    return %c0_i32, %arg0, %c0_i32_0 : i32, i32, i32
  }
  func.func @transform_2(%arg0: i32) -> (i32, i32, i32) {
    %c1_i32 = arith.constant 1 : i32
    %c0_i32 = arith.constant 0 : i32
    %c0_i32_0 = arith.constant 0 : i32
    return %c1_i32, %arg0, %c0_i32 : i32, i32, i32
  }
  func.func @transform_3(%arg0: i32) -> (i32, i32) {
    %c0_i32 = arith.constant 0 : i32
    %c0_i32_0 = arith.constant 0 : i32
    return %arg0, %c0_i32 : i32, i32
  }
  func.func @transform_4(%arg0: i32) -> (i32, i32) {
    %c0_i32 = arith.constant 0 : i32
    %c0_i32_0 = arith.constant 0 : i32
    return %arg0, %c0_i32 : i32, i32
  }
  func.func @transform_5(%arg0: i32) -> (i32, i32) {
    %c0_i32 = arith.constant 0 : i32
    %c0_i32_0 = arith.constant 0 : i32
    %c0_i32_1 = arith.constant 0 : i32
    return %c0_i32, %c0_i32_0 : i32, i32
  }
  func.func @transform_6(%arg0: i32) -> (i32, i32) {
    %c0_i32 = arith.constant 0 : i32
    %c0_i32_0 = arith.constant 0 : i32
    %c0_i32_1 = arith.constant 0 : i32
    return %c0_i32, %c0_i32_0 : i32, i32
  }
  func.func @transform_7(%arg0: i32) -> (i32, i32) {
    %c0_i32 = arith.constant 0 : i32
    %c0_i32_0 = arith.constant 0 : i32
    %c0_i32_1 = arith.constant 0 : i32
    return %c0_i32, %c0_i32_0 : i32, i32
  }
  func.func @transform_8(%arg0: i32) -> (i32, i32) {
    %c0_i32 = arith.constant 0 : i32
    %c0_i32_0 = arith.constant 0 : i32
    return %arg0, %c0_i32 : i32, i32
  }
}

module attributes {stable_mosaic.version = 14 : i64} {
  func.func @_fin_body(%arg0: i32, %arg1: memref<1000x128xf32, #tpu.memory_space<vmem>>, %arg2: memref<1x1000x128xf32, #tpu.memory_space<vmem>>, %arg3: memref<1x1000x128xf32, #tpu.memory_space<vmem>>, %arg4: memref<1000x1xf32, #tpu.memory_space<vmem>>, %arg5: memref<1000x1xf32, #tpu.memory_space<vmem>>, %arg6: memref<128x128xf32, #tpu.memory_space<vmem>>, %arg7: memref<128x128xf32, #tpu.memory_space<vmem>>, %arg8: memref<1x128xf32, #tpu.memory_space<vmem>>, %arg9: memref<1x16xf32, #tpu.memory_space<vmem>>, %arg10: memref<16x128xf32, #tpu.memory_space<vmem>>, %arg11: memref<1x128xf32, #tpu.memory_space<vmem>>, %arg12: memref<1000x1xf32, #tpu.memory_space<vmem>>, %arg13: memref<1000x1xf32, #tpu.memory_space<vmem>>) attributes {dimension_semantics = [#tpu.dimension_semantics<arbitrary>], iteration_bounds = array<i64: 10>, scalar_prefetch = 0 : i64, scratch_operands = 0 : i64, tpu.core_type = #tpu.core_type<tc>, window_params = [{transform_indices = @transform_0, window_bounds = array<i64: 1000, 128>}, {transform_indices = @transform_1, window_bounds = array<i64: 1, 1000, 128>}, {transform_indices = @transform_2, window_bounds = array<i64: 1, 1000, 128>}, {transform_indices = @transform_3, window_bounds = array<i64: 1000, 1>}, {transform_indices = @transform_4, window_bounds = array<i64: 1000, 1>}, {pipeline_mode = #tpu.pipeline_mode<synchronous>, transform_indices = @transform_5, window_bounds = array<i64: 128, 128>}, {pipeline_mode = #tpu.pipeline_mode<synchronous>, transform_indices = @transform_6, window_bounds = array<i64: 128, 128>}, {pipeline_mode = #tpu.pipeline_mode<synchronous>, transform_indices = @transform_7, window_bounds = array<i64: 1, 128>}, {pipeline_mode = #tpu.pipeline_mode<synchronous>, transform_indices = @transform_8, window_bounds = array<i64: 1, 16>}, {pipeline_mode = #tpu.pipeline_mode<synchronous>, transform_indices = @transform_9, window_bounds = array<i64: 16, 128>}, {pipeline_mode = #tpu.pipeline_mode<synchronous>, transform_indices = @transform_10, window_bounds = array<i64: 1, 128>}, {transform_indices = @transform_11, window_bounds = array<i64: 1000, 1>}, {transform_indices = @transform_12, window_bounds = array<i64: 1000, 1>}]} {
    %get3A = arith.constant 0 : index
    %get3A_0 = arith.constant 0 : index
    %get3A_1 = vector.load %arg4[%get3A, %get3A_0] : memref<1000x1xf32, #tpu.memory_space<vmem>>, vector<1000x1xf32>
    %get3A_2 = arith.constant 0 : index
    %get3A_3 = arith.constant 0 : index
    %get3A_4 = vector.load %arg5[%get3A_2, %get3A_3] : memref<1000x1xf32, #tpu.memory_space<vmem>>, vector<1000x1xf32>
    %add3A = arith.addf %get3A_1, %get3A_4 : vector<1000x1xf32>
    %max3A = arith.constant 1.000000e+00 : f32
    %max3A_5 = vector.broadcast %max3A : f32 to vector<1000x1xf32>
    %max3A_6 = arith.maximumf %add3A, %max3A_5 : vector<1000x1xf32>
    %get3A_7 = arith.constant 0 : index
    %get3A_8 = arith.constant 0 : index
    %get3A_9 = arith.constant 0 : index
    %get3A_10 = vector.load %arg2[%get3A_7, %get3A_8, %get3A_9] : memref<1x1000x128xf32, #tpu.memory_space<vmem>>, vector<1x1000x128xf32>
    %get3A_11 = vector.shape_cast %get3A_10 : vector<1x1000x128xf32> to vector<1000x128xf32>
    %get3A_12 = arith.constant 0 : index
    %get3A_13 = arith.constant 0 : index
    %get3A_14 = arith.constant 0 : index
    %get3A_15 = vector.load %arg3[%get3A_12, %get3A_13, %get3A_14] : memref<1x1000x128xf32, #tpu.memory_space<vmem>>, vector<1x1000x128xf32>
    %get3A_16 = vector.shape_cast %get3A_15 : vector<1x1000x128xf32> to vector<1000x128xf32>
    %add3A_17 = arith.addf %get3A_11, %get3A_16 : vector<1000x128xf32>
    %div3A = vector.broadcast %max3A_6 : vector<1000x1xf32> to vector<1000x128xf32>
    %div3A_18 = arith.divf %add3A_17, %div3A : vector<1000x128xf32>
    %get3A_19 = arith.constant 0 : index
    %get3A_20 = arith.constant 0 : index
    %get3A_21 = vector.load %arg1[%get3A_19, %get3A_20] : memref<1000x128xf32, #tpu.memory_space<vmem>>, vector<1000x128xf32>
    %get3A_22 = arith.constant 0 : index
    %get3A_23 = arith.constant 0 : index
    %get3A_24 = vector.load %arg6[%get3A_22, %get3A_23] : memref<128x128xf32, #tpu.memory_space<vmem>>, vector<128x128xf32>
    %dot_general3A = arith.constant dense<0.000000e+00> : vector<1000x128xf32>
    %dot_general3A_25 = tpu.matmul %get3A_21, %get3A_24, %dot_general3A {dimension_numbers = #tpu.dot_dimension_numbers<[1], [0], [0], [1], [0, 0, 1, 1], [], []>, transpose_lhs_hint = false} : vector<1000x128xf32>, vector<128x128xf32>, vector<1000x128xf32> -> vector<1000x128xf32>
    %get3A_26 = arith.constant 0 : index
    %get3A_27 = arith.constant 0 : index
    %get3A_28 = vector.load %arg7[%get3A_26, %get3A_27] : memref<128x128xf32, #tpu.memory_space<vmem>>, vector<128x128xf32>
    %dot_general3A_29 = arith.constant dense<0.000000e+00> : vector<1000x128xf32>
    %dot_general3A_30 = tpu.matmul %div3A_18, %get3A_28, %dot_general3A_29 {dimension_numbers = #tpu.dot_dimension_numbers<[1], [0], [0], [1], [0, 0, 1, 1], [], []>, transpose_lhs_hint = false} : vector<1000x128xf32>, vector<128x128xf32>, vector<1000x128xf32> -> vector<1000x128xf32>
    %add3A_31 = arith.addf %dot_general3A_25, %dot_general3A_30 : vector<1000x128xf32>
    %get3A_32 = arith.constant 0 : index
    %get3A_33 = arith.constant 0 : index
    %get3A_34 = vector.load %arg8[%get3A_32, %get3A_33] : memref<1x128xf32, #tpu.memory_space<vmem>>, vector<1x128xf32>
    %add3A_35 = vector.broadcast %get3A_34 : vector<1x128xf32> to vector<1000x128xf32>
    %add3A_36 = arith.addf %add3A_31, %add3A_35 : vector<1000x128xf32>
    %max3A_37 = arith.constant 0.000000e+00 : f32
    %max3A_38 = vector.broadcast %max3A_37 : f32 to vector<1000x128xf32>
    %max3A_39 = arith.maximumf %add3A_36, %max3A_38 : vector<1000x128xf32>
    %get3A_40 = arith.constant 0 : index
    %get3A_41 = arith.constant 0 : index
    %get3A_42 = vector.load %arg9[%get3A_40, %get3A_41] : memref<1x16xf32, #tpu.memory_space<vmem>>, vector<1x16xf32>
    %get3A_43 = arith.constant 0 : index
    %get3A_44 = arith.constant 0 : index
    %get3A_45 = vector.load %arg10[%get3A_43, %get3A_44] : memref<16x128xf32, #tpu.memory_space<vmem>>, vector<16x128xf32>
    %dot_general3A_46 = arith.constant dense<0.000000e+00> : vector<1x128xf32>
    %dot_general3A_47 = tpu.matmul %get3A_42, %get3A_45, %dot_general3A_46 {dimension_numbers = #tpu.dot_dimension_numbers<[1], [0], [0], [1], [0, 0, 1, 1], [], []>, transpose_lhs_hint = false} : vector<1x16xf32>, vector<16x128xf32>, vector<1x128xf32> -> vector<1x128xf32>
    %get3A_48 = arith.constant 0 : index
    %get3A_49 = arith.constant 0 : index
    %get3A_50 = vector.load %arg11[%get3A_48, %get3A_49] : memref<1x128xf32, #tpu.memory_space<vmem>>, vector<1x128xf32>
    %add3A_51 = arith.addf %dot_general3A_47, %get3A_50 : vector<1x128xf32>
    %max3A_52 = arith.constant 0.000000e+00 : f32
    %max3A_53 = vector.broadcast %max3A_52 : f32 to vector<1x128xf32>
    %max3A_54 = arith.maximumf %add3A_51, %max3A_53 : vector<1x128xf32>
    %mul3A = vector.broadcast %max3A_54 : vector<1x128xf32> to vector<1000x128xf32>
    %mul3A_55 = arith.mulf %max3A_39, %mul3A : vector<1000x128xf32>
    %reduce_sum3A = arith.constant dense<0.000000e+00> : vector<1000xf32>
    %reduce_sum3A_56 = vector.multi_reduction <add>, %mul3A_55, %reduce_sum3A [1] : vector<1000x128xf32> to vector<1000xf32>
    %broadcast_in_dim3A = vector.shape_cast %reduce_sum3A_56 : vector<1000xf32> to vector<1000x1xf32>
    %mul3A_57 = arith.constant 0.0883883461 : f32
    %mul3A_58 = vector.broadcast %mul3A_57 : f32 to vector<1000x1xf32>
    %mul3A_59 = arith.mulf %broadcast_in_dim3A, %mul3A_58 : vector<1000x1xf32>
    %get3A_60 = arith.constant 0 : index
    %get3A_61 = arith.constant 0 : index
    %get3A_62 = vector.load %arg12[%get3A_60, %get3A_61] : memref<1000x1xf32, #tpu.memory_space<vmem>>, vector<1000x1xf32>
    %gt3A = arith.constant 0.000000e+00 : f32
    %gt3A_63 = vector.broadcast %gt3A : f32 to vector<1000x1xf32>
    %gt3A_64 = arith.cmpf ogt, %get3A_62, %gt3A_63 : vector<1000x1xf32>
    %jit3A = arith.constant -1.000000e+09 : f32
    %broadcast_in_dim3A_65 = vector.broadcast %jit3A : f32 to vector<1000x1xf32>
    %select_n3A = arith.select %gt3A_64, %mul3A_59, %broadcast_in_dim3A_65 : vector<1000x1xi1>, vector<1000x1xf32>
    %swap3A = arith.constant 0 : index
    %swap3A_66 = arith.constant 0 : index
    %swap3A_67 = vector.load %arg13[%swap3A, %swap3A_66] : memref<1000x1xf32, #tpu.memory_space<vmem>>, vector<1000x1xf32>
    tpu.vector_store %arg13[%swap3A, %swap3A_66], %select_n3A {strides = array<i32>} : memref<1000x1xf32, #tpu.memory_space<vmem>>, vector<1000x1xf32>,
    return
  }
  func.func @transform_0(%arg0: i32) -> (i32, i32) {
    %c0_i32 = arith.constant 0 : i32
    %c0_i32_0 = arith.constant 0 : i32
    return %arg0, %c0_i32 : i32, i32
  }
  func.func @transform_1(%arg0: i32) -> (i32, i32, i32) {
    %c0_i32 = arith.constant 0 : i32
    %c0_i32_0 = arith.constant 0 : i32
    %c0_i32_1 = arith.constant 0 : i32
    return %c0_i32, %arg0, %c0_i32_0 : i32, i32, i32
  }
  func.func @transform_2(%arg0: i32) -> (i32, i32, i32) {
    %c1_i32 = arith.constant 1 : i32
    %c0_i32 = arith.constant 0 : i32
    %c0_i32_0 = arith.constant 0 : i32
    return %c1_i32, %arg0, %c0_i32 : i32, i32, i32
  }
  func.func @transform_3(%arg0: i32) -> (i32, i32) {
    %c0_i32 = arith.constant 0 : i32
    %c0_i32_0 = arith.constant 0 : i32
    return %arg0, %c0_i32 : i32, i32
  }
  func.func @transform_4(%arg0: i32) -> (i32, i32) {
    %c0_i32 = arith.constant 0 : i32
    %c0_i32_0 = arith.constant 0 : i32
    return %arg0, %c0_i32 : i32, i32
  }
  func.func @transform_5(%arg0: i32) -> (i32, i32) {
    %c0_i32 = arith.constant 0 : i32
    %c0_i32_0 = arith.constant 0 : i32
    %c0_i32_1 = arith.constant 0 : i32
    return %c0_i32, %c0_i32_0 : i32, i32
  }
  func.func @transform_6(%arg0: i32) -> (i32, i32) {
    %c0_i32 = arith.constant 0 : i32
    %c0_i32_0 = arith.constant 0 : i32
    %c0_i32_1 = arith.constant 0 : i32
    return %c0_i32, %c0_i32_0 : i32, i32
  }
  func.func @transform_7(%arg0: i32) -> (i32, i32) {
    %c0_i32 = arith.constant 0 : i32
    %c0_i32_0 = arith.constant 0 : i32
    %c0_i32_1 = arith.constant 0 : i32
    return %c0_i32, %c0_i32_0 : i32, i32
  }
  func.func @transform_8(%arg0: i32) -> (i32, i32) {
    %c0_i32 = arith.constant 0 : i32
    %c0_i32_0 = arith.constant 0 : i32
    %c0_i32_1 = arith.constant 0 : i32
    return %c0_i32, %c0_i32_0 : i32, i32
  }
  func.func @transform_9(%arg0: i32) -> (i32, i32) {
    %c0_i32 = arith.constant 0 : i32
    %c0_i32_0 = arith.constant 0 : i32
    %c0_i32_1 = arith.constant 0 : i32
    return %c0_i32, %c0_i32_0 : i32, i32
  }
  func.func @transform_10(%arg0: i32) -> (i32, i32) {
    %c0_i32 = arith.constant 0 : i32
    %c0_i32_0 = arith.constant 0 : i32
    %c0_i32_1 = arith.constant 0 : i32
    return %c0_i32, %c0_i32_0 : i32, i32
  }
  func.func @transform_11(%arg0: i32) -> (i32, i32) {
    %c0_i32 = arith.constant 0 : i32
    %c0_i32_0 = arith.constant 0 : i32
    return %arg0, %c0_i32 : i32, i32
  }
  func.func @transform_12(%arg0: i32) -> (i32, i32) {
    %c0_i32 = arith.constant 0 : i32
    %c0_i32_0 = arith.constant 0 : i32
    return %arg0, %c0_i32 : i32, i32
  }
}

</mosaic_0001>

<sc_bundles>
// kernel: kernel.11.cloned.1.call-start
scs
__scs_entry_jumppad:
0x0: {  	(pc) =	sbr.rel $0x88, $3  }
0x1: {  	(tag) =	ssettag $0x0;
	lr =	simm.s32 $0x1  }
0x2: {  	[smem:$0x3F93] =	sst lr;
	_ =	strace $0xD0000000  }
0x3: {  	_ = 	snop  }
0x4: {  	_ = 	snop  }
0x5: {  	_ = 	snop  }
0x6: {  	_ = 	snop  }
0x7: {  	_ = 	snop  }
__scs_overlays_trampoline_lowered:
0x8: {  	[smem:$0x3FA2] =	sst s0  }
0x9: {  	[smem:$0x3FA3] =	sst s1  }
0xa: {  	[smem:$0x3FA4] =	sst s2  }
0xb: {  	[smem:$0x3FA5] =	sst s3  }
0xc: {  	[smem:$0x3FA6] =	sst s4  }
0xd: {  	[smem:$0x3FA7] =	sst s5  }
0xe: {  	[smem:$0x3FA8] =	sst s6  }
0xf: {  	[smem:$0x3FA9] =	sst s7  }
0x10: {  	[smem:$0x3FAA] =	sst s8  }
0x11: {  	[smem:$0x3FAB] =	sst s9;
	s0 =	simm.s32 @!p0 $0x0  }
0x12: {  	s1 =	sld [smem:$0x3F91];
	s0 =	simm.s32 @p0 $0x1  }
0x13: {  	[smem:$0x3FAC] =	sst s0;
	s0 =	simm.s32 @!p1 $0x0  }
0x14: {  	s2 =	sld [smem:$0x3F90];
	s0 =	simm.s32 @p1 $0x1  }
0x15: {  	[smem:$0x3FAD] =	sst s0;
	s0 =	simm.s32 @!p2 $0x0  }
0x16: {  	s3 =	sld [smem:$0x3FDB];
	s0 =	simm.s32 @p2 $0x1  }
0x17: {  	s4 =	simm.s32 $0x1BF5;
	[smem:$0x3FAF] =	sst s0  }
0x18: {  	s0 =	sld [smem:$0x3F92];
	_ =	swait.ge [sflag:s4], $0x0  }
0x19: {  	s7 =	sld [smem:$0x3F93]  }
0x1a: {  	s8 =	sadd.s32 $0xFFFFE003, lr  }
0x1b: {  	s9 =	sadd.s32 $0xFFFFFEF7, lr;
	s5 =	simm.s32 $0xFFFFFFFF;
	p2 =	slt.u32 s8, $0xFFFFF086  }
0x1c: {  	p1 =	slt.u32 s9, $0xF7A;
	s5 =	simm.s32 @!p2 $0x0  }
0x1d: {  	s5 =	simm.s32 @p1 $0x1;
	p0 =	seq.s32 s7, s2  }
0x1e: {  	s7 =	smul.u32 @!p0 $0xF7A, s2;
	p2 =	seq.s32 @!p0 s5, $0x0  }
0x1f: {  	s9 =	smul.u32 $0xF7A, s1;
	s8 =	simm.s32 @!p0 $0x1BF5;
	p2 =	por !p2, p0  }
0x20: {  	[sflag:s8] =	ssyncset.s32 @!p0 $0xFFFFF086;
	s6 =	sadd.s32 @!p0 s3, s7;
	s7 =	simm.s32 @!p0 $0x108  }
0x21: {  	s3 =	sadd.s32 s3, s9;
	s6 =	sadd.s32 @!p0 $0x88, s6;
	s7 =	simm.s32 @p2 $0x1082  }
0x22: {  	[simem:s7], [sflag:s8] =	dma.local @!p0 [hbm:s6], $0xF7A  }
0x23: {  	s9 =	sor.u32 $0xD0000000, s2;
	s6 =	simm.s32 $0x108;
	_ =	swait.ge @!p0 [sflag:s8], $0x0  }
0x24: {  	s3 =	sadd.s32 $0x88, s3;
	s6 =	simm.s32 @!p1 $0x1082;
	[sflag:s4] =	ssyncset.s32 $0xFFFFF086  }
0x25: {  	[simem:s6], [sflag:s4] =	dma.local [hbm:s3], $0xF7A  }
0x26: {  	[smem:$0x3F93] =	sst s1;
	(tag) =	ssettag s2;
	_ =	strace s9  }
0x27: {  	s1 =	sld [smem:$0x3FA3]  }
0x28: {  	s2 =	sld [smem:$0x3FA4]  }
0x29: {  	s4 =	sld [smem:$0x3FA6]  }
0x2a: {  	p0 =	seq.s32 s5, $0x0;
	s5 =	sld [smem:$0x3FA7]  }
0x2b: {  	s6 =	sld [smem:$0x3FA8]  }
0x2c: {  	s7 =	sld [smem:$0x3FA9]  }
0x2d: {  	s3 =	simm.s32 $0x108;
	s8 =	sld [smem:$0x3FAA]  }
0x2e: {  	s3 =	simm.s32 @!p0 $0x1082;
	s9 =	sld [smem:$0x3FAB]  }
0x2f: {  	lr =	sadd.s32 s0, s3;
	s0 =	sld [smem:$0x3FA2]  }
0x30: {  	s3 =	sld [smem:$0x3FA5]  }
0x31: {  	[smem:$0x3FAE] =	sst s10  }
0x32: {  	s10 =	sld [smem:$0x3FAC];
	_ =	sdelay $0x3  }
0x33: {  	p0 =	seq.s32 s10, $0x1;
	s10 =	sld [smem:$0x3FAE];
	_ =	sdelay $0x3  }
0x34: {  	[smem:$0x3FAE] =	sst s10  }
0x35: {  	s10 =	sld [smem:$0x3FAD];
	_ =	sdelay $0x3  }
0x36: {  	p1 =	seq.s32 s10, $0x1;
	s10 =	sld [smem:$0x3FAE];
	_ =	sdelay $0x3  }
0x37: {  	[smem:$0x3FAE] =	sst s10  }
0x38: {  	s10 =	sld [smem:$0x3FAF]  }
0x39: {  	_ = 	snop;
	(pc) =	sbr.ind lr, $3  }
0x3a: {  	_ = 	snop  }
0x3b: {  	_ = 	snop  }
0x3c: {  	p2 =	seq.s32 s10, $0x1;
	s10 =	sld [smem:$0x3FAE]  }
0x3d: {  	_ =	shalt  }
0x3e: {  	_ =	shalt  }
0x3f: {  	_ =	shalt  }
0x40: {  	_ =	shalt  }
0x41: {  	_ =	shalt  }
0x42: {  	_ =	shalt  }
0x43: {  	_ =	shalt  }
0x44: {  	_ =	shalt  }
0x45: {  	_ =	shalt  }
0x46: {  	_ =	shalt  }
0x47: {  	_ =	shalt  }
0x48: {  	_ =	shalt  }
0x49: {  	_ =	shalt  }
0x4a: {  	_ =	shalt  }
0x4b: {  	_ =	shalt  }
0x4c: {  	_ =	shalt  }
0x4d: {  	_ =	shalt  }
0x4e: {  	_ =	shalt  }
0x4f: {  	_ =	shalt  }
0x50: {  	_ =	shalt  }
0x51: {  	_ =	shalt  }
0x52: {  	_ =	shalt  }
0x53: {  	_ =	shalt  }
0x54: {  	_ =	shalt  }
0x55: {  	_ =	shalt  }
0x56: {  	_ =	shalt  }
0x57: {  	_ =	shalt  }
0x58: {  	_ =	shalt  }
0x59: {  	_ =	shalt  }
0x5a: {  	_ =	shalt  }
0x5b: {  	_ =	shalt  }
0x5c: {  	_ =	shalt  }
0x5d: {  	_ =	shalt  }
0x5e: {  	_ =	shalt  }
0x5f: {  	_ =	shalt  }
0x60: {  	_ =	shalt  }
0x61: {  	_ =	shalt  }
0x62: {  	_ =	shalt  }
0x63: {  	_ =	shalt  }
0x64: {  	_ =	shalt  }
0x65: {  	_ =	shalt  }
0x66: {  	_ =	shalt  }
0x67: {  	_ =	shalt  }
0x68: {  	_ =	shalt  }
0x69: {  	_ =	shalt  }
0x6a: {  	_ =	shalt  }
0x6b: {  	_ =	shalt  }
0x6c: {  	_ =	shalt  }
0x6d: {  	_ =	shalt  }
0x6e: {  	_ =	shalt  }
0x6f: {  	_ =	shalt  }
0x70: {  	_ =	shalt  }
0x71: {  	_ =	shalt  }
0x72: {  	_ =	shalt  }
0x73: {  	_ =	shalt  }
0x74: {  	_ =	shalt  }
0x75: {  	_ =	shalt  }
0x76: {  	_ =	shalt  }
0x77: {  	_ =	shalt  }
0x78: {  	_ =	shalt  }
0x79: {  	_ =	shalt  }
0x7a: {  	_ =	shalt  }
0x7b: {  	_ =	shalt  }
0x7c: {  	_ =	shalt  }
0x7d: {  	_ =	shalt  }
0x7e: {  	_ =	shalt  }
0x7f: {  	_ =	shalt  }
0x80: {  	_ =	shalt  }
0x81: {  	_ =	shalt  }
0x82: {  	_ =	shalt  }
0x83: {  	_ =	shalt  }
0x84: {  	_ =	shalt  }
0x85: {  	_ =	shalt  }
0x86: {  	_ =	shalt  }
0x87: {  	_ =	shalt  }
.Lfunc_end0:
.L_simem_size_0:
called_computation.1_lowered:
.L_overlay_start_0:
0x88: {  	s2 =	sld [smem:$0x3FD9]  }
0x89: {  	s3 =	sld [smem:$0x3FFE];
	_ =	sdelay $0x1  }
0x8a: {  	s1 =	srdreg.scid  }
0x8b: {  	s0 =	sand.u32 $0x1, s1  }
0x8c: {  	s17 =	sshll.u32 s0, $0xA;
	s2 =	sadd.s32 s3, s2  }
0x8d: {  	s2 =	sadd.s32 s2, s17  }
0x8e: {  	[smem:$0x3FBA] =	sst s2  }
0x8f: {  	_ = 	snop  }
0x90: {  	(tm) =	ssettm $0x1  }
0x91: {  	s18 =	sld [smem:$0x3FFB];
	_ =	sdelay $0x3  }
0x92: {  	_ =	strace s18  }
0x93: {  	s2 =	sld [smem:$0x3FFC];
	_ =	sdelay $0x3  }
0x94: {  	_ =	strace s2  }
0x95: {  	s2 =	sld [smem:$0x3FFD];
	_ =	sdelay $0x3  }
0x96: {  	_ =	strace s2  }
0x97: {  	_ =	strace $0x8FFFFFFF  }
0x98: {  	s19 =	sld [smem:$0x3FDB];
	_ =	sdelay $0x1  }
0x99: {  	s20 =	simm.s32 $_scs_section_size  }
0x9a: {  	s4 =	simm.s32 $_size__tile_overlayer_lowered;
	s5 =	simm.s32 $_tile_overlayer_lowered  }
0x9b: {  	s6 =	simm.s32 $0x1BFF;
	s21 =	sshll.u32 s5, $0x1;
	s3 =	sadd.s32 s20, s19  }
0x9c: {  	s22 =	simm.s32 $0x0;
	s4 =	sshll.u32 s4, $0x1;
	s5 =	sadd.s32 s21, s3  }
0x9d: {  	[timem:s22], [sflag:s6] =	dma.local [hbm:s5], s4  }
0x9e: {  	_ =	swait.ge [sflag:s6], s4  }
0x9f: {  	s4 =	ssub.s32 $0x0, s4;
	[sflag:s6] =	ssyncset.done $0x0  }
0xa0: {  	[sflag:s6] =	ssyncadd.s32 s4;
	_ =	sdelay $0x1  }
0xa1: {  	s23 =	simm.s32 $0x1B8B  }
0xa2: {  	_ =	swait.ge [sflag:s23], $0x1  }
0xa3: {  	[sflag:s23] =	ssyncset.done $0x0  }
0xa4: {  	[sflag:s23] =	ssyncadd.s32 $0xFFFFFFFF  }
0xa5: {  	s4 =	sld [smem:$0x0]  }
0xa6: {  	s5 =	sand.u32 $0xFFFFFFFE, s1  }
0xa7: {  	p0 =	sne.s32 s1, s5  }
0xa8: {  	s5 =	sshll.u32 @p0 s5, $0xE  }
0xa9: {  	s5 =	sadd.s32 @p0 $0x11B8D, s5;
	s6 =	sshll.u32 @p0 s4, $0x11  }
0xaa: {  	s5 =	sor.u32 @p0 s6, s5  }
0xab: {  	[sflag:s5] =	ssyncadd.remote.s32 @p0 $0x1;
	_ =	sdelay $0x1  }
0xac: {  	s5 =	simm.s32 @p0 $0x1B8D  }
0xad: {  	_ =	swait.eq @p0 [sflag:s5], $0x1  }
0xae: {  	[sflag:s5] =	ssyncadd.s32 @p0 $0xFFFFFFFF  }
0xaf: {  	s6 =	sshll.u32 @!p0 s1, $0xE  }
0xb0: {  	s6 =	sor.u32 @!p0 $0x4000, s6;
	s5 =	simm.s32 @!p0 $0x1B8D  }
0xb1: {  	s4 =	sshll.u32 @!p0 s4, $0x11;
	s6 =	sadd.s32 @!p0 $0x11B8D, s6;
	_ =	swait.eq @!p0 [sflag:s5], $0x1  }
0xb2: {  	s4 =	sor.u32 @!p0 s4, s6;
	[sflag:s5] =	ssyncadd.s32 @!p0 $0xFFFFFFFF  }
0xb3: {  	s25 =	simm.s32 $0x1B8E;
	s24 =	sld [smem:$0x3FFE];
	[sflag:s4] =	ssyncadd.remote.s32 @!p0 $0x1  }
0xb4: {  	s26 =	simm.s32 $execute0_lowered;
	[smem:$0x3FD2] =	sst s25  }
0xb5: {  	s5 =	sshll.u32 s26, $0x1;
	_ =	strace $0x80000049;
	[dreg:$0x1] =	wrdreg $0xFFFFFFFF  }
0xb6: {  	s28 =	simm.s32 $_size_execute0_lowered;
	s3 =	sadd.s32 s3, s5;
	[dreg:$0x0] =	wrdreg $0x0  }
0xb7: {  	s5 =	sshll.u32 s28, $0x1;
	[dreg:$0x2] =	wrdreg s3  }
0xb8: {  	[dreg:$0x3] =	wrdreg s5  }
0xb9: {  	[dreg:$0x4] =	wrdreg $0xC0  }
0xba: {  	_ =	task [dreg:s22], $0x5FFFF  }
0xbb: {  	[dreg:$0x1] =	wrdreg $0xFFFFFFFF  }
0xbc: {  	[dreg:$0x0] =	wrdreg $0x60  }
0xbd: {  	[dreg:$0x2] =	wrdreg s24  }
0xbe: {  	[dreg:$0x3] =	wrdreg $0xAC000  }
0xbf: {  	[dreg:$0x4] =	wrdreg $0xA  }
0xc0: {  	_ =	task.clear_ibuf [dreg:s22], $0x5FFFF;
	_ =	strace $0x90000049  }
0xc1: {  	s29 =	simm.s32 $0xA;
	_ =	strace $0x8000004B  }
0xc2: {  	_ =	swait.ge [sflag:s29], $0x1  }
0xc3: {  	[sflag:s29] =	ssyncadd.s32 $0xFFFFFFFF  }
0xc4: {  	_ =	strace $0x9000004B  }
0xc5: {  	_ =	sfence  }
0xc6: {  	s30 =	sld [smem:$0x0];
	_ =	sdelay $0x2  }
0xc7: {  	s31 =	sshll.u32 s1, $0xD;
	s1 =	sshrl.u32 s1, $0x2  }
0xc8: {  	s4 =	sand.u32 $0x4000, s31;
	s1 =	sadd.s32 s1, s30  }
0xc9: {  	s0 =	sor.u32 s4, s0;
	s1 =	sshll.u32 s1, $0x11  }
0xca: {  	s0 =	sor.u32 s1, s0  }
0xcb: {  	s0 =	sadd.s32 $0x8F2B, s0  }
0xcc: {  	[sflag:s0] =	ssyncadd.remote.s32 $0x1  }
0xcd: {  	_ =	sfence.sel $0xFFFF  }
0xce: {  	[dreg:$0x0] =	wrdreg $0xFFFFFFFF;
	(pc) =	sbr.abs _section_cstart, $3  }
0xcf: {  	[dreg:$0x1] =	wrdreg $0xFFFFFFFF  }
0xd0: {  	_ =	task.clear_ibuf [dreg:s22], $0x2FFFF;
	_ =	strace $0x9FFFFFFF  }
0xd1: {  	(tm) =	ssettm $0x7FFFFFFF  }
tec
execute0_lowered:
.L_overlay_start_1:
0x0: {  	(tag) =	ssettag $0x1  }
0x1: {  	s0 =	srdreg.scid;
	s1 =	rddreg [dreg:$0x0]  }
0x2: {  	s2 =	rddreg [dreg:$0x1];
	s24 =	stileid.u32  }
0x3: {  	s3 =	simm.s32 $0x0;
	s28 =	simm.s32 $0x1;
	s6 =	smul.u32 $0x4F000, s24  }
0x4: {  	s29 =	simm.s32 $0x2880;
	s30 =	simm.s32 $0x2;
	s12 =	smul.u32 $0x13C00, s24  }
0x5: {  	s0 =	sand.u32 $0x1, s0;
	[smem:$0x7FF] =	sst s3;
	s23 =	smul.u32 $0x50, s24  }
0x6: {  	s20 =	sadd.s32 $0xD000, s1;
	s8 =	sadd.s32 $0x17000, s1;
	s31 =	smul.u32 $0x500, s24  }
0x7: {  	s4 =	sshll.u32 s0, $0x4;
	_ =	strace $0x8000004A;
	s21 =	smul.u32 $0x13C000, s0  }
0x8: {  	s7 =	ssub.s32 $0x2, s0;
	[dreg:$0x3] =	wrdreg s8;
	s22 =	smul.u32 $0x500, s0  }
0x9: {  	s0 =	smul.u32 $0x5000, s0;
	s5 =	sor.u32 s24, s4;
	s14 =	sshrl.u32 s7, $0x1  }
0xa: {  	s6 =	sshrl.u32 s6, $0x2;
	s13 =	sadd.s32 $0x4000, s12;
	s16 =	sadd.s32 $0x8000, s12  }
0xb: {  	s17 =	sadd.s32 $0xC000, s12;
	s18 =	sadd.s32 $0x10000, s12;
	s24 =	simm.s32 $0x80  }
0xc: {  	s4 =	smul.u32 $0x500, s5;
	s19 =	ssub.s32 s7, s14;
	s6 =	sadd.s32 s6, s2  }
0xd: {  	s7 =	sadd.s32 s13, s2;
	s8 =	sadd.s32 s16, s2;
	s5 =	smul.u32 $0x2800, s5  }
0xe: {  	s9 =	sadd.s32 s17, s2;
	s10 =	sadd.s32 s18, s2;
	s14 =	sadd.s32 s12, s21  }
0xf: {  	s13 =	sadd.s32 s21, s13;
	s16 =	sadd.s32 s21, s16;
	s17 =	sadd.s32 s21, s17  }
0x10: {  	s21 =	sadd.s32 s21, s18;
	s25 =	sadd.s32 s23, s22;
	s0 =	sadd.s32 s0, s20  }
0x11: {  	s22 =	simm.s32 $0x2C00;
	s23 =	simm.s32 $0x3;
	s14 =	sshrl.u32 s14, $0x3  }
0x12: {  	s17 =	sshrl.u32 s17, $0x3;
	s26 =	sshll.u32 s25, $0x4;
	s19 =	smax.u32 s19, $0x1  }
0x13: {  	s25 =	simm.s32 $0x6C00;
	s11 =	sadd.s32 s4, s1;
	s5 =	sshrl.u32 s5, $0x3  }
0x14: {  	s4 =	sadd.s32 $0x67000, s1;
	s11 =	sadd.s32 $0x3000, s11;
	s5 =	sadd.s32 s20, s5  }
0x15: {  	s1 =	sadd.s32 $0x8E200, s1;
	[dreg:$0x4] =	wrdreg s11;
	s15 =	sadd.s32 $0x4E0, s5  }
0x16: {  	s14 =	sadd.s32 s1, s14;
	s17 =	sadd.s32 s1, s17;
	[dreg:$0x5] =	wrdreg s15  }
0x17: {  	s15 =	sshrl.u32 s13, $0x3;
	s13 =	sadd.s32 $0x4F0, s5;
	s5 =	sshrl.u32 s16, $0x3  }
0x18: {  	s15 =	sadd.s32 s1, s15;
	s16 =	sadd.s32 s1, s5;
	s5 =	sshrl.u32 s21, $0x3  }
0x19: {  	s21 =	sadd.s32 s31, s0;
	s18 =	sadd.s32 s1, s5;
	s1 =	sadd.s32 s26, s20  }
0x1a: {  	s0 =	simm.s32 $0x0;
	s26 =	simm.s32 $0x2800;
	s20 =	sadd.s32 $0x10, s1  }
.LBB2_1:
0x1b: {  	s1 =	rddreg [dreg:$0x3]  }
0x1c: {  	[tilespmem:s22], [sflag:$0x3] =	stream.linear.gather [hbm4b:s1+s3], $0x4000, $0x38;
	[tilespmem:$0x1E800] =	vst v63  }
0x1d: {  	_ =	swait.ge [sflag:s23], $0x4000  }
0x1e: {  	[sflag:s23] =	ssyncset.done $0x0  }
0x1f: {  	[sflag:s23] =	ssyncadd.s32 $0xFFFFC000  }
0x20: {  	[spmem:s6] =	stream.linear.scatter [tilespmem:s22], [sflag:$0x3], $0x4000, $0x38;
	[tilespmem:$0x1E800] =	vst v63  }
0x21: {  	_ =	swait.ge [sflag:s23], $0x4000  }
0x22: {  	[sflag:s23] =	ssyncset.done $0x0  }
0x23: {  	[sflag:s23] =	ssyncadd.s32 $0xFFFFC000  }
0x24: {  	[spmem:s7] =	stream.linear.scatter [tilespmem:s22], [sflag:$0x3], $0x4000, $0x38;
	[tilespmem:$0x1E800] =	vst v63  }
0x25: {  	_ =	swait.ge [sflag:s23], $0x4000  }
0x26: {  	[sflag:s23] =	ssyncset.done $0x0  }
0x27: {  	[sflag:s23] =	ssyncadd.s32 $0xFFFFC000  }
0x28: {  	[spmem:s8] =	stream.linear.scatter [tilespmem:s22], [sflag:$0x3], $0x4000, $0x38;
	[tilespmem:$0x1E800] =	vst v63  }
0x29: {  	_ =	swait.ge [sflag:s23], $0x4000  }
0x2a: {  	[sflag:s23] =	ssyncset.done $0x0  }
0x2b: {  	[sflag:s23] =	ssyncadd.s32 $0xFFFFC000  }
0x2c: {  	[spmem:s9] =	stream.linear.scatter [tilespmem:s22], [sflag:$0x3], $0x4000, $0x38;
	[tilespmem:$0x1E800] =	vst v63  }
0x2d: {  	_ =	swait.ge [sflag:s23], $0x4000  }
0x2e: {  	[sflag:s23] =	ssyncset.done $0x0  }
0x2f: {  	[sflag:s23] =	ssyncadd.s32 $0xFFFFC000  }
0x30: {  	[spmem:s10] =	stream.linear.scatter [tilespmem:s22], [sflag:$0x3], $0x3C00, $0x38;
	[tilespmem:$0x1E800] =	vst v63  }
0x31: {  	_ =	swait.ge [sflag:s23], $0x3C00  }
0x32: {  	[sflag:s23] =	ssyncset.done $0x0  }
0x33: {  	s11 =	rddreg [dreg:$0x4];
	[sflag:s23] =	ssyncadd.s32 $0xFFFFC400  }
0x34: {  	[tilespmem:s3], [sflag:$0x3] =	stream.linear.gather [hbm4b:s11+s3], $0x2800, $0x38;
	[tilespmem:$0x1E800] =	vst v63  }
0x35: {  	_ =	swait.ge [sflag:s23], $0x2800  }
0x36: {  	[sflag:s23] =	ssyncset.done $0x0  }
0x37: {  	[sflag:s23] =	ssyncadd.s32 $0xFFFFD800  }
0x38: {  	[bflag:$0x0] =	sbarrier.arrive $0xFFFF  }
0x39: {  	[tilespmem:s22], [sflag:$0x1] =	stream.indirect.gather [hbm4b:s4+s24], $0x80, s3, s24, $0xb8;
	[tilespmem:$0x1E800] =	vst v63  }
0x3a: {  	s12 =	simm.s32 $0x80  }
0x3b: {  	[tilespmem:s25], [sflag:$0x2] =	stream.indirect.gather [hbm4b:s4+s24], $0x80, s12, s24, $0xb8;
	[tilespmem:$0x1E800] =	vst v63  }
0x3c: {  	s5 =	sadd.s32 $0x0, s21  }
0x3d: {  	[tilespmem:s26], [sflag:$0x3] =	stream.linear.gather [hbm4b:s5+s3], $0x80, $0x38;
	[tilespmem:$0x1E800] =	vst v63  }
0x3e: {  	_ =	swait.ge [sflag:s23], $0x80  }
0x3f: {  	[sflag:s23] =	ssyncset.done $0x0  }
0x40: {  	[sflag:s23] =	ssyncadd.s32 $0xFFFFFF80  }
0x41: {  	_ =	swait.ge [sflag:s28], $0x4000  }
0x42: {  	[sflag:s28] =	ssyncset.done $0x0  }
0x43: {  	[sflag:s28] =	ssyncadd.s32 $0xFFFFC000  }
0x44: {  	[spmem:s2] =	stream.indirect.scatter.add.f32 [tilespmem:s22], [sflag:$0x3], $0x80, s26, s24, $0xb8;
	[tilespmem:$0x1E800] =	vst v63  }
0x45: {  	_ =	swait.ge [sflag:s23], $0x4000  }
0x46: {  	[sflag:s23] =	ssyncset.done $0x0  }
0x47: {  	s11 =	simm.s32 $0x100;
	[sflag:s23] =	ssyncadd.s32 $0xFFFFC000  }
0x48: {  	[tilespmem:s22], [sflag:$0x1] =	stream.indirect.gather [hbm4b:s4+s24], $0x80, s11, s24, $0xb8;
	[tilespmem:$0x1E800] =	vst v63  }
0x49: {  	s12 =	sadd.s32 $0x0, s20  }
0x4a: {  	[tilespmem:s29], [sflag:$0x3] =	stream.linear.gather [hbm4b:s12+s3], $0x80, $0x38;
	[tilespmem:$0x1E800] =	vst v63  }
0x4b: {  	_ =	swait.ge [sflag:s23], $0x80  }
0x4c: {  	[sflag:s23] =	ssyncset.done $0x0  }
0x4d: {  	[sflag:s23] =	ssyncadd.s32 $0xFFFFFF80  }
0x4e: {  	_ =	swait.ge [sflag:s30], $0x4000  }
0x4f: {  	[sflag:s30] =	ssyncset.done $0x0  }
0x50: {  	[sflag:s30] =	ssyncadd.s32 $0xFFFFC000  }
0x51: {  	[spmem:s2] =	stream.indirect.scatter.add.f32 [tilespmem:s25], [sflag:$0x3], $0x80, s29, s24, $0xb8;
	[tilespmem:$0x1E800] =	vst v63  }
0x52: {  	s31 =	simm.s32 $0x200;
	_ =	swait.ge [sflag:s23], $0x4000  }
0x53: {  	s1 =	simm.s32 $0x20;
	s5 =	simm.s32 $0x40;
	[sflag:s23] =	ssyncset.done $0x0  }
.LBB2_2:
0x54: {  	p0 =	sne.s32 s5, $0x4C0;
	s11 =	sadd.s32 $0xFFFFFF80, s31;
	[sflag:s23] =	ssyncadd.s32 $0xFFFFC000  }
0x55: {  	[tilespmem:s25], [sflag:$0x2] =	stream.indirect.gather [hbm4b:s4+s24], $0x80, s11, s24, $0xb8;
	[tilespmem:$0x1E800] =	vst v63  }
0x56: {  	s12 =	smov.u32 s5;
	s5 =	sadd.s32 $0x20, s5;
	s11 =	sadd.s32 s1, s21  }
0x57: {  	[tilespmem:s26], [sflag:$0x3] =	stream.linear.gather [hbm4b:s11+s3], $0x80, $0x38;
	[tilespmem:$0x1E800] =	vst v63  }
0x58: {  	_ =	swait.ge [sflag:s23], $0x80  }
0x59: {  	[sflag:s23] =	ssyncset.done $0x0  }
0x5a: {  	[sflag:s23] =	ssyncadd.s32 $0xFFFFFF80  }
0x5b: {  	_ =	swait.ge [sflag:s28], $0x4000  }
0x5c: {  	[sflag:s28] =	ssyncset.done $0x0  }
0x5d: {  	[sflag:s28] =	ssyncadd.s32 $0xFFFFC000  }
0x5e: {  	[spmem:s2] =	stream.indirect.scatter.add.f32 [tilespmem:s22], [sflag:$0x3], $0x80, s26, s24, $0xb8;
	[tilespmem:$0x1E800] =	vst v63  }
0x5f: {  	_ =	swait.ge [sflag:s23], $0x4000  }
0x60: {  	[sflag:s23] =	ssyncset.done $0x0  }
0x61: {  	[sflag:s23] =	ssyncadd.s32 $0xFFFFC000  }
0x62: {  	[tilespmem:s22], [sflag:$0x1] =	stream.indirect.gather [hbm4b:s4+s24], $0x80, s31, s24, $0xb8;
	[tilespmem:$0x1E800] =	vst v63  }
0x63: {  	s11 =	sadd.s32 s1, s20;
	s1 =	smov.u32 s12  }
0x64: {  	[tilespmem:s29], [sflag:$0x3] =	stream.linear.gather [hbm4b:s11+s3], $0x80, $0x38;
	[tilespmem:$0x1E800] =	vst v63  }
0x65: {  	_ =	swait.ge [sflag:s23], $0x80  }
0x66: {  	[sflag:s23] =	ssyncset.done $0x0  }
0x67: {  	[sflag:s23] =	ssyncadd.s32 $0xFFFFFF80  }
0x68: {  	_ =	swait.ge [sflag:s30], $0x4000  }
.Ltmp0:
0x69: {  	[sflag:s30] =	ssyncset.done $0x0;
	(pc) =	sbr.rel @p0 .LBB2_2-.Ltmp0, $4  }
0x6a: {  	[sflag:s30] =	ssyncadd.s32 $0xFFFFC000  }
0x6b: {  	[spmem:s2] =	stream.indirect.scatter.add.f32 [tilespmem:s25], [sflag:$0x3], $0x80, s29, s24, $0xb8;
	[tilespmem:$0x1E800] =	vst v63  }
0x6c: {  	_ =	swait.ge [sflag:s23], $0x4000  }
0x6d: {  	s31 =	sadd.s32 $0x100, s31;
	[sflag:s23] =	ssyncset.done $0x0  }
0x6e: {  	s5 =	sadd.s32 $0xFFFFFF80, s31;
	[sflag:s23] =	ssyncadd.s32 $0xFFFFC000  }
0x6f: {  	[tilespmem:s25], [sflag:$0x2] =	stream.indirect.gather [hbm4b:s4+s24], $0x80, s5, s24, $0xb8;
	[tilespmem:$0x1E800] =	vst v63  }
0x70: {  	s12 =	sadd.s32 s1, s21  }
0x71: {  	[tilespmem:s26], [sflag:$0x3] =	stream.linear.gather [hbm4b:s12+s3], $0x80, $0x38;
	[tilespmem:$0x1E800] =	vst v63  }
0x72: {  	_ =	swait.ge [sflag:s23], $0x80  }
0x73: {  	[sflag:s23] =	ssyncset.done $0x0  }
0x74: {  	[sflag:s23] =	ssyncadd.s32 $0xFFFFFF80  }
0x75: {  	_ =	swait.ge [sflag:s28], $0x4000  }
0x76: {  	[sflag:s28] =	ssyncset.done $0x0  }
0x77: {  	[sflag:s28] =	ssyncadd.s32 $0xFFFFC000  }
0x78: {  	[spmem:s2] =	stream.indirect.scatter.add.f32 [tilespmem:s22], [sflag:$0x3], $0x80, s26, s24, $0xb8;
	[tilespmem:$0x1E800] =	vst v63  }
0x79: {  	_ =	swait.ge [sflag:s23], $0x4000  }
0x7a: {  	[sflag:s23] =	ssyncset.done $0x0  }
0x7b: {  	[sflag:s23] =	ssyncadd.s32 $0xFFFFC000  }
0x7c: {  	[tilespmem:s22], [sflag:$0x1] =	stream.indirect.gather [hbm4b:s4+s24], $0x80, s31, s24, $0xb8;
	[tilespmem:$0x1E800] =	vst v63  }
0x7d: {  	s11 =	sadd.s32 s1, s20  }
0x7e: {  	[tilespmem:s29], [sflag:$0x3] =	stream.linear.gather [hbm4b:s11+s3], $0x80, $0x38;
	[tilespmem:$0x1E800] =	vst v63  }
0x7f: {  	_ =	swait.ge [sflag:s23], $0x80  }
0x80: {  	[sflag:s23] =	ssyncset.done $0x0  }
0x81: {  	[sflag:s23] =	ssyncadd.s32 $0xFFFFFF80  }
0x82: {  	_ =	swait.ge [sflag:s30], $0x4000  }
0x83: {  	[sflag:s30] =	ssyncset.done $0x0  }
0x84: {  	[sflag:s30] =	ssyncadd.s32 $0xFFFFC000  }
0x85: {  	[spmem:s2] =	stream.indirect.scatter.add.f32 [tilespmem:s25], [sflag:$0x3], $0x80, s29, s24, $0xb8;
	[tilespmem:$0x1E800] =	vst v63  }
0x86: {  	_ =	swait.ge [sflag:s23], $0x4000  }
0x87: {  	[sflag:s23] =	ssyncset.done $0x0  }
0x88: {  	s12 =	simm.s32 $0x2780;
	[sflag:s23] =	ssyncadd.s32 $0xFFFFC000  }
0x89: {  	[tilespmem:s25], [sflag:$0x2] =	stream.indirect.gather [hbm4b:s4+s24], $0x80, s12, s24, $0xb8;
	[tilespmem:$0x1E800] =	vst v63  }
0x8a: {  	s31 =	rddreg [dreg:$0x5]  }
0x8b: {  	[tilespmem:s26], [sflag:$0x3] =	stream.linear.gather [hbm4b:s31+s3], $0x80, $0x38;
	[tilespmem:$0x1E800] =	vst v63  }
0x8c: {  	_ =	swait.ge [sflag:s23], $0x80  }
0x8d: {  	[sflag:s23] =	ssyncset.done $0x0  }
0x8e: {  	[sflag:s23] =	ssyncadd.s32 $0xFFFFFF80  }
0x8f: {  	_ =	swait.ge [sflag:s28], $0x4000  }
0x90: {  	[sflag:s28] =	ssyncset.done $0x0  }
0x91: {  	[sflag:s28] =	ssyncadd.s32 $0xFFFFC000  }
0x92: {  	[spmem:s2] =	stream.indirect.scatter.add.f32 [tilespmem:s22], [sflag:$0x3], $0x80, s26, s24, $0xb8;
	[tilespmem:$0x1E800] =	vst v63  }
0x93: {  	_ =	swait.ge [sflag:s23], $0x4000  }
0x94: {  	[sflag:s23] =	ssyncset.done $0x0  }
0x95: {  	[sflag:s23] =	ssyncadd.s32 $0xFFFFC000  }
0x96: {  	[tilespmem:s29], [sflag:$0x3] =	stream.linear.gather [hbm4b:s13+s3], $0x80, $0x38;
	[tilespmem:$0x1E800] =	vst v63  }
0x97: {  	_ =	swait.ge [sflag:s23], $0x80  }
0x98: {  	[sflag:s23] =	ssyncset.done $0x0  }
0x99: {  	[sflag:s23] =	ssyncadd.s32 $0xFFFFFF80  }
0x9a: {  	_ =	swait.ge [sflag:s30], $0x4000  }
0x9b: {  	[sflag:s30] =	ssyncset.done $0x0  }
0x9c: {  	[sflag:s30] =	ssyncadd.s32 $0xFFFFC000  }
0x9d: {  	[spmem:s2] =	stream.indirect.scatter.add.f32 [tilespmem:s25], [sflag:$0x3], $0x80, s29, s24, $0xb8;
	[tilespmem:$0x1E800] =	vst v63  }
0x9e: {  	_ =	swait.ge [sflag:s23], $0x4000  }
0x9f: {  	[sflag:s23] =	ssyncset.done $0x0  }
0xa0: {  	[sflag:s23] =	ssyncadd.s32 $0xFFFFC000  }
0xa1: {  	[bflag:$0x0] =	sbarrier.arrive $0xFFFF  }
0xa2: {  	[tilespmem:s22], [sflag:$0x3] =	stream.linear.gather [spmem:s6], $0x4000, $0x38;
	[tilespmem:$0x1E800] =	vst v63  }
0xa3: {  	_ =	swait.ge [sflag:s23], $0x4000  }
0xa4: {  	[sflag:s23] =	ssyncset.done $0x0  }
0xa5: {  	[sflag:s23] =	ssyncadd.s32 $0xFFFFC000  }
0xa6: {  	[hbm4b:s14+s3] =	stream.linear.scatter [tilespmem:s22], [sflag:$0x3], $0x4000, $0x38;
	[tilespmem:$0x1E800] =	vst v63  }
0xa7: {  	_ =	swait.ge [sflag:s23], $0x4000  }
0xa8: {  	[sflag:s23] =	ssyncset.done $0x0  }
0xa9: {  	[sflag:s23] =	ssyncadd.s32 $0xFFFFC000  }
0xaa: {  	[tilespmem:s22], [sflag:$0x3] =	stream.linear.gather [spmem:s7], $0x4000, $0x38;
	[tilespmem:$0x1E800] =	vst v63  }
0xab: {  	_ =	swait.ge [sflag:s23], $0x4000  }
0xac: {  	[sflag:s23] =	ssyncset.done $0x0  }
0xad: {  	[sflag:s23] =	ssyncadd.s32 $0xFFFFC000  }
0xae: {  	[hbm4b:s15+s3] =	stream.linear.scatter [tilespmem:s22], [sflag:$0x3], $0x4000, $0x38;
	[tilespmem:$0x1E800] =	vst v63  }
0xaf: {  	_ =	swait.ge [sflag:s23], $0x4000  }
0xb0: {  	[sflag:s23] =	ssyncset.done $0x0  }
0xb1: {  	[sflag:s23] =	ssyncadd.s32 $0xFFFFC000  }
0xb2: {  	[tilespmem:s22], [sflag:$0x3] =	stream.linear.gather [spmem:s8], $0x4000, $0x38;
	[tilespmem:$0x1E800] =	vst v63  }
0xb3: {  	_ =	swait.ge [sflag:s23], $0x4000  }
0xb4: {  	[sflag:s23] =	ssyncset.done $0x0  }
0xb5: {  	[sflag:s23] =	ssyncadd.s32 $0xFFFFC000  }
0xb6: {  	[hbm4b:s16+s3] =	stream.linear.scatter [tilespmem:s22], [sflag:$0x3], $0x4000, $0x38;
	[tilespmem:$0x1E800] =	vst v63  }
0xb7: {  	_ =	swait.ge [sflag:s23], $0x4000  }
0xb8: {  	[sflag:s23] =	ssyncset.done $0x0  }
0xb9: {  	[sflag:s23] =	ssyncadd.s32 $0xFFFFC000  }
0xba: {  	[tilespmem:s22], [sflag:$0x3] =	stream.linear.gather [spmem:s9], $0x4000, $0x38;
	[tilespmem:$0x1E800] =	vst v63  }
0xbb: {  	_ =	swait.ge [sflag:s23], $0x4000  }
0xbc: {  	[sflag:s23] =	ssyncset.done $0x0  }
0xbd: {  	[sflag:s23] =	ssyncadd.s32 $0xFFFFC000  }
0xbe: {  	[hbm4b:s17+s3] =	stream.linear.scatter [tilespmem:s22], [sflag:$0x3], $0x4000, $0x38;
	[tilespmem:$0x1E800] =	vst v63  }
0xbf: {  	_ =	swait.ge [sflag:s23], $0x4000  }
0xc0: {  	[sflag:s23] =	ssyncset.done $0x0  }
0xc1: {  	[sflag:s23] =	ssyncadd.s32 $0xFFFFC000  }
0xc2: {  	[tilespmem:s22], [sflag:$0x3] =	stream.linear.gather [spmem:s10], $0x3C00, $0x38;
	[tilespmem:$0x1E800] =	vst v63  }
0xc3: {  	s0 =	sadd.s32 $0x1, s0;
	_ =	swait.ge [sflag:s23], $0x3C00  }
0xc4: {  	p0 =	sne.s32 s0, s19;
	[sflag:s23] =	ssyncset.done $0x0  }
.Ltmp1:
0xc5: {  	[sflag:s23] =	ssyncadd.s32 $0xFFFFC400;
	(pc) =	sbr.rel @p0 .LBB2_1-.Ltmp1, $4  }
0xc6: {  	[hbm4b:s18+s3] =	stream.linear.scatter [tilespmem:s22], [sflag:$0x3], $0x3C00, $0x38;
	[tilespmem:$0x1E800] =	vst v63  }
0xc7: {  	_ =	swait.ge [sflag:s23], $0x3C00  }
0xc8: {  	[sflag:s23] =	ssyncset.done $0x0  }
0xc9: {  	[sflag:s23] =	ssyncadd.s32 $0xFFFFC400  }
0xca: {  	_ =	sfence.sel $0x180000  }
0xcb: {  	[bflag:$0x0] =	sbarrier.arrive $0xFFFF  }
0xcc: {  	_ =	strace $0x9000004A  }
0xcd: {  	s0 =	stileid.u32;
	[bflag:$0x2] =	sbarrier.arrive $0xFFFF  }
0xce: {  	p0 =	sne.s32 s0, $0x0;
	s0 =	rddreg [dreg:$0x2]  }
0xcf: {  	s0 =	sadd.s32 @!p0 $0x100000, s0  }
0xd0: {  	[sflag:s0] =	ssyncadd.tile.s32 @!p0 $0x1;
	_ =	shalt  }
.Lfunc_end2:
_tile_overlayer_lowered:
.L_overlay_start_2:
0xd1: {  	(tag) =	ssettag $0x2  }
0xd2: {  	s0 =	rddreg [dreg:$0x0];
	s2 =	stileid.u32  }
0xd3: {  	s1 =	rddreg [dreg:$0x1];
	p0 =	sne.s32 s2, $0x0  }
0xd4: {  	s3 =	rddreg [dreg:$0x2];
	[bflag:$0x3] =	sbarrier.arrive $0xFFFF;
	s2 =	simm.s32 @!p0 $0x1C03  }
0xd5: {  	[timem:s3], [sflag:s2] =	dma.local @!p0 [hbm:s0], s1  }
0xd6: {  	s0 =	simm.s32 @!p0 $0x3  }
0xd7: {  	_ =	swait.ge @!p0 [sflag:s0], s1  }
0xd8: {  	s1 =	ssub.s32 @!p0 $0x0, s1;
	[sflag:s0] =	ssyncset.done @!p0 $0x0  }
0xd9: {  	[sflag:s0] =	ssyncadd.s32 @!p0 s1  }
0xda: {  	[bflag:$0x3] =	sbarrier.arrive $0xFFFF  }
0xdb: {  	_ =	shalt  }

// kernel: kernel.14.cloned.1.call-start
scs
__scs_entry_jumppad:
0x0: {  	(pc) =	sbr.rel $0x88, $3  }
0x1: {  	(tag) =	ssettag $0x0;
	lr =	simm.s32 $0x1  }
0x2: {  	[smem:$0x3F93] =	sst lr;
	_ =	strace $0xD0000000  }
0x3: {  	_ = 	snop  }
0x4: {  	_ = 	snop  }
0x5: {  	_ = 	snop  }
0x6: {  	_ = 	snop  }
0x7: {  	_ = 	snop  }
__scs_overlays_trampoline_lowered:
0x8: {  	[smem:$0x3FA2] =	sst s0  }
0x9: {  	[smem:$0x3FA3] =	sst s1  }
0xa: {  	[smem:$0x3FA4] =	sst s2  }
0xb: {  	[smem:$0x3FA5] =	sst s3  }
0xc: {  	[smem:$0x3FA6] =	sst s4  }
0xd: {  	[smem:$0x3FA7] =	sst s5  }
0xe: {  	[smem:$0x3FA8] =	sst s6  }
0xf: {  	[smem:$0x3FA9] =	sst s7  }
0x10: {  	[smem:$0x3FAA] =	sst s8  }
0x11: {  	[smem:$0x3FAB] =	sst s9;
	s0 =	simm.s32 @!p0 $0x0  }
0x12: {  	s1 =	sld [smem:$0x3F91];
	s0 =	simm.s32 @p0 $0x1  }
0x13: {  	[smem:$0x3FAC] =	sst s0;
	s0 =	simm.s32 @!p1 $0x0  }
0x14: {  	s2 =	sld [smem:$0x3F90];
	s0 =	simm.s32 @p1 $0x1  }
0x15: {  	[smem:$0x3FAD] =	sst s0;
	s0 =	simm.s32 @!p2 $0x0  }
0x16: {  	s3 =	sld [smem:$0x3FDB];
	s0 =	simm.s32 @p2 $0x1  }
0x17: {  	s4 =	simm.s32 $0x1BF5;
	[smem:$0x3FAF] =	sst s0  }
0x18: {  	s0 =	sld [smem:$0x3F92];
	_ =	swait.ge [sflag:s4], $0x0  }
0x19: {  	s7 =	sld [smem:$0x3F93]  }
0x1a: {  	s8 =	sadd.s32 $0xFFFFE003, lr  }
0x1b: {  	s9 =	sadd.s32 $0xFFFFFEF7, lr;
	s5 =	simm.s32 $0xFFFFFFFF;
	p2 =	slt.u32 s8, $0xFFFFF086  }
0x1c: {  	p1 =	slt.u32 s9, $0xF7A;
	s5 =	simm.s32 @!p2 $0x0  }
0x1d: {  	s5 =	simm.s32 @p1 $0x1;
	p0 =	seq.s32 s7, s2  }
0x1e: {  	s7 =	smul.u32 @!p0 $0xF7A, s2;
	p2 =	seq.s32 @!p0 s5, $0x0  }
0x1f: {  	s9 =	smul.u32 $0xF7A, s1;
	s8 =	simm.s32 @!p0 $0x1BF5;
	p2 =	por !p2, p0  }
0x20: {  	[sflag:s8] =	ssyncset.s32 @!p0 $0xFFFFF086;
	s6 =	sadd.s32 @!p0 s3, s7;
	s7 =	simm.s32 @!p0 $0x108  }
0x21: {  	s3 =	sadd.s32 s3, s9;
	s6 =	sadd.s32 @!p0 $0x88, s6;
	s7 =	simm.s32 @p2 $0x1082  }
0x22: {  	[simem:s7], [sflag:s8] =	dma.local @!p0 [hbm:s6], $0xF7A  }
0x23: {  	s9 =	sor.u32 $0xD0000000, s2;
	s6 =	simm.s32 $0x108;
	_ =	swait.ge @!p0 [sflag:s8], $0x0  }
0x24: {  	s3 =	sadd.s32 $0x88, s3;
	s6 =	simm.s32 @!p1 $0x1082;
	[sflag:s4] =	ssyncset.s32 $0xFFFFF086  }
0x25: {  	[simem:s6], [sflag:s4] =	dma.local [hbm:s3], $0xF7A  }
0x26: {  	[smem:$0x3F93] =	sst s1;
	(tag) =	ssettag s2;
	_ =	strace s9  }
0x27: {  	s1 =	sld [smem:$0x3FA3]  }
0x28: {  	s2 =	sld [smem:$0x3FA4]  }
0x29: {  	s4 =	sld [smem:$0x3FA6]  }
0x2a: {  	p0 =	seq.s32 s5, $0x0;
	s5 =	sld [smem:$0x3FA7]  }
0x2b: {  	s6 =	sld [smem:$0x3FA8]  }
0x2c: {  	s7 =	sld [smem:$0x3FA9]  }
0x2d: {  	s3 =	simm.s32 $0x108;
	s8 =	sld [smem:$0x3FAA]  }
0x2e: {  	s3 =	simm.s32 @!p0 $0x1082;
	s9 =	sld [smem:$0x3FAB]  }
0x2f: {  	lr =	sadd.s32 s0, s3;
	s0 =	sld [smem:$0x3FA2]  }
0x30: {  	s3 =	sld [smem:$0x3FA5]  }
0x31: {  	[smem:$0x3FAE] =	sst s10  }
0x32: {  	s10 =	sld [smem:$0x3FAC];
	_ =	sdelay $0x3  }
0x33: {  	p0 =	seq.s32 s10, $0x1;
	s10 =	sld [smem:$0x3FAE];
	_ =	sdelay $0x3  }
0x34: {  	[smem:$0x3FAE] =	sst s10  }
0x35: {  	s10 =	sld [smem:$0x3FAD];
	_ =	sdelay $0x3  }
0x36: {  	p1 =	seq.s32 s10, $0x1;
	s10 =	sld [smem:$0x3FAE];
	_ =	sdelay $0x3  }
0x37: {  	[smem:$0x3FAE] =	sst s10  }
0x38: {  	s10 =	sld [smem:$0x3FAF]  }
0x39: {  	_ = 	snop;
	(pc) =	sbr.ind lr, $3  }
0x3a: {  	_ = 	snop  }
0x3b: {  	_ = 	snop  }
0x3c: {  	p2 =	seq.s32 s10, $0x1;
	s10 =	sld [smem:$0x3FAE]  }
0x3d: {  	_ =	shalt  }
0x3e: {  	_ =	shalt  }
0x3f: {  	_ =	shalt  }
0x40: {  	_ =	shalt  }
0x41: {  	_ =	shalt  }
0x42: {  	_ =	shalt  }
0x43: {  	_ =	shalt  }
0x44: {  	_ =	shalt  }
0x45: {  	_ =	shalt  }
0x46: {  	_ =	shalt  }
0x47: {  	_ =	shalt  }
0x48: {  	_ =	shalt  }
0x49: {  	_ =	shalt  }
0x4a: {  	_ =	shalt  }
0x4b: {  	_ =	shalt  }
0x4c: {  	_ =	shalt  }
0x4d: {  	_ =	shalt  }
0x4e: {  	_ =	shalt  }
0x4f: {  	_ =	shalt  }
0x50: {  	_ =	shalt  }
0x51: {  	_ =	shalt  }
0x52: {  	_ =	shalt  }
0x53: {  	_ =	shalt  }
0x54: {  	_ =	shalt  }
0x55: {  	_ =	shalt  }
0x56: {  	_ =	shalt  }
0x57: {  	_ =	shalt  }
0x58: {  	_ =	shalt  }
0x59: {  	_ =	shalt  }
0x5a: {  	_ =	shalt  }
0x5b: {  	_ =	shalt  }
0x5c: {  	_ =	shalt  }
0x5d: {  	_ =	shalt  }
0x5e: {  	_ =	shalt  }
0x5f: {  	_ =	shalt  }
0x60: {  	_ =	shalt  }
0x61: {  	_ =	shalt  }
0x62: {  	_ =	shalt  }
0x63: {  	_ =	shalt  }
0x64: {  	_ =	shalt  }
0x65: {  	_ =	shalt  }
0x66: {  	_ =	shalt  }
0x67: {  	_ =	shalt  }
0x68: {  	_ =	shalt  }
0x69: {  	_ =	shalt  }
0x6a: {  	_ =	shalt  }
0x6b: {  	_ =	shalt  }
0x6c: {  	_ =	shalt  }
0x6d: {  	_ =	shalt  }
0x6e: {  	_ =	shalt  }
0x6f: {  	_ =	shalt  }
0x70: {  	_ =	shalt  }
0x71: {  	_ =	shalt  }
0x72: {  	_ =	shalt  }
0x73: {  	_ =	shalt  }
0x74: {  	_ =	shalt  }
0x75: {  	_ =	shalt  }
0x76: {  	_ =	shalt  }
0x77: {  	_ =	shalt  }
0x78: {  	_ =	shalt  }
0x79: {  	_ =	shalt  }
0x7a: {  	_ =	shalt  }
0x7b: {  	_ =	shalt  }
0x7c: {  	_ =	shalt  }
0x7d: {  	_ =	shalt  }
0x7e: {  	_ =	shalt  }
0x7f: {  	_ =	shalt  }
0x80: {  	_ =	shalt  }
0x81: {  	_ =	shalt  }
0x82: {  	_ =	shalt  }
0x83: {  	_ =	shalt  }
0x84: {  	_ =	shalt  }
0x85: {  	_ =	shalt  }
0x86: {  	_ =	shalt  }
0x87: {  	_ =	shalt  }
.Lfunc_end0:
.L_simem_size_0:
called_computation.2_lowered:
.L_overlay_start_0:
0x88: {  	s2 =	sld [smem:$0x3FD9]  }
0x89: {  	s3 =	sld [smem:$0x3FFE];
	_ =	sdelay $0x1  }
0x8a: {  	s1 =	srdreg.scid  }
0x8b: {  	s0 =	sand.u32 $0x1, s1  }
0x8c: {  	s16 =	sshll.u32 s0, $0xA;
	s2 =	sadd.s32 s3, s2  }
0x8d: {  	s2 =	sadd.s32 s2, s16  }
0x8e: {  	[smem:$0x3FBA] =	sst s2  }
0x8f: {  	_ = 	snop  }
0x90: {  	(tm) =	ssettm $0x1  }
0x91: {  	s17 =	sld [smem:$0x3FFB];
	_ =	sdelay $0x3  }
0x92: {  	_ =	strace s17  }
0x93: {  	s2 =	sld [smem:$0x3FFC];
	_ =	sdelay $0x3  }
0x94: {  	_ =	strace s2  }
0x95: {  	s2 =	sld [smem:$0x3FFD];
	_ =	sdelay $0x3  }
0x96: {  	_ =	strace s2  }
0x97: {  	_ =	strace $0x8FFFFFFF  }
0x98: {  	s18 =	sld [smem:$0x3FDB];
	_ =	sdelay $0x1  }
0x99: {  	s19 =	simm.s32 $_scs_section_size  }
0x9a: {  	s4 =	simm.s32 $_size__tile_overlayer_lowered;
	s5 =	simm.s32 $_tile_overlayer_lowered  }
0x9b: {  	s22 =	simm.s32 $0x1BFF;
	s21 =	sshll.u32 s5, $0x1;
	s2 =	sadd.s32 s19, s18  }
0x9c: {  	s6 =	simm.s32 $0x0;
	s20 =	sshll.u32 s4, $0x1;
	s4 =	sadd.s32 s21, s2  }
0x9d: {  	[timem:s6], [sflag:s22] =	dma.local [hbm:s4], s20  }
0x9e: {  	_ =	swait.ge [sflag:s22], s20  }
0x9f: {  	s3 =	ssub.s32 $0x0, s20;
	[sflag:s22] =	ssyncset.done $0x0  }
0xa0: {  	[sflag:s22] =	ssyncadd.s32 s3;
	_ =	sdelay $0x1  }
0xa1: {  	s23 =	simm.s32 $0x1B8B  }
0xa2: {  	_ =	swait.ge [sflag:s23], $0x1  }
0xa3: {  	[sflag:s23] =	ssyncset.done $0x0  }
0xa4: {  	s25 =	simm.s32 $0x1B8E;
	s24 =	sld [smem:$0x3FFE];
	[sflag:s23] =	ssyncadd.s32 $0xFFFFFFFF  }
0xa5: {  	s26 =	simm.s32 $execute0_lowered;
	[smem:$0x3FD2] =	sst s25  }
0xa6: {  	s4 =	sshll.u32 s26, $0x1;
	_ =	strace $0x8000004C;
	[dreg:$0x1] =	wrdreg $0xFFFFFFFF  }
0xa7: {  	s28 =	simm.s32 $_size_execute0_lowered;
	s2 =	sadd.s32 s2, s4;
	[dreg:$0x0] =	wrdreg $0x0  }
0xa8: {  	s4 =	sshll.u32 s28, $0x1;
	[dreg:$0x2] =	wrdreg s2  }
0xa9: {  	[dreg:$0x3] =	wrdreg s4  }
0xaa: {  	[dreg:$0x4] =	wrdreg $0xC0  }
0xab: {  	_ =	task [dreg:s6], $0x5FFFF  }
0xac: {  	[dreg:$0x1] =	wrdreg $0xFFFFFFFF  }
0xad: {  	[dreg:$0x0] =	wrdreg $0x60  }
0xae: {  	[dreg:$0x2] =	wrdreg s24  }
0xaf: {  	[dreg:$0x3] =	wrdreg $0xAC000  }
0xb0: {  	[dreg:$0x4] =	wrdreg $0x9  }
0xb1: {  	_ =	task.clear_ibuf [dreg:s6], $0x5FFFF;
	_ =	strace $0x9000004C  }
0xb2: {  	s29 =	simm.s32 $0x9;
	_ =	strace $0x8000004E  }
0xb3: {  	_ =	swait.ge [sflag:s29], $0x1  }
0xb4: {  	[sflag:s29] =	ssyncadd.s32 $0xFFFFFFFF  }
0xb5: {  	_ =	strace $0x9000004E  }
0xb6: {  	_ =	sfence  }
0xb7: {  	s30 =	sld [smem:$0x0];
	_ =	sdelay $0x2  }
0xb8: {  	s31 =	sshll.u32 s1, $0xD;
	s1 =	sshrl.u32 s1, $0x2  }
0xb9: {  	s3 =	sand.u32 $0x4000, s31;
	s1 =	sadd.s32 s1, s30  }
0xba: {  	s0 =	sor.u32 s3, s0;
	s1 =	sshll.u32 s1, $0x11  }
0xbb: {  	s0 =	sor.u32 s1, s0  }
0xbc: {  	s0 =	sadd.s32 $0x8F2B, s0  }
0xbd: {  	[sflag:s0] =	ssyncadd.remote.s32 $0x1  }
0xbe: {  	_ =	sfence.sel $0xFFFF  }
0xbf: {  	[dreg:$0x0] =	wrdreg $0xFFFFFFFF;
	(pc) =	sbr.abs _section_cstart, $3  }
0xc0: {  	[dreg:$0x1] =	wrdreg $0xFFFFFFFF  }
0xc1: {  	_ =	task.clear_ibuf [dreg:s6], $0x2FFFF;
	_ =	strace $0x9FFFFFFF  }
0xc2: {  	(tm) =	ssettm $0x7FFFFFFF  }
0xc3: {  	_ =	shalt  }
tec
execute0_lowered:
.L_overlay_start_1:
0x0: {  	(tag) =	ssettag $0x1  }
0x1: {  	s0 =	srdreg.scid;
	s1 =	rddreg [dreg:$0x0]  }
0x2: {  	s2 =	rddreg [dreg:$0x1];
	s24 =	stileid.u32  }
0x3: {  	s3 =	simm.s32 $0x0;
	s28 =	simm.s32 $0x1;
	s6 =	smul.u32 $0x4F000, s24  }
0x4: {  	s29 =	simm.s32 $0x2880;
	s30 =	simm.s32 $0x2;
	s12 =	smul.u32 $0x13C00, s24  }
0x5: {  	s0 =	sand.u32 $0x1, s0;
	[smem:$0x7FF] =	sst s3;
	s23 =	smul.u32 $0x50, s24  }
0x6: {  	s20 =	sadd.s32 $0xD000, s1;
	s8 =	sadd.s32 $0x17000, s1;
	s31 =	smul.u32 $0x500, s24  }
0x7: {  	s4 =	sshll.u32 s0, $0x4;
	_ =	strace $0x8000004D;
	s21 =	smul.u32 $0x13C000, s0  }
0x8: {  	s7 =	ssub.s32 $0x2, s0;
	[dreg:$0x3] =	wrdreg s8;
	s22 =	smul.u32 $0x500, s0  }
0x9: {  	s0 =	smul.u32 $0x5000, s0;
	s5 =	sor.u32 s24, s4;
	s14 =	sshrl.u32 s7, $0x1  }
0xa: {  	s6 =	sshrl.u32 s6, $0x2;
	s13 =	sadd.s32 $0x4000, s12;
	s16 =	sadd.s32 $0x8000, s12  }
0xb: {  	s17 =	sadd.s32 $0xC000, s12;
	s18 =	sadd.s32 $0x10000, s12;
	s24 =	simm.s32 $0x80  }
0xc: {  	s4 =	smul.u32 $0x500, s5;
	s19 =	ssub.s32 s7, s14;
	s6 =	sadd.s32 s6, s2  }
0xd: {  	s7 =	sadd.s32 s13, s2;
	s8 =	sadd.s32 s16, s2;
	s5 =	smul.u32 $0x2800, s5  }
0xe: {  	s9 =	sadd.s32 s17, s2;
	s10 =	sadd.s32 s18, s2;
	s14 =	sadd.s32 s12, s21  }
0xf: {  	s13 =	sadd.s32 s21, s13;
	s16 =	sadd.s32 s21, s16;
	s17 =	sadd.s32 s21, s17  }
0x10: {  	s21 =	sadd.s32 s21, s18;
	s25 =	sadd.s32 s23, s22;
	s0 =	sadd.s32 s0, s20  }
0x11: {  	s22 =	simm.s32 $0x2C00;
	s23 =	simm.s32 $0x3;
	s14 =	sshrl.u32 s14, $0x3  }
0x12: {  	s17 =	sshrl.u32 s17, $0x3;
	s26 =	sshll.u32 s25, $0x4;
	s19 =	smax.u32 s19, $0x1  }
0x13: {  	s25 =	simm.s32 $0x6C00;
	s11 =	sadd.s32 s4, s1;
	s5 =	sshrl.u32 s5, $0x3  }
0x14: {  	s4 =	sadd.s32 $0x17800, s1;
	s11 =	sadd.s32 $0x3000, s11;
	s5 =	sadd.s32 s20, s5  }
0x15: {  	s1 =	sadd.s32 $0x3EA00, s1;
	[dreg:$0x4] =	wrdreg s11;
	s15 =	sadd.s32 $0x4E0, s5  }
0x16: {  	s14 =	sadd.s32 s1, s14;
	s17 =	sadd.s32 s1, s17;
	[dreg:$0x5] =	wrdreg s15  }
0x17: {  	s15 =	sshrl.u32 s13, $0x3;
	s13 =	sadd.s32 $0x4F0, s5;
	s5 =	sshrl.u32 s16, $0x3  }
0x18: {  	s15 =	sadd.s32 s1, s15;
	s16 =	sadd.s32 s1, s5;
	s5 =	sshrl.u32 s21, $0x3  }
0x19: {  	s21 =	sadd.s32 s31, s0;
	s18 =	sadd.s32 s1, s5;
	s1 =	sadd.s32 s26, s20  }
0x1a: {  	s0 =	simm.s32 $0x0;
	s26 =	simm.s32 $0x2800;
	s20 =	sadd.s32 $0x10, s1  }
.LBB2_1:
0x1b: {  	s1 =	rddreg [dreg:$0x3]  }
0x1c: {  	[tilespmem:s22], [sflag:$0x3] =	stream.linear.gather [hbm4b:s1+s3], $0x4000, $0x38;
	[tilespmem:$0x1E800] =	vst v63  }
0x1d: {  	_ =	swait.ge [sflag:s23], $0x4000  }
0x1e: {  	[sflag:s23] =	ssyncset.done $0x0  }
0x1f: {  	[sflag:s23] =	ssyncadd.s32 $0xFFFFC000  }
0x20: {  	[spmem:s6] =	stream.linear.scatter [tilespmem:s22], [sflag:$0x3], $0x4000, $0x38;
	[tilespmem:$0x1E800] =	vst v63  }
0x21: {  	_ =	swait.ge [sflag:s23], $0x4000  }
0x22: {  	[sflag:s23] =	ssyncset.done $0x0  }
0x23: {  	[sflag:s23] =	ssyncadd.s32 $0xFFFFC000  }
0x24: {  	[spmem:s7] =	stream.linear.scatter [tilespmem:s22], [sflag:$0x3], $0x4000, $0x38;
	[tilespmem:$0x1E800] =	vst v63  }
0x25: {  	_ =	swait.ge [sflag:s23], $0x4000  }
0x26: {  	[sflag:s23] =	ssyncset.done $0x0  }
0x27: {  	[sflag:s23] =	ssyncadd.s32 $0xFFFFC000  }
0x28: {  	[spmem:s8] =	stream.linear.scatter [tilespmem:s22], [sflag:$0x3], $0x4000, $0x38;
	[tilespmem:$0x1E800] =	vst v63  }
0x29: {  	_ =	swait.ge [sflag:s23], $0x4000  }
0x2a: {  	[sflag:s23] =	ssyncset.done $0x0  }
0x2b: {  	[sflag:s23] =	ssyncadd.s32 $0xFFFFC000  }
0x2c: {  	[spmem:s9] =	stream.linear.scatter [tilespmem:s22], [sflag:$0x3], $0x4000, $0x38;
	[tilespmem:$0x1E800] =	vst v63  }
0x2d: {  	_ =	swait.ge [sflag:s23], $0x4000  }
0x2e: {  	[sflag:s23] =	ssyncset.done $0x0  }
0x2f: {  	[sflag:s23] =	ssyncadd.s32 $0xFFFFC000  }
0x30: {  	[spmem:s10] =	stream.linear.scatter [tilespmem:s22], [sflag:$0x3], $0x3C00, $0x38;
	[tilespmem:$0x1E800] =	vst v63  }
0x31: {  	_ =	swait.ge [sflag:s23], $0x3C00  }
0x32: {  	[sflag:s23] =	ssyncset.done $0x0  }
0x33: {  	s11 =	rddreg [dreg:$0x4];
	[sflag:s23] =	ssyncadd.s32 $0xFFFFC400  }
0x34: {  	[tilespmem:s3], [sflag:$0x3] =	stream.linear.gather [hbm4b:s11+s3], $0x2800, $0x38;
	[tilespmem:$0x1E800] =	vst v63  }
0x35: {  	_ =	swait.ge [sflag:s23], $0x2800  }
0x36: {  	[sflag:s23] =	ssyncset.done $0x0  }
0x37: {  	[sflag:s23] =	ssyncadd.s32 $0xFFFFD800  }
0x38: {  	[bflag:$0x0] =	sbarrier.arrive $0xFFFF  }
0x39: {  	[tilespmem:s22], [sflag:$0x1] =	stream.indirect.gather [hbm4b:s4+s24], $0x80, s3, s24, $0xb8;
	[tilespmem:$0x1E800] =	vst v63  }
0x3a: {  	s12 =	simm.s32 $0x80  }
0x3b: {  	[tilespmem:s25], [sflag:$0x2] =	stream.indirect.gather [hbm4b:s4+s24], $0x80, s12, s24, $0xb8;
	[tilespmem:$0x1E800] =	vst v63  }
0x3c: {  	s5 =	sadd.s32 $0x0, s21  }
0x3d: {  	[tilespmem:s26], [sflag:$0x3] =	stream.linear.gather [hbm4b:s5+s3], $0x80, $0x38;
	[tilespmem:$0x1E800] =	vst v63  }
0x3e: {  	_ =	swait.ge [sflag:s23], $0x80  }
0x3f: {  	[sflag:s23] =	ssyncset.done $0x0  }
0x40: {  	[sflag:s23] =	ssyncadd.s32 $0xFFFFFF80  }
0x41: {  	_ =	swait.ge [sflag:s28], $0x4000  }
0x42: {  	[sflag:s28] =	ssyncset.done $0x0  }
0x43: {  	[sflag:s28] =	ssyncadd.s32 $0xFFFFC000  }
0x44: {  	[spmem:s2] =	stream.indirect.scatter.add.f32 [tilespmem:s22], [sflag:$0x3], $0x80, s26, s24, $0xb8;
	[tilespmem:$0x1E800] =	vst v63  }
0x45: {  	_ =	swait.ge [sflag:s23], $0x4000  }
0x46: {  	[sflag:s23] =	ssyncset.done $0x0  }
0x47: {  	s11 =	simm.s32 $0x100;
	[sflag:s23] =	ssyncadd.s32 $0xFFFFC000  }
0x48: {  	[tilespmem:s22], [sflag:$0x1] =	stream.indirect.gather [hbm4b:s4+s24], $0x80, s11, s24, $0xb8;
	[tilespmem:$0x1E800] =	vst v63  }
0x49: {  	s12 =	sadd.s32 $0x0, s20  }
0x4a: {  	[tilespmem:s29], [sflag:$0x3] =	stream.linear.gather [hbm4b:s12+s3], $0x80, $0x38;
	[tilespmem:$0x1E800] =	vst v63  }
0x4b: {  	_ =	swait.ge [sflag:s23], $0x80  }
0x4c: {  	[sflag:s23] =	ssyncset.done $0x0  }
0x4d: {  	[sflag:s23] =	ssyncadd.s32 $0xFFFFFF80  }
0x4e: {  	_ =	swait.ge [sflag:s30], $0x4000  }
0x4f: {  	[sflag:s30] =	ssyncset.done $0x0  }
0x50: {  	[sflag:s30] =	ssyncadd.s32 $0xFFFFC000  }
0x51: {  	[spmem:s2] =	stream.indirect.scatter.add.f32 [tilespmem:s25], [sflag:$0x3], $0x80, s29, s24, $0xb8;
	[tilespmem:$0x1E800] =	vst v63  }
0x52: {  	s31 =	simm.s32 $0x200;
	_ =	swait.ge [sflag:s23], $0x4000  }
0x53: {  	s1 =	simm.s32 $0x20;
	s5 =	simm.s32 $0x40;
	[sflag:s23] =	ssyncset.done $0x0  }
.LBB2_2:
0x54: {  	p0 =	sne.s32 s5, $0x4C0;
	s11 =	sadd.s32 $0xFFFFFF80, s31;
	[sflag:s23] =	ssyncadd.s32 $0xFFFFC000  }
0x55: {  	[tilespmem:s25], [sflag:$0x2] =	stream.indirect.gather [hbm4b:s4+s24], $0x80, s11, s24, $0xb8;
	[tilespmem:$0x1E800] =	vst v63  }
0x56: {  	s12 =	smov.u32 s5;
	s5 =	sadd.s32 $0x20, s5;
	s11 =	sadd.s32 s1, s21  }
0x57: {  	[tilespmem:s26], [sflag:$0x3] =	stream.linear.gather [hbm4b:s11+s3], $0x80, $0x38;
	[tilespmem:$0x1E800] =	vst v63  }
0x58: {  	_ =	swait.ge [sflag:s23], $0x80  }
0x59: {  	[sflag:s23] =	ssyncset.done $0x0  }
0x5a: {  	[sflag:s23] =	ssyncadd.s32 $0xFFFFFF80  }
0x5b: {  	_ =	swait.ge [sflag:s28], $0x4000  }
0x5c: {  	[sflag:s28] =	ssyncset.done $0x0  }
0x5d: {  	[sflag:s28] =	ssyncadd.s32 $0xFFFFC000  }
0x5e: {  	[spmem:s2] =	stream.indirect.scatter.add.f32 [tilespmem:s22], [sflag:$0x3], $0x80, s26, s24, $0xb8;
	[tilespmem:$0x1E800] =	vst v63  }
0x5f: {  	_ =	swait.ge [sflag:s23], $0x4000  }
0x60: {  	[sflag:s23] =	ssyncset.done $0x0  }
0x61: {  	[sflag:s23] =	ssyncadd.s32 $0xFFFFC000  }
0x62: {  	[tilespmem:s22], [sflag:$0x1] =	stream.indirect.gather [hbm4b:s4+s24], $0x80, s31, s24, $0xb8;
	[tilespmem:$0x1E800] =	vst v63  }
0x63: {  	s11 =	sadd.s32 s1, s20;
	s1 =	smov.u32 s12  }
0x64: {  	[tilespmem:s29], [sflag:$0x3] =	stream.linear.gather [hbm4b:s11+s3], $0x80, $0x38;
	[tilespmem:$0x1E800] =	vst v63  }
0x65: {  	_ =	swait.ge [sflag:s23], $0x80  }
0x66: {  	[sflag:s23] =	ssyncset.done $0x0  }
0x67: {  	[sflag:s23] =	ssyncadd.s32 $0xFFFFFF80  }
0x68: {  	_ =	swait.ge [sflag:s30], $0x4000  }
.Ltmp0:
0x69: {  	[sflag:s30] =	ssyncset.done $0x0;
	(pc) =	sbr.rel @p0 .LBB2_2-.Ltmp0, $4  }
0x6a: {  	[sflag:s30] =	ssyncadd.s32 $0xFFFFC000  }
0x6b: {  	[spmem:s2] =	stream.indirect.scatter.add.f32 [tilespmem:s25], [sflag:$0x3], $0x80, s29, s24, $0xb8;
	[tilespmem:$0x1E800] =	vst v63  }
0x6c: {  	_ =	swait.ge [sflag:s23], $0x4000  }
0x6d: {  	s31 =	sadd.s32 $0x100, s31;
	[sflag:s23] =	ssyncset.done $0x0  }
0x6e: {  	s5 =	sadd.s32 $0xFFFFFF80, s31;
	[sflag:s23] =	ssyncadd.s32 $0xFFFFC000  }
0x6f: {  	[tilespmem:s25], [sflag:$0x2] =	stream.indirect.gather [hbm4b:s4+s24], $0x80, s5, s24, $0xb8;
	[tilespmem:$0x1E800] =	vst v63  }
0x70: {  	s12 =	sadd.s32 s1, s21  }
0x71: {  	[tilespmem:s26], [sflag:$0x3] =	stream.linear.gather [hbm4b:s12+s3], $0x80, $0x38;
	[tilespmem:$0x1E800] =	vst v63  }
0x72: {  	_ =	swait.ge [sflag:s23], $0x80  }
0x73: {  	[sflag:s23] =	ssyncset.done $0x0  }
0x74: {  	[sflag:s23] =	ssyncadd.s32 $0xFFFFFF80  }
0x75: {  	_ =	swait.ge [sflag:s28], $0x4000  }
0x76: {  	[sflag:s28] =	ssyncset.done $0x0  }
0x77: {  	[sflag:s28] =	ssyncadd.s32 $0xFFFFC000  }
0x78: {  	[spmem:s2] =	stream.indirect.scatter.add.f32 [tilespmem:s22], [sflag:$0x3], $0x80, s26, s24, $0xb8;
	[tilespmem:$0x1E800] =	vst v63  }
0x79: {  	_ =	swait.ge [sflag:s23], $0x4000  }
0x7a: {  	[sflag:s23] =	ssyncset.done $0x0  }
0x7b: {  	[sflag:s23] =	ssyncadd.s32 $0xFFFFC000  }
0x7c: {  	[tilespmem:s22], [sflag:$0x1] =	stream.indirect.gather [hbm4b:s4+s24], $0x80, s31, s24, $0xb8;
	[tilespmem:$0x1E800] =	vst v63  }
0x7d: {  	s11 =	sadd.s32 s1, s20  }
0x7e: {  	[tilespmem:s29], [sflag:$0x3] =	stream.linear.gather [hbm4b:s11+s3], $0x80, $0x38;
	[tilespmem:$0x1E800] =	vst v63  }
0x7f: {  	_ =	swait.ge [sflag:s23], $0x80  }
0x80: {  	[sflag:s23] =	ssyncset.done $0x0  }
0x81: {  	[sflag:s23] =	ssyncadd.s32 $0xFFFFFF80  }
0x82: {  	_ =	swait.ge [sflag:s30], $0x4000  }
0x83: {  	[sflag:s30] =	ssyncset.done $0x0  }
0x84: {  	[sflag:s30] =	ssyncadd.s32 $0xFFFFC000  }
0x85: {  	[spmem:s2] =	stream.indirect.scatter.add.f32 [tilespmem:s25], [sflag:$0x3], $0x80, s29, s24, $0xb8;
	[tilespmem:$0x1E800] =	vst v63  }
0x86: {  	_ =	swait.ge [sflag:s23], $0x4000  }
0x87: {  	[sflag:s23] =	ssyncset.done $0x0  }
0x88: {  	s12 =	simm.s32 $0x2780;
	[sflag:s23] =	ssyncadd.s32 $0xFFFFC000  }
0x89: {  	[tilespmem:s25], [sflag:$0x2] =	stream.indirect.gather [hbm4b:s4+s24], $0x80, s12, s24, $0xb8;
	[tilespmem:$0x1E800] =	vst v63  }
0x8a: {  	s31 =	rddreg [dreg:$0x5]  }
0x8b: {  	[tilespmem:s26], [sflag:$0x3] =	stream.linear.gather [hbm4b:s31+s3], $0x80, $0x38;
	[tilespmem:$0x1E800] =	vst v63  }
0x8c: {  	_ =	swait.ge [sflag:s23], $0x80  }
0x8d: {  	[sflag:s23] =	ssyncset.done $0x0  }
0x8e: {  	[sflag:s23] =	ssyncadd.s32 $0xFFFFFF80  }
0x8f: {  	_ =	swait.ge [sflag:s28], $0x4000  }
0x90: {  	[sflag:s28] =	ssyncset.done $0x0  }
0x91: {  	[sflag:s28] =	ssyncadd.s32 $0xFFFFC000  }
0x92: {  	[spmem:s2] =	stream.indirect.scatter.add.f32 [tilespmem:s22], [sflag:$0x3], $0x80, s26, s24, $0xb8;
	[tilespmem:$0x1E800] =	vst v63  }
0x93: {  	_ =	swait.ge [sflag:s23], $0x4000  }
0x94: {  	[sflag:s23] =	ssyncset.done $0x0  }
0x95: {  	[sflag:s23] =	ssyncadd.s32 $0xFFFFC000  }
0x96: {  	[tilespmem:s29], [sflag:$0x3] =	stream.linear.gather [hbm4b:s13+s3], $0x80, $0x38;
	[tilespmem:$0x1E800] =	vst v63  }
0x97: {  	_ =	swait.ge [sflag:s23], $0x80  }
0x98: {  	[sflag:s23] =	ssyncset.done $0x0  }
0x99: {  	[sflag:s23] =	ssyncadd.s32 $0xFFFFFF80  }
0x9a: {  	_ =	swait.ge [sflag:s30], $0x4000  }
0x9b: {  	[sflag:s30] =	ssyncset.done $0x0  }
0x9c: {  	[sflag:s30] =	ssyncadd.s32 $0xFFFFC000  }
0x9d: {  	[spmem:s2] =	stream.indirect.scatter.add.f32 [tilespmem:s25], [sflag:$0x3], $0x80, s29, s24, $0xb8;
	[tilespmem:$0x1E800] =	vst v63  }
0x9e: {  	_ =	swait.ge [sflag:s23], $0x4000  }
0x9f: {  	[sflag:s23] =	ssyncset.done $0x0  }
0xa0: {  	[sflag:s23] =	ssyncadd.s32 $0xFFFFC000  }
0xa1: {  	[bflag:$0x0] =	sbarrier.arrive $0xFFFF  }
0xa2: {  	[tilespmem:s22], [sflag:$0x3] =	stream.linear.gather [spmem:s6], $0x4000, $0x38;
	[tilespmem:$0x1E800] =	vst v63  }
0xa3: {  	_ =	swait.ge [sflag:s23], $0x4000  }
0xa4: {  	[sflag:s23] =	ssyncset.done $0x0  }
0xa5: {  	[sflag:s23] =	ssyncadd.s32 $0xFFFFC000  }
0xa6: {  	[hbm4b:s14+s3] =	stream.linear.scatter [tilespmem:s22], [sflag:$0x3], $0x4000, $0x38;
	[tilespmem:$0x1E800] =	vst v63  }
0xa7: {  	_ =	swait.ge [sflag:s23], $0x4000  }
0xa8: {  	[sflag:s23] =	ssyncset.done $0x0  }
0xa9: {  	[sflag:s23] =	ssyncadd.s32 $0xFFFFC000  }
0xaa: {  	[tilespmem:s22], [sflag:$0x3] =	stream.linear.gather [spmem:s7], $0x4000, $0x38;
	[tilespmem:$0x1E800] =	vst v63  }
0xab: {  	_ =	swait.ge [sflag:s23], $0x4000  }
0xac: {  	[sflag:s23] =	ssyncset.done $0x0  }
0xad: {  	[sflag:s23] =	ssyncadd.s32 $0xFFFFC000  }
0xae: {  	[hbm4b:s15+s3] =	stream.linear.scatter [tilespmem:s22], [sflag:$0x3], $0x4000, $0x38;
	[tilespmem:$0x1E800] =	vst v63  }
0xaf: {  	_ =	swait.ge [sflag:s23], $0x4000  }
0xb0: {  	[sflag:s23] =	ssyncset.done $0x0  }
0xb1: {  	[sflag:s23] =	ssyncadd.s32 $0xFFFFC000  }
0xb2: {  	[tilespmem:s22], [sflag:$0x3] =	stream.linear.gather [spmem:s8], $0x4000, $0x38;
	[tilespmem:$0x1E800] =	vst v63  }
0xb3: {  	_ =	swait.ge [sflag:s23], $0x4000  }
0xb4: {  	[sflag:s23] =	ssyncset.done $0x0  }
0xb5: {  	[sflag:s23] =	ssyncadd.s32 $0xFFFFC000  }
0xb6: {  	[hbm4b:s16+s3] =	stream.linear.scatter [tilespmem:s22], [sflag:$0x3], $0x4000, $0x38;
	[tilespmem:$0x1E800] =	vst v63  }
0xb7: {  	_ =	swait.ge [sflag:s23], $0x4000  }
0xb8: {  	[sflag:s23] =	ssyncset.done $0x0  }
0xb9: {  	[sflag:s23] =	ssyncadd.s32 $0xFFFFC000  }
0xba: {  	[tilespmem:s22], [sflag:$0x3] =	stream.linear.gather [spmem:s9], $0x4000, $0x38;
	[tilespmem:$0x1E800] =	vst v63  }
0xbb: {  	_ =	swait.ge [sflag:s23], $0x4000  }
0xbc: {  	[sflag:s23] =	ssyncset.done $0x0  }
0xbd: {  	[sflag:s23] =	ssyncadd.s32 $0xFFFFC000  }
0xbe: {  	[hbm4b:s17+s3] =	stream.linear.scatter [tilespmem:s22], [sflag:$0x3], $0x4000, $0x38;
	[tilespmem:$0x1E800] =	vst v63  }
0xbf: {  	_ =	swait.ge [sflag:s23], $0x4000  }
0xc0: {  	[sflag:s23] =	ssyncset.done $0x0  }
0xc1: {  	[sflag:s23] =	ssyncadd.s32 $0xFFFFC000  }
0xc2: {  	[tilespmem:s22], [sflag:$0x3] =	stream.linear.gather [spmem:s10], $0x3C00, $0x38;
	[tilespmem:$0x1E800] =	vst v63  }
0xc3: {  	s0 =	sadd.s32 $0x1, s0;
	_ =	swait.ge [sflag:s23], $0x3C00  }
0xc4: {  	p0 =	sne.s32 s0, s19;
	[sflag:s23] =	ssyncset.done $0x0  }
.Ltmp1:
0xc5: {  	[sflag:s23] =	ssyncadd.s32 $0xFFFFC400;
	(pc) =	sbr.rel @p0 .LBB2_1-.Ltmp1, $4  }
0xc6: {  	[hbm4b:s18+s3] =	stream.linear.scatter [tilespmem:s22], [sflag:$0x3], $0x3C00, $0x38;
	[tilespmem:$0x1E800] =	vst v63  }
0xc7: {  	_ =	swait.ge [sflag:s23], $0x3C00  }
0xc8: {  	[sflag:s23] =	ssyncset.done $0x0  }
0xc9: {  	[sflag:s23] =	ssyncadd.s32 $0xFFFFC400  }
0xca: {  	_ =	sfence.sel $0x180000  }
0xcb: {  	[bflag:$0x0] =	sbarrier.arrive $0xFFFF  }
0xcc: {  	_ =	strace $0x9000004D  }
0xcd: {  	s0 =	stileid.u32;
	[bflag:$0x2] =	sbarrier.arrive $0xFFFF  }
0xce: {  	p0 =	sne.s32 s0, $0x0;
	s0 =	rddreg [dreg:$0x2]  }
0xcf: {  	s0 =	sadd.s32 @!p0 $0x100000, s0  }
0xd0: {  	[sflag:s0] =	ssyncadd.tile.s32 @!p0 $0x1;
	_ =	shalt  }
.Lfunc_end2:
_tile_overlayer_lowered:
.L_overlay_start_2:
0xd1: {  	(tag) =	ssettag $0x2  }
0xd2: {  	s0 =	rddreg [dreg:$0x0];
	s2 =	stileid.u32  }
0xd3: {  	s1 =	rddreg [dreg:$0x1];
	p0 =	sne.s32 s2, $0x0  }
0xd4: {  	s3 =	rddreg [dreg:$0x2];
	[bflag:$0x3] =	sbarrier.arrive $0xFFFF;
	s2 =	simm.s32 @!p0 $0x1C03  }
0xd5: {  	[timem:s3], [sflag:s2] =	dma.local @!p0 [hbm:s0], s1  }
0xd6: {  	s0 =	simm.s32 @!p0 $0x3  }
0xd7: {  	_ =	swait.ge @!p0 [sflag:s0], s1  }
0xd8: {  	s1 =	ssub.s32 @!p0 $0x0, s1;
	[sflag:s0] =	ssyncset.done @!p0 $0x0  }
0xd9: {  	[sflag:s0] =	ssyncadd.s32 @!p0 s1  }
0xda: {  	[bflag:$0x3] =	sbarrier.arrive $0xFFFF  }
0xdb: {  	_ =	shalt  }

// kernel: kernel.8.cloned.1.call-start
scs
__scs_entry_jumppad:
0x0: {  	(pc) =	sbr.rel $0x88, $3  }
0x1: {  	(tag) =	ssettag $0x0;
	lr =	simm.s32 $0x1  }
0x2: {  	[smem:$0x3F93] =	sst lr;
	_ =	strace $0xD0000000  }
0x3: {  	_ = 	snop  }
0x4: {  	_ = 	snop  }
0x5: {  	_ = 	snop  }
0x6: {  	_ = 	snop  }
0x7: {  	_ = 	snop  }
__scs_overlays_trampoline_lowered:
0x8: {  	[smem:$0x3FA2] =	sst s0  }
0x9: {  	[smem:$0x3FA3] =	sst s1  }
0xa: {  	[smem:$0x3FA4] =	sst s2  }
0xb: {  	[smem:$0x3FA5] =	sst s3  }
0xc: {  	[smem:$0x3FA6] =	sst s4  }
0xd: {  	[smem:$0x3FA7] =	sst s5  }
0xe: {  	[smem:$0x3FA8] =	sst s6  }
0xf: {  	[smem:$0x3FA9] =	sst s7  }
0x10: {  	[smem:$0x3FAA] =	sst s8  }
0x11: {  	[smem:$0x3FAB] =	sst s9;
	s0 =	simm.s32 @!p0 $0x0  }
0x12: {  	s1 =	sld [smem:$0x3F91];
	s0 =	simm.s32 @p0 $0x1  }
0x13: {  	[smem:$0x3FAC] =	sst s0;
	s0 =	simm.s32 @!p1 $0x0  }
0x14: {  	s2 =	sld [smem:$0x3F90];
	s0 =	simm.s32 @p1 $0x1  }
0x15: {  	[smem:$0x3FAD] =	sst s0;
	s0 =	simm.s32 @!p2 $0x0  }
0x16: {  	s3 =	sld [smem:$0x3FDB];
	s0 =	simm.s32 @p2 $0x1  }
0x17: {  	s4 =	simm.s32 $0x1BF5;
	[smem:$0x3FAF] =	sst s0  }
0x18: {  	s0 =	sld [smem:$0x3F92];
	_ =	swait.ge [sflag:s4], $0x0  }
0x19: {  	s7 =	sld [smem:$0x3F93]  }
0x1a: {  	s8 =	sadd.s32 $0xFFFFE003, lr  }
0x1b: {  	s9 =	sadd.s32 $0xFFFFFEF7, lr;
	s5 =	simm.s32 $0xFFFFFFFF;
	p2 =	slt.u32 s8, $0xFFFFF086  }
0x1c: {  	p1 =	slt.u32 s9, $0xF7A;
	s5 =	simm.s32 @!p2 $0x0  }
0x1d: {  	s5 =	simm.s32 @p1 $0x1;
	p0 =	seq.s32 s7, s2  }
0x1e: {  	s7 =	smul.u32 @!p0 $0xF7A, s2;
	p2 =	seq.s32 @!p0 s5, $0x0  }
0x1f: {  	s9 =	smul.u32 $0xF7A, s1;
	s8 =	simm.s32 @!p0 $0x1BF5;
	p2 =	por !p2, p0  }
0x20: {  	[sflag:s8] =	ssyncset.s32 @!p0 $0xFFFFF086;
	s6 =	sadd.s32 @!p0 s3, s7;
	s7 =	simm.s32 @!p0 $0x108  }
0x21: {  	s3 =	sadd.s32 s3, s9;
	s6 =	sadd.s32 @!p0 $0x88, s6;
	s7 =	simm.s32 @p2 $0x1082  }
0x22: {  	[simem:s7], [sflag:s8] =	dma.local @!p0 [hbm:s6], $0xF7A  }
0x23: {  	s9 =	sor.u32 $0xD0000000, s2;
	s6 =	simm.s32 $0x108;
	_ =	swait.ge @!p0 [sflag:s8], $0x0  }
0x24: {  	s3 =	sadd.s32 $0x88, s3;
	s6 =	simm.s32 @!p1 $0x1082;
	[sflag:s4] =	ssyncset.s32 $0xFFFFF086  }
0x25: {  	[simem:s6], [sflag:s4] =	dma.local [hbm:s3], $0xF7A  }
0x26: {  	[smem:$0x3F93] =	sst s1;
	(tag) =	ssettag s2;
	_ =	strace s9  }
0x27: {  	s1 =	sld [smem:$0x3FA3]  }
0x28: {  	s2 =	sld [smem:$0x3FA4]  }
0x29: {  	s4 =	sld [smem:$0x3FA6]  }
0x2a: {  	p0 =	seq.s32 s5, $0x0;
	s5 =	sld [smem:$0x3FA7]  }
0x2b: {  	s6 =	sld [smem:$0x3FA8]  }
0x2c: {  	s7 =	sld [smem:$0x3FA9]  }
0x2d: {  	s3 =	simm.s32 $0x108;
	s8 =	sld [smem:$0x3FAA]  }
0x2e: {  	s3 =	simm.s32 @!p0 $0x1082;
	s9 =	sld [smem:$0x3FAB]  }
0x2f: {  	lr =	sadd.s32 s0, s3;
	s0 =	sld [smem:$0x3FA2]  }
0x30: {  	s3 =	sld [smem:$0x3FA5]  }
0x31: {  	[smem:$0x3FAE] =	sst s10  }
0x32: {  	s10 =	sld [smem:$0x3FAC];
	_ =	sdelay $0x3  }
0x33: {  	p0 =	seq.s32 s10, $0x1;
	s10 =	sld [smem:$0x3FAE];
	_ =	sdelay $0x3  }
0x34: {  	[smem:$0x3FAE] =	sst s10  }
0x35: {  	s10 =	sld [smem:$0x3FAD];
	_ =	sdelay $0x3  }
0x36: {  	p1 =	seq.s32 s10, $0x1;
	s10 =	sld [smem:$0x3FAE];
	_ =	sdelay $0x3  }
0x37: {  	[smem:$0x3FAE] =	sst s10  }
0x38: {  	s10 =	sld [smem:$0x3FAF]  }
0x39: {  	_ = 	snop;
	(pc) =	sbr.ind lr, $3  }
0x3a: {  	_ = 	snop  }
0x3b: {  	_ = 	snop  }
0x3c: {  	p2 =	seq.s32 s10, $0x1;
	s10 =	sld [smem:$0x3FAE]  }
0x3d: {  	_ =	shalt  }
0x3e: {  	_ =	shalt  }
0x3f: {  	_ =	shalt  }
0x40: {  	_ =	shalt  }
0x41: {  	_ =	shalt  }
0x42: {  	_ =	shalt  }
0x43: {  	_ =	shalt  }
0x44: {  	_ =	shalt  }
0x45: {  	_ =	shalt  }
0x46: {  	_ =	shalt  }
0x47: {  	_ =	shalt  }
0x48: {  	_ =	shalt  }
0x49: {  	_ =	shalt  }
0x4a: {  	_ =	shalt  }
0x4b: {  	_ =	shalt  }
0x4c: {  	_ =	shalt  }
0x4d: {  	_ =	shalt  }
0x4e: {  	_ =	shalt  }
0x4f: {  	_ =	shalt  }
0x50: {  	_ =	shalt  }
0x51: {  	_ =	shalt  }
0x52: {  	_ =	shalt  }
0x53: {  	_ =	shalt  }
0x54: {  	_ =	shalt  }
0x55: {  	_ =	shalt  }
0x56: {  	_ =	shalt  }
0x57: {  	_ =	shalt  }
0x58: {  	_ =	shalt  }
0x59: {  	_ =	shalt  }
0x5a: {  	_ =	shalt  }
0x5b: {  	_ =	shalt  }
0x5c: {  	_ =	shalt  }
0x5d: {  	_ =	shalt  }
0x5e: {  	_ =	shalt  }
0x5f: {  	_ =	shalt  }
0x60: {  	_ =	shalt  }
0x61: {  	_ =	shalt  }
0x62: {  	_ =	shalt  }
0x63: {  	_ =	shalt  }
0x64: {  	_ =	shalt  }
0x65: {  	_ =	shalt  }
0x66: {  	_ =	shalt  }
0x67: {  	_ =	shalt  }
0x68: {  	_ =	shalt  }
0x69: {  	_ =	shalt  }
0x6a: {  	_ =	shalt  }
0x6b: {  	_ =	shalt  }
0x6c: {  	_ =	shalt  }
0x6d: {  	_ =	shalt  }
0x6e: {  	_ =	shalt  }
0x6f: {  	_ =	shalt  }
0x70: {  	_ =	shalt  }
0x71: {  	_ =	shalt  }
0x72: {  	_ =	shalt  }
0x73: {  	_ =	shalt  }
0x74: {  	_ =	shalt  }
0x75: {  	_ =	shalt  }
0x76: {  	_ =	shalt  }
0x77: {  	_ =	shalt  }
0x78: {  	_ =	shalt  }
0x79: {  	_ =	shalt  }
0x7a: {  	_ =	shalt  }
0x7b: {  	_ =	shalt  }
0x7c: {  	_ =	shalt  }
0x7d: {  	_ =	shalt  }
0x7e: {  	_ =	shalt  }
0x7f: {  	_ =	shalt  }
0x80: {  	_ =	shalt  }
0x81: {  	_ =	shalt  }
0x82: {  	_ =	shalt  }
0x83: {  	_ =	shalt  }
0x84: {  	_ =	shalt  }
0x85: {  	_ =	shalt  }
0x86: {  	_ =	shalt  }
0x87: {  	_ =	shalt  }
.Lfunc_end0:
.L_simem_size_0:
called_computation_lowered:
.L_overlay_start_0:
0x88: {  	s2 =	sld [smem:$0x3FD9]  }
0x89: {  	s3 =	sld [smem:$0x3FFE];
	_ =	sdelay $0x1  }
0x8a: {  	s1 =	srdreg.scid  }
0x8b: {  	s0 =	sand.u32 $0x1, s1  }
0x8c: {  	s16 =	sshll.u32 s0, $0xA;
	s2 =	sadd.s32 s3, s2  }
0x8d: {  	s2 =	sadd.s32 s2, s16  }
0x8e: {  	[smem:$0x3FBA] =	sst s2  }
0x8f: {  	_ = 	snop  }
0x90: {  	(tm) =	ssettm $0x1  }
0x91: {  	s17 =	sld [smem:$0x3FFB];
	_ =	sdelay $0x3  }
0x92: {  	_ =	strace s17  }
0x93: {  	s2 =	sld [smem:$0x3FFC];
	_ =	sdelay $0x3  }
0x94: {  	_ =	strace s2  }
0x95: {  	s2 =	sld [smem:$0x3FFD];
	_ =	sdelay $0x3  }
0x96: {  	_ =	strace s2  }
0x97: {  	_ =	strace $0x8FFFFFFF  }
0x98: {  	s18 =	sld [smem:$0x3FDB];
	_ =	sdelay $0x1  }
0x99: {  	s19 =	simm.s32 $_scs_section_size  }
0x9a: {  	s4 =	simm.s32 $_size__tile_overlayer_lowered;
	s5 =	simm.s32 $_tile_overlayer_lowered  }
0x9b: {  	s22 =	simm.s32 $0x1BFF;
	s21 =	sshll.u32 s5, $0x1;
	s2 =	sadd.s32 s19, s18  }
0x9c: {  	s6 =	simm.s32 $0x0;
	s20 =	sshll.u32 s4, $0x1;
	s4 =	sadd.s32 s21, s2  }
0x9d: {  	[timem:s6], [sflag:s22] =	dma.local [hbm:s4], s20  }
0x9e: {  	_ =	swait.ge [sflag:s22], s20  }
0x9f: {  	s3 =	ssub.s32 $0x0, s20;
	[sflag:s22] =	ssyncset.done $0x0  }
0xa0: {  	[sflag:s22] =	ssyncadd.s32 s3;
	_ =	sdelay $0x1  }
0xa1: {  	s23 =	simm.s32 $0x1B8B  }
0xa2: {  	_ =	swait.ge [sflag:s23], $0x1  }
0xa3: {  	[sflag:s23] =	ssyncset.done $0x0  }
0xa4: {  	s25 =	simm.s32 $0x1B8E;
	s24 =	sld [smem:$0x3FFE];
	[sflag:s23] =	ssyncadd.s32 $0xFFFFFFFF  }
0xa5: {  	s26 =	simm.s32 $execute0_lowered;
	[smem:$0x3FD2] =	sst s25  }
0xa6: {  	s4 =	sshll.u32 s26, $0x1;
	_ =	strace $0x80000046;
	[dreg:$0x1] =	wrdreg $0xFFFFFFFF  }
0xa7: {  	s28 =	simm.s32 $_size_execute0_lowered;
	s2 =	sadd.s32 s2, s4;
	[dreg:$0x0] =	wrdreg $0x0  }
0xa8: {  	s4 =	sshll.u32 s28, $0x1;
	[dreg:$0x2] =	wrdreg s2  }
0xa9: {  	[dreg:$0x3] =	wrdreg s4  }
0xaa: {  	[dreg:$0x4] =	wrdreg $0xC0  }
0xab: {  	_ =	task [dreg:s6], $0x5FFFF  }
0xac: {  	[dreg:$0x1] =	wrdreg $0xFFFFFFFF  }
0xad: {  	[dreg:$0x0] =	wrdreg $0x60  }
0xae: {  	[dreg:$0x2] =	wrdreg s24  }
0xaf: {  	[dreg:$0x3] =	wrdreg $0x68000  }
0xb0: {  	[dreg:$0x4] =	wrdreg $0x9  }
0xb1: {  	_ =	task.clear_ibuf [dreg:s6], $0x5FFFF;
	_ =	strace $0x90000046  }
0xb2: {  	s29 =	simm.s32 $0x9;
	_ =	strace $0x80000048  }
0xb3: {  	_ =	swait.ge [sflag:s29], $0x1  }
0xb4: {  	[sflag:s29] =	ssyncadd.s32 $0xFFFFFFFF  }
0xb5: {  	_ =	strace $0x90000048  }
0xb6: {  	_ =	sfence  }
0xb7: {  	s30 =	sld [smem:$0x0];
	_ =	sdelay $0x2  }
0xb8: {  	s31 =	sshll.u32 s1, $0xD;
	s1 =	sshrl.u32 s1, $0x2  }
0xb9: {  	s3 =	sand.u32 $0x4000, s31;
	s1 =	sadd.s32 s1, s30  }
0xba: {  	s0 =	sor.u32 s3, s0;
	s1 =	sshll.u32 s1, $0x11  }
0xbb: {  	s0 =	sor.u32 s1, s0  }
0xbc: {  	s0 =	sadd.s32 $0x8F2B, s0  }
0xbd: {  	[sflag:s0] =	ssyncadd.remote.s32 $0x1  }
0xbe: {  	_ =	sfence.sel $0xFFFF  }
0xbf: {  	[dreg:$0x0] =	wrdreg $0xFFFFFFFF;
	(pc) =	sbr.abs _section_cstart, $3  }
0xc0: {  	[dreg:$0x1] =	wrdreg $0xFFFFFFFF  }
0xc1: {  	_ =	task.clear_ibuf [dreg:s6], $0x2FFFF;
	_ =	strace $0x9FFFFFFF  }
0xc2: {  	(tm) =	ssettm $0x7FFFFFFF  }
0xc3: {  	_ =	shalt  }
tec
execute0_lowered:
.L_overlay_start_1:
0x0: {  	(tag) =	ssettag $0x1  }
0x1: {  	s0 =	srdreg.scid;
	s6 =	rddreg [dreg:$0x0]  }
0x2: {  	s2 =	rddreg [dreg:$0x1];
	s3 =	simm.s32 $0x0;
	s20 =	simm.s32 $0x80  }
0x3: {  	s21 =	simm.s32 $0x0;
	s7 =	sand.u32 $0x1, s0;
	s0 =	stileid.u32  }
0x4: {  	[smem:$0x7FF] =	sst s3;
	s5 =	sadd.s32 $0x17000, s6;
	s8 =	smul.u32 $0x4F000, s0  }
0x5: {  	s16 =	sadd.s32 $0x18000, s6;
	s1 =	sshll.u32 s7, $0x4;
	s12 =	smul.u32 $0x13C00, s0  }
0x6: {  	s9 =	ssub.s32 $0x2, s7;
	s15 =	smul.u32 $0x13C000, s7;
	s4 =	sor.u32 s0, s1  }
0x7: {  	s1 =	rddreg [dreg:$0x2];
	_ =	strace $0x80000047;
	s10 =	sshrl.u32 s9, $0x1  }
0x8: {  	s4 =	smul.u32 $0x500, s4;
	s8 =	sshrl.u32 s8, $0x2;
	s17 =	ssub.s32 s9, s10  }
0x9: {  	s13 =	sadd.s32 $0x4000, s12;
	s14 =	sadd.s32 $0x8000, s12;
	s18 =	sadd.s32 $0xC000, s12  }
0xa: {  	s19 =	sadd.s32 $0x10000, s12;
	s12 =	sadd.s32 s12, s15;
	s7 =	sadd.s32 s13, s2  }
0xb: {  	s9 =	sadd.s32 s18, s2;
	s10 =	sadd.s32 s19, s2;
	s12 =	sshrl.u32 s12, $0x3  }
0xc: {  	s13 =	sadd.s32 s15, s13;
	s18 =	sadd.s32 s15, s18;
	s19 =	sadd.s32 s15, s19  }
0xd: {  	s17 =	smax.u32 s17, $0x1;
	s11 =	sadd.s32 s4, s6;
	s4 =	sadd.s32 $0x17800, s6  }
0xe: {  	s6 =	sadd.s32 s8, s2;
	s8 =	sadd.s32 s14, s2;
	s12 =	sadd.s32 s16, s12  }
0xf: {  	s13 =	sshrl.u32 s13, $0x3;
	s14 =	sadd.s32 s15, s14;
	s18 =	sshrl.u32 s18, $0x3  }
0x10: {  	s31 =	sshrl.u32 s19, $0x3;
	s19 =	simm.s32 $0x1;
	s11 =	sadd.s32 $0xD000, s11  }
0x11: {  	s13 =	sadd.s32 s16, s13;
	s14 =	sshrl.u32 s14, $0x3;
	s15 =	sadd.s32 s16, s18  }
0x12: {  	s18 =	simm.s32 $0x2800;
	s14 =	sadd.s32 s16, s14;
	s16 =	sadd.s32 s16, s31  }
.LBB2_1:
0x13: {  	[tilespmem:s18], [sflag:$0x1] =	stream.linear.gather [hbm4b:s5+s3], $0x4000, $0x38;
	[tilespmem:$0x1A400] =	vst v63  }
0x14: {  	_ =	swait.ge [sflag:s19], $0x4000  }
0x15: {  	[sflag:s19] =	ssyncset.done $0x0  }
0x16: {  	[sflag:s19] =	ssyncadd.s32 $0xFFFFC000  }
0x17: {  	[spmem:s6] =	stream.linear.scatter [tilespmem:s18], [sflag:$0x1], $0x4000, $0x38;
	[tilespmem:$0x1A400] =	vst v63  }
0x18: {  	_ =	swait.ge [sflag:s19], $0x4000  }
0x19: {  	[sflag:s19] =	ssyncset.done $0x0  }
0x1a: {  	[sflag:s19] =	ssyncadd.s32 $0xFFFFC000  }
0x1b: {  	[spmem:s7] =	stream.linear.scatter [tilespmem:s18], [sflag:$0x1], $0x4000, $0x38;
	[tilespmem:$0x1A400] =	vst v63  }
0x1c: {  	_ =	swait.ge [sflag:s19], $0x4000  }
0x1d: {  	[sflag:s19] =	ssyncset.done $0x0  }
0x1e: {  	[sflag:s19] =	ssyncadd.s32 $0xFFFFC000  }
0x1f: {  	[spmem:s8] =	stream.linear.scatter [tilespmem:s18], [sflag:$0x1], $0x4000, $0x38;
	[tilespmem:$0x1A400] =	vst v63  }
0x20: {  	_ =	swait.ge [sflag:s19], $0x4000  }
0x21: {  	[sflag:s19] =	ssyncset.done $0x0  }
0x22: {  	[sflag:s19] =	ssyncadd.s32 $0xFFFFC000  }
0x23: {  	[spmem:s9] =	stream.linear.scatter [tilespmem:s18], [sflag:$0x1], $0x4000, $0x38;
	[tilespmem:$0x1A400] =	vst v63  }
0x24: {  	_ =	swait.ge [sflag:s19], $0x4000  }
0x25: {  	[sflag:s19] =	ssyncset.done $0x0  }
0x26: {  	[sflag:s19] =	ssyncadd.s32 $0xFFFFC000  }
0x27: {  	[spmem:s10] =	stream.linear.scatter [tilespmem:s18], [sflag:$0x1], $0x3C00, $0x38;
	[tilespmem:$0x1A400] =	vst v63  }
0x28: {  	_ =	swait.ge [sflag:s19], $0x3C00  }
0x29: {  	[sflag:s19] =	ssyncset.done $0x0  }
0x2a: {  	[sflag:s19] =	ssyncadd.s32 $0xFFFFC400  }
0x2b: {  	[tilespmem:s18], [sflag:$0x1] =	stream.linear.gather [hbm4b:s4+s3], $0x4000, $0x38;
	[tilespmem:$0x1A400] =	vst v63  }
0x2c: {  	_ =	swait.ge [sflag:s19], $0x4000  }
0x2d: {  	[sflag:s19] =	ssyncset.done $0x0  }
0x2e: {  	[sflag:s19] =	ssyncadd.s32 $0xFFFFC000  }
0x2f: {  	[tilespmem:s3], [sflag:$0x1] =	stream.linear.gather [hbm4b:s11+s3], $0x2800, $0x38;
	[tilespmem:$0x1A400] =	vst v63  }
0x30: {  	_ =	swait.ge [sflag:s19], $0x2800  }
0x31: {  	[sflag:s19] =	ssyncset.done $0x0  }
0x32: {  	[sflag:s19] =	ssyncadd.s32 $0xFFFFD800  }
0x33: {  	s22 =	simm.s32 $0x0;
	[bflag:$0x0] =	sbarrier.arrive $0xFFFF  }
0x34: {  	[spmem:s2] =	stream.indirect.scatter.add.f32 [tilespmem:s18], [sflag:$0x1], $0x80, s22, s20, $0xb8;
	[tilespmem:$0x1A400] =	vst v63  }
0x35: {  	_ =	swait.ge [sflag:s19], $0x4000  }
0x36: {  	s22 =	simm.s32 $0x200;
	[sflag:s19] =	ssyncset.done $0x0  }
.LBB2_2:
0x37: {  	s23 =	sshra.s32 s22, $0x2;
	[sflag:s19] =	ssyncadd.s32 $0xFFFFC000;
	p0 =	sne.s32 s22, $0x9E00  }
0x38: {  	[spmem:s2] =	stream.indirect.scatter.add.f32 [tilespmem:s18], [sflag:$0x1], $0x80, s23, s20, $0xb8;
	[tilespmem:$0x1A400] =	vst v63  }
.Ltmp0:
0x39: {  	_ = 	snop;
	(pc) =	sbr.rel @p0 .LBB2_2-.Ltmp0, $4  }
0x3a: {  	_ = 	snop  }
0x3b: {  	s22 =	sadd.s32 $0x200, s22  }
0x3c: {  	_ =	swait.ge [sflag:s19], $0x4000  }
0x3d: {  	[sflag:s19] =	ssyncset.done $0x0  }
0x3e: {  	[sflag:s19] =	ssyncadd.s32 $0xFFFFC000  }
0x3f: {  	[bflag:$0x0] =	sbarrier.arrive $0xFFFF  }
0x40: {  	[tilespmem:s18], [sflag:$0x1] =	stream.linear.gather [spmem:s6], $0x4000, $0x38;
	[tilespmem:$0x1A400] =	vst v63  }
0x41: {  	_ =	swait.ge [sflag:s19], $0x4000  }
0x42: {  	[sflag:s19] =	ssyncset.done $0x0  }
0x43: {  	[sflag:s19] =	ssyncadd.s32 $0xFFFFC000  }
0x44: {  	[hbm4b:s12+s3] =	stream.linear.scatter [tilespmem:s18], [sflag:$0x1], $0x4000, $0x38;
	[tilespmem:$0x1A400] =	vst v63  }
0x45: {  	_ =	swait.ge [sflag:s19], $0x4000  }
0x46: {  	[sflag:s19] =	ssyncset.done $0x0  }
0x47: {  	[sflag:s19] =	ssyncadd.s32 $0xFFFFC000  }
0x48: {  	[tilespmem:s18], [sflag:$0x1] =	stream.linear.gather [spmem:s7], $0x4000, $0x38;
	[tilespmem:$0x1A400] =	vst v63  }
0x49: {  	_ =	swait.ge [sflag:s19], $0x4000  }
0x4a: {  	[sflag:s19] =	ssyncset.done $0x0  }
0x4b: {  	[sflag:s19] =	ssyncadd.s32 $0xFFFFC000  }
0x4c: {  	[hbm4b:s13+s3] =	stream.linear.scatter [tilespmem:s18], [sflag:$0x1], $0x4000, $0x38;
	[tilespmem:$0x1A400] =	vst v63  }
0x4d: {  	_ =	swait.ge [sflag:s19], $0x4000  }
0x4e: {  	[sflag:s19] =	ssyncset.done $0x0  }
0x4f: {  	[sflag:s19] =	ssyncadd.s32 $0xFFFFC000  }
0x50: {  	[tilespmem:s18], [sflag:$0x1] =	stream.linear.gather [spmem:s8], $0x4000, $0x38;
	[tilespmem:$0x1A400] =	vst v63  }
0x51: {  	_ =	swait.ge [sflag:s19], $0x4000  }
0x52: {  	[sflag:s19] =	ssyncset.done $0x0  }
0x53: {  	[sflag:s19] =	ssyncadd.s32 $0xFFFFC000  }
0x54: {  	[hbm4b:s14+s3] =	stream.linear.scatter [tilespmem:s18], [sflag:$0x1], $0x4000, $0x38;
	[tilespmem:$0x1A400] =	vst v63  }
0x55: {  	_ =	swait.ge [sflag:s19], $0x4000  }
0x56: {  	[sflag:s19] =	ssyncset.done $0x0  }
0x57: {  	[sflag:s19] =	ssyncadd.s32 $0xFFFFC000  }
0x58: {  	[tilespmem:s18], [sflag:$0x1] =	stream.linear.gather [spmem:s9], $0x4000, $0x38;
	[tilespmem:$0x1A400] =	vst v63  }
0x59: {  	_ =	swait.ge [sflag:s19], $0x4000  }
0x5a: {  	[sflag:s19] =	ssyncset.done $0x0  }
0x5b: {  	[sflag:s19] =	ssyncadd.s32 $0xFFFFC000  }
0x5c: {  	[hbm4b:s15+s3] =	stream.linear.scatter [tilespmem:s18], [sflag:$0x1], $0x4000, $0x38;
	[tilespmem:$0x1A400] =	vst v63  }
0x5d: {  	_ =	swait.ge [sflag:s19], $0x4000  }
0x5e: {  	[sflag:s19] =	ssyncset.done $0x0  }
0x5f: {  	[sflag:s19] =	ssyncadd.s32 $0xFFFFC000  }
0x60: {  	[tilespmem:s18], [sflag:$0x1] =	stream.linear.gather [spmem:s10], $0x3C00, $0x38;
	[tilespmem:$0x1A400] =	vst v63  }
0x61: {  	s21 =	sadd.s32 $0x1, s21;
	_ =	swait.ge [sflag:s19], $0x3C00  }
0x62: {  	p0 =	sne.s32 s21, s17;
	[sflag:s19] =	ssyncset.done $0x0  }
.Ltmp1:
0x63: {  	[sflag:s19] =	ssyncadd.s32 $0xFFFFC400;
	(pc) =	sbr.rel @p0 .LBB2_1-.Ltmp1, $4  }
0x64: {  	[hbm4b:s16+s3] =	stream.linear.scatter [tilespmem:s18], [sflag:$0x1], $0x3C00, $0x38;
	[tilespmem:$0x1A400] =	vst v63  }
0x65: {  	_ =	swait.ge [sflag:s19], $0x3C00  }
0x66: {  	[sflag:s19] =	ssyncset.done $0x0  }
0x67: {  	[sflag:s19] =	ssyncadd.s32 $0xFFFFC400  }
0x68: {  	_ =	sfence.sel $0x180000  }
0x69: {  	[bflag:$0x0] =	sbarrier.arrive $0xFFFF  }
0x6a: {  	p0 =	sne.s32 s0, $0x0;
	_ =	strace $0x90000047  }
0x6b: {  	s0 =	sadd.s32 @!p0 $0x100000, s1;
	[bflag:$0x2] =	sbarrier.arrive $0xFFFF  }
0x6c: {  	[sflag:s0] =	ssyncadd.tile.s32 @!p0 $0x1;
	_ =	shalt  }
.Lfunc_end2:
_tile_overlayer_lowered:
.L_overlay_start_2:
0x6d: {  	(tag) =	ssettag $0x2  }
0x6e: {  	s0 =	rddreg [dreg:$0x0];
	s2 =	stileid.u32  }
0x6f: {  	s1 =	rddreg [dreg:$0x1];
	p0 =	sne.s32 s2, $0x0  }
0x70: {  	s3 =	rddreg [dreg:$0x2];
	[bflag:$0x3] =	sbarrier.arrive $0xFFFF;
	s2 =	simm.s32 @!p0 $0x1C01  }
0x71: {  	[timem:s3], [sflag:s2] =	dma.local @!p0 [hbm:s0], s1  }
0x72: {  	s0 =	simm.s32 @!p0 $0x1  }
0x73: {  	_ =	swait.ge @!p0 [sflag:s0], s1  }
0x74: {  	s1 =	ssub.s32 @!p0 $0x0, s1;
	[sflag:s0] =	ssyncset.done @!p0 $0x0  }
0x75: {  	[sflag:s0] =	ssyncadd.s32 @!p0 s1  }
0x76: {  	[bflag:$0x3] =	sbarrier.arrive $0xFFFF  }
0x77: {  	_ =	shalt  }

</sc_bundles>
